<compile_context>
chip_gen: v7x
topology: tpu7x:2x2x1
jax: 0.10.2.dev20260603
libtpu: 0.0.44.dev20260713+nightly
codegen_flags: <defaults>
</compile_context>

<pallas_src>
import functools
import jax
import jax.numpy as jnp
from jax import lax
from jax.experimental import pallas as pl
from jax.experimental.pallas import tpu as pltpu
from jax.experimental.pallas import tpu_sc as plsc

NC = 2
NS = 16
NW = NC * NS
LANES = 16



def _embed_body(nf_ref, wn_ref, bn_ref, wa_ref, ba_ref, hs_ref, p_ref):
    x = nf_ref[0]
    emb = wn_ref.shape[2]
    for h in range(wn_ref.shape[0]):
        hs = jnp.dot(x, wn_ref[h], preferred_element_type=jnp.float32)
        hs = hs + bn_ref[h][None, :]
        hs_ref[:, h * emb:(h + 1) * emb] = hs
        ps = jnp.dot(hs, wa_ref[h, :emb, :], preferred_element_type=jnp.float32)
        pd = jnp.dot(hs, wa_ref[h, emb:, :], preferred_element_type=jnp.float32)
        p_ref[:, h] = ps[:, 0] + ba_ref[h, 0]
        p_ref[:, 2 + h] = pd[:, 0]


def _embed(nf, W_node, b_node, W_att, b_att, n, heads, emb, d):
    R = 1000
    grid = n // R
    hs_cat, proj = pl.pallas_call(
        _embed_body,
        grid=(grid,),
        in_specs=[
            pl.BlockSpec((1, R, d), lambda i: (0, i, 0)),
            pl.BlockSpec((heads, d, emb), lambda i: (0, 0, 0)),
            pl.BlockSpec((heads, emb), lambda i: (0, 0)),
            pl.BlockSpec((heads, 2 * emb, 1), lambda i: (0, 0, 0)),
            pl.BlockSpec((heads, 1), lambda i: (0, 0)),
        ],
        out_specs=[
            pl.BlockSpec((R, heads * emb), lambda i: (i, 0)),
            pl.BlockSpec((R, 2 * heads), lambda i: (i, 0)),
        ],
        out_shape=[
            jax.ShapeDtypeStruct((n, heads * emb), jnp.float32),
            jax.ShapeDtypeStruct((n, 2 * heads), jnp.float32),
        ],
    )(nf, W_node, b_node, W_att, b_att)
    return hs_cat, proj



CHUNK = 64


def _make_scores_kernel(n, e_pad):
    ept = e_pad // NW
    ch = ept // CHUNK
    mesh = plsc.VectorSubcoreMesh(core_axis_name="c", subcore_axis_name="s")

    rows_per_sub = n // NS

    @functools.partial(
        pl.kernel, mesh=mesh,
        out_type=[
            jax.ShapeDtypeStruct((e_pad,), jnp.float32),
            jax.ShapeDtypeStruct((e_pad,), jnp.float32),
            jax.ShapeDtypeStruct((n,), jnp.float32),
            jax.ShapeDtypeStruct((n,), jnp.float32),
            jax.ShapeDtypeStruct((n,), jnp.float32),
            jax.ShapeDtypeStruct((n,), jnp.float32),
        ],
        scratch_types=[
            pltpu.VMEM((ch, CHUNK), jnp.int32),
            pltpu.VMEM((ch, CHUNK), jnp.int32),
            pltpu.VMEM((ept,), jnp.float32),
            pltpu.VMEM((ept,), jnp.float32),
            pltpu.VMEM((ept,), jnp.float32),
            pltpu.VMEM((CHUNK,), jnp.float32),
            pltpu.VMEM((CHUNK,), jnp.float32),
            pltpu.VMEM((CHUNK,), jnp.float32),
            pltpu.VMEM((CHUNK,), jnp.float32),
            pltpu.VMEM((CHUNK,), jnp.float32),
            pltpu.VMEM((CHUNK,), jnp.float32),
            pltpu.VMEM_SHARED((n,), jnp.float32),
            pltpu.VMEM_SHARED((n,), jnp.float32),
            pltpu.VMEM_SHARED((n,), jnp.float32),
            pltpu.VMEM_SHARED((n,), jnp.float32),
            pltpu.VMEM_SHARED((n,), jnp.float32),
            pltpu.VMEM_SHARED((n,), jnp.float32),
            pltpu.SemaphoreType.DMA,
        ],
    )
    def scores_kernel(src3d_hbm, dst3d_hbm, m_hbm,
                      a0_hbm, a1_hbm, b0_hbm, b1_hbm, zn_hbm,
                      sc0_hbm, sc1_hbm,
                      ps0c0_hbm, ps0c1_hbm, ps1c0_hbm, ps1c1_hbm,
                      src2_v, dst2_v, m_v, s0_v, s1_v,
                      ga0_v, gb0_v, ga1_v, gb1_v, x0_v, x1_v,
                      a0_sh, a1_sh, b0_sh, b1_sh, sum0_sh, sum1_sh, sem):
        cid = lax.axis_index("c")
        sid = lax.axis_index("s")
        wid = sid * NC + cid
        base = wid * ept
        pltpu.sync_copy(src3d_hbm.at[wid], src2_v)
        pltpu.sync_copy(dst3d_hbm.at[wid], dst2_v)
        pltpu.sync_copy(m_hbm.at[pl.ds(base, ept)], m_v)

        @pl.when(sid == 0)
        def _():
            pltpu.sync_copy(a0_hbm, a0_sh)

        @pl.when(sid == 1)
        def _():
            pltpu.sync_copy(a1_hbm, a1_sh)

        @pl.when(sid == 2)
        def _():
            pltpu.sync_copy(b0_hbm, b0_sh)

        @pl.when(sid == 3)
        def _():
            pltpu.sync_copy(b1_hbm, b1_sh)

        @pl.when(sid == 4)
        def _():
            pltpu.sync_copy(zn_hbm, sum0_sh)

        @pl.when(sid == 5)
        def _():
            pltpu.sync_copy(zn_hbm, sum1_sh)

        plsc.subcore_barrier()

        def step(r, carry):
            srow = src2_v.at[r]
            drow = dst2_v.at[r]
            c1 = pltpu.async_copy(a0_sh.at[srow], ga0_v, sem)
            c2 = pltpu.async_copy(b0_sh.at[drow], gb0_v, sem)
            c3 = pltpu.async_copy(a1_sh.at[srow], ga1_v, sem)
            c4 = pltpu.async_copy(b1_sh.at[drow], gb1_v, sem)
            c1.wait(); c2.wait(); c3.wait(); c4.wait()
            for k in range(CHUNK // LANES):
                sl = pl.ds(k * LANES, LANES)
                msl = pl.ds(r * CHUNK + k * LANES, LANES)
                m16 = m_v[msl]
                for (ga, gb, x_v, s_v) in ((ga0_v, gb0_v, x0_v, s0_v),
                                           (ga1_v, gb1_v, x1_v, s1_v)):
                    x = ga[sl] + gb[sl]
                    x = jnp.where(x >= 0.0, x, 0.2 * x)
                    x = jnp.maximum(jnp.minimum(x, 2.0), -2.0)
                    x = jnp.exp(x) * m16
                    x_v[sl] = x
                    s_v[msl] = x
            pltpu.sync_copy(x0_v, sum0_sh.at[srow], add=True)
            pltpu.sync_copy(x1_v, sum1_sh.at[srow], add=True)
            return carry
        lax.fori_loop(0, ch, step, 0)

        pltpu.sync_copy(s0_v, sc0_hbm.at[pl.ds(base, ept)])
        pltpu.sync_copy(s1_v, sc1_hbm.at[pl.ds(base, ept)])
        plsc.subcore_barrier()

        @pl.when(jnp.logical_and(sid == 0, cid == 0))
        def _():
            pltpu.sync_copy(sum0_sh, ps0c0_hbm)
            pltpu.sync_copy(sum1_sh, ps1c0_hbm)

        @pl.when(jnp.logical_and(sid == 0, cid == 1))
        def _():
            pltpu.sync_copy(sum0_sh, ps0c1_hbm)
            pltpu.sync_copy(sum1_sh, ps1c1_hbm)

    return scores_kernel



def _sumreduce_body(a_ref, b_ref, c_ref, d_ref, i0_ref, i1_ref):
    i0_ref[...] = 1.0 / (a_ref[...] + b_ref[...])
    i1_ref[...] = 1.0 / (c_ref[...] + d_ref[...])


def _sumreduce(ps0c0, ps0c1, ps1c0, ps1c1, n):
    return pl.pallas_call(
        _sumreduce_body,
        out_shape=[
            jax.ShapeDtypeStruct((n,), jnp.float32),
            jax.ShapeDtypeStruct((n,), jnp.float32),
        ],
    )(ps0c0, ps0c1, ps1c0, ps1c1)



def _make_agg_kernel(n, e_pad, dcat, emb):
    ept = e_pad // NW
    ch = ept // CHUNK
    rows_per_sub = n // NS
    mesh = plsc.VectorSubcoreMesh(core_axis_name="c", subcore_axis_name="s")

    @functools.partial(
        pl.kernel, mesh=mesh,
        out_type=[
            jax.ShapeDtypeStruct((n, dcat), jnp.float32),
            jax.ShapeDtypeStruct((n, dcat), jnp.float32),
        ],
        scratch_types=[
            pltpu.VMEM((ch, CHUNK), jnp.int32),
            pltpu.VMEM((ch, CHUNK), jnp.int32),
            pltpu.VMEM((ept,), jnp.float32),
            pltpu.VMEM((ept,), jnp.float32),
            pltpu.VMEM((ept,), jnp.float32),
            pltpu.VMEM((CHUNK,), jnp.float32),
            pltpu.VMEM((CHUNK,), jnp.float32),
            pltpu.VMEM((CHUNK, dcat), jnp.float32),
            pltpu.VMEM((CHUNK, dcat), jnp.float32),
            pltpu.VMEM_SHARED((n,), jnp.float32),
            pltpu.VMEM_SHARED((n,), jnp.float32),
            pltpu.VMEM_SHARED((n, dcat), jnp.float32),
            pltpu.SemaphoreType.DMA,
        ],
    )
    def agg_kernel(src3d_hbm, dst3d_hbm, keep_hbm, sc0_hbm, sc1_hbm,
                   inv0_hbm, inv1_hbm, hs_hbm, zeros_hbm,
                   out0_hbm, out1_hbm,
                   src2_v, dst2_v, keep_v, sc0_v, sc1_v,
                   gi0_v, gi1_v, rows_v, wrows_v,
                   inv0_sh, inv1_sh, acc_sh, sem):
        cid = lax.axis_index("c")
        sid = lax.axis_index("s")
        wid = sid * NC + cid
        base = wid * ept
        pltpu.sync_copy(src3d_hbm.at[wid], src2_v)
        pltpu.sync_copy(dst3d_hbm.at[wid], dst2_v)
        pltpu.sync_copy(keep_hbm.at[pl.ds(base, ept)], keep_v)
        pltpu.sync_copy(sc0_hbm.at[pl.ds(base, ept)], sc0_v)
        pltpu.sync_copy(sc1_hbm.at[pl.ds(base, ept)], sc1_v)

        @pl.when(sid == 0)
        def _():
            pltpu.sync_copy(inv0_hbm, inv0_sh)

        @pl.when(sid == 1)
        def _():
            pltpu.sync_copy(inv1_hbm, inv1_sh)

        @pl.when(sid >= 11)
        def _():
            zsl = pl.ds((sid - 11) * 2000, 2000)
            pltpu.sync_copy(zeros_hbm.at[zsl], acc_sh.at[zsl])

        plsc.subcore_barrier()

        def step(r, carry):
            srow = src2_v.at[r]
            drow = dst2_v.at[r]
            c1 = pltpu.async_copy(hs_hbm.at[drow], rows_v, sem)
            c2 = pltpu.async_copy(inv0_sh.at[srow], gi0_v, sem)
            c3 = pltpu.async_copy(inv1_sh.at[srow], gi1_v, sem)
            c2.wait(); c3.wait()
            c1.wait()
            for k in range(CHUNK // LANES):
                sl = pl.ds(k * LANES, LANES)
                esl = pl.ds(r * CHUNK + k * LANES, LANES)
                k16 = keep_v[esl]
                w0 = sc0_v[esl] * gi0_v[sl] * k16
                w1 = sc1_v[esl] * gi1_v[sl] * k16
                for j in range(LANES):
                    lane = lax.iota(jnp.int32, LANES)
                    oh = (lane == j).astype(jnp.float32)
                    w0j = jnp.sum(w0 * oh, axis=0)
                    w1j = jnp.sum(w1 * oh, axis=0)
                    row = k * LANES + j
                    for t in range(emb // LANES):
                        csl = pl.ds(t * LANES, LANES)
                        wrows_v[row, csl] = rows_v[row, csl] * w0j
                    for t in range(emb // LANES):
                        csl = pl.ds(emb + t * LANES, LANES)
                        wrows_v[row, csl] = rows_v[row, csl] * w1j
            pltpu.sync_copy(wrows_v, acc_sh.at[srow], add=True)
            return carry
        lax.fori_loop(0, ch, step, 0)

        plsc.subcore_barrier()

        @pl.when(jnp.logical_and(sid == 0, cid == 0))
        def _():
            pltpu.sync_copy(acc_sh, out0_hbm)

        @pl.when(jnp.logical_and(sid == 0, cid == 1))
        def _():
            pltpu.sync_copy(acc_sh, out1_hbm)

    return agg_kernel



def _combine_body(a_ref, b_ref, o_ref):
    o_ref[...] = a_ref[...] + b_ref[...]


def _combine(out0, out1, n, dcat):
    R = 1000
    return pl.pallas_call(
        _combine_body,
        grid=(n // R,),
        in_specs=[
            pl.BlockSpec((R, dcat), lambda i: (i, 0)),
            pl.BlockSpec((R, dcat), lambda i: (i, 0)),
        ],
        out_specs=pl.BlockSpec((R, dcat), lambda i: (i, 0)),
        out_shape=jax.ShapeDtypeStruct((n, dcat), jnp.float32),
    )(out0, out1)



def _escore_body(r0_ref, r1_ref, m_ref, s0_ref, s1_ref):
    m = m_ref[...]
    for (r_ref, s_ref) in ((r0_ref, s0_ref), (r1_ref, s1_ref)):
        x = r_ref[...]
        x = jnp.where(x >= 0.0, x, 0.2 * x)
        x = jnp.maximum(jnp.minimum(x, 2.0), -2.0)
        s_ref[...] = jnp.exp(x) * m

def _escore(raw0, raw1, smask):
    e = raw0.shape[0]
    return pl.pallas_call(
        _escore_body,
        out_shape=[jax.ShapeDtypeStruct((e,), jnp.float32),
                   jax.ShapeDtypeStruct((e,), jnp.float32)],
    )(raw0, raw1, smask)

def _wrows_body(w0_ref, w1_ref, rows_ref, o_ref, *, emb):
    o_ref[:, :emb] = rows_ref[:, :emb] * w0_ref[...][:, None]
    o_ref[:, emb:] = rows_ref[:, emb:] * w1_ref[...][:, None]

def _wrows(w0, w1, rows, emb):
    e, dcat = rows.shape
    R = NW * CHUNK
    return pl.pallas_call(
        functools.partial(_wrows_body, emb=emb),
        grid=(e // R,),
        in_specs=[
            pl.BlockSpec((R,), lambda i: (i,)),
            pl.BlockSpec((R,), lambda i: (i,)),
            pl.BlockSpec((R, dcat), lambda i: (i, 0)),
        ],
        out_specs=pl.BlockSpec((R, dcat), lambda i: (i, 0)),
        out_shape=jax.ShapeDtypeStruct((e, dcat), jnp.float32),
    )(w0, w1, rows)

def _winv_body(s0_ref, s1_ref, g0_ref, g1_ref, k_ref, w0_ref, w1_ref):
    k = k_ref[...]
    w0_ref[...] = s0_ref[...] * g0_ref[...] * k
    w1_ref[...] = s1_ref[...] * g1_ref[...] * k

def _winv(s0, s1, g0, g1, keep):
    e = s0.shape[0]
    return pl.pallas_call(
        _winv_body,
        out_shape=[jax.ShapeDtypeStruct((e,), jnp.float32),
                   jax.ShapeDtypeStruct((e,), jnp.float32)],
    )(s0, s1, g0, g1, keep)



def kernel(node_features, edges, W_node, b_node, W_att, b_att):
    n = node_features.shape[1]
    d = node_features.shape[2]
    e = edges.shape[0]
    heads = W_node.shape[0]
    emb = W_node.shape[2]
    dcat = heads * emb

    src = edges[:, 0].astype(jnp.int32)
    dst = edges[:, 1].astype(jnp.int32)

    key = src * n + dst
    eidx = jnp.arange(e, dtype=jnp.int32)
    first = jnp.full((n * n,), e, jnp.int32).at[key].min(eidx)
    keep = (jnp.take(first, key) == eidx).astype(jnp.float32)
    src_s = src
    dst_s = dst

    quant = NW * CHUNK
    e_pad = ((e + quant - 1) // quant) * quant
    pad = e_pad - e
    src_p = jnp.concatenate([src_s, jnp.zeros((pad,), jnp.int32)])
    dst_p = jnp.concatenate([dst_s, jnp.zeros((pad,), jnp.int32)])
    smask = jnp.concatenate([jnp.ones((e,), jnp.float32),
                             jnp.zeros((pad,), jnp.float32)])
    keep_p = jnp.concatenate([keep, jnp.zeros((pad,), jnp.float32)])
    src3d = src_p.reshape(NW, e_pad // (NW * CHUNK), CHUNK)
    dst3d = dst_p.reshape(NW, e_pad // (NW * CHUNK), CHUNK)

    hs_cat, proj = _embed(node_features, W_node, b_node, W_att, b_att,
                          n, heads, emb, d)
    a0 = proj[:, 0] + 0.0
    a1 = proj[:, 1] + 0.0
    b0 = proj[:, 2] + 0.0
    b1 = proj[:, 3] + 0.0
    raw0 = jnp.take(a0, src_p) + jnp.take(b0, dst_p)
    raw1 = jnp.take(a1, src_p) + jnp.take(b1, dst_p)
    sc0, sc1 = _escore(raw0, raw1, smask)
    sums0 = jax.ops.segment_sum(sc0, src_p, num_segments=n)
    sums1 = jax.ops.segment_sum(sc1, src_p, num_segments=n)
    inv0, inv1 = _sumreduce(sums0, jnp.zeros_like(sums0),
                            sums1, jnp.zeros_like(sums1), n)
    w0, w1 = _winv(sc0, sc1, jnp.take(inv0, src_p), jnp.take(inv1, src_p),
                   keep_p)
    rows = jnp.take(hs_cat, dst_p, axis=0)
    weighted = _wrows(w0, w1, rows, emb)
    out = jax.ops.segment_sum(weighted, src_p, num_segments=n)
    return out[None, :, :]

# --- scband reference (transcript-rebuilt; emitter-appended) ---
"""Pipeline reference for scband-multi-head-graph-attention-71184787964209 (READ-ONLY COPY).

The authoritative reference and input builder live on the scoring server;
editing this copy changes nothing except your own understanding.
"""

import jax, jax.numpy as jnp
import numpy as np

N = 10000
E = 160000
D_FEAT = 128
EMB = 64
HEADS = 2


def setup_inputs(seed: int = 0) -> dict:
    key = jax.random.key(seed)
    ks = jax.random.split(key, 8)
    node_features = jax.random.normal(ks[0], (1, N, D_FEAT), dtype=jnp.float32)
    # edges derived from the adjacency matrix in __init__; sorted by source node so
    # that the repeat-by-bincount normalization in the original code is well defined
    src = jnp.sort(jax.random.randint(ks[1], (E,), 0, N, dtype=jnp.int32))
    dst = jax.random.randint(ks[2], (E,), 0, N, dtype=jnp.int32)
    edges = jnp.stack([src, dst], axis=1)
    # per-head parameters: node_feature_MLP is a single Dense(D_FEAT->EMB) since
    # hidden_units_node=None; attention MLP is a single Dense(2*EMB->1, LeakyReLU(0.2))
    W_node = jax.random.normal(ks[3], (HEADS, D_FEAT, EMB), dtype=jnp.float32) * 0.05
    b_node = jnp.zeros((HEADS, EMB), dtype=jnp.float32)
    W_att = jax.random.normal(ks[4], (HEADS, 2 * EMB, 1), dtype=jnp.float32) * 0.05
    b_att = jnp.zeros((HEADS, 1), dtype=jnp.float32)
    return {"node_features": node_features, "edges": edges, "W_node": W_node,
            "b_node": b_node, "W_att": W_att, "b_att": b_att}


def _leaky_relu(x, alpha=0.2):
    return jnp.where(x >= 0, x, alpha * x)


def _forward(node_features, W_node, b_node, W_att, b_att, edges):
    src = edges[:, 0]
    dst = edges[:, 1]
    B = node_features.shape[0]
    n = node_features.shape[1]
    e = edges.shape[0]
    outs = []
    for h in range(W_node.shape[0]):
        # node_feature_MLP
        hs = jnp.matmul(node_features, W_node[h]) + b_node[h]  # [B, N, EMB]
        emb = hs.shape[-1]
        # gather endpoint states per edge: tf.gather(hs, edges, axis=1) -> [B, E, 2, EMB]
        gathered = jnp.take(hs, edges.reshape(-1), axis=1).reshape(B, e, 2 * emb)
        # attention MLP: Dense(1) with LeakyReLU(0.2)
        scores = jnp.squeeze(jnp.matmul(gathered, W_att[h]) + b_att[h], -1)  # [B, E]
        scores = _leaky_relu(scores, 0.2)
        scores = jnp.exp(jnp.clip(scores, -2.0, 2.0))
        # softmax denominator per source node (original uses scores[-1] / last batch elem)
        sums = jax.ops.segment_sum(scores[-1], src, num_segments=n)  # [N]
        # original: tf.repeat(sums, bincount(src)) — equivalent to sums[src] since src is sorted
        denom = jnp.take(sums, src)  # [E]
        norm = scores / denom[None, :]  # [B, E]
        # tensor_scatter_nd_update into dense A_tilde: edge positions overwritten by
        # normalized attention; non-edge entries are zero
        wadj = jnp.zeros((n, n), dtype=jnp.float32).at[src, dst].set(norm[-1])
        # dense matmul with the (mostly zero) weighted adjacency
        outs.append(jnp.matmul(wadj, hs))  # [B, N, EMB]
    # concat_heads=True, outer activation None
    return jnp.concatenate(outs, axis=-1)  # [B, N, HEADS*EMB]


def reference(node_features, edges, W_node, b_node, W_att, b_att):
    return _forward(node_features, W_node, b_node, W_att, b_att, edges)

if __name__ == "__main__":
    import jax
    _d = setup_inputs()
    print(jax.jit(kernel)(*tuple(_d.values())))

</pallas_src>

<mosaic_0001>
module attributes {stable_mosaic.version = 14 : i64} {
  func.func @_embed_body(%arg0: i32, %arg1: memref<1x1000x128xf32, #tpu.memory_space<vmem>>, %arg2: memref<2x128x64xf32, #tpu.memory_space<vmem>>, %arg3: memref<2x64xf32, #tpu.memory_space<vmem>>, %arg4: memref<2x128x1xf32, #tpu.memory_space<vmem>>, %arg5: memref<2x1xf32, #tpu.memory_space<vmem>>, %arg6: memref<1000x128xf32, #tpu.memory_space<vmem>>, %arg7: memref<1000x4xf32, #tpu.memory_space<vmem>>) attributes {dimension_semantics = [#tpu.dimension_semantics<arbitrary>], iteration_bounds = array<i64: 10>, scalar_prefetch = 0 : i64, scratch_operands = 0 : i64, tpu.core_type = #tpu.core_type<tc>, window_params = [{transform_indices = @transform_0, window_bounds = array<i64: 1, 1000, 128>}, {pipeline_mode = #tpu.pipeline_mode<synchronous>, transform_indices = @transform_1, window_bounds = array<i64: 2, 128, 64>}, {pipeline_mode = #tpu.pipeline_mode<synchronous>, transform_indices = @transform_2, window_bounds = array<i64: 2, 64>}, {pipeline_mode = #tpu.pipeline_mode<synchronous>, transform_indices = @transform_3, window_bounds = array<i64: 2, 128, 1>}, {pipeline_mode = #tpu.pipeline_mode<synchronous>, transform_indices = @transform_4, window_bounds = array<i64: 2, 1>}, {transform_indices = @transform_5, window_bounds = array<i64: 1000, 128>}, {transform_indices = @transform_6, window_bounds = array<i64: 1000, 4>}]} {
    %get3A = arith.constant 0 : index
    %get3A_0 = arith.constant 0 : index
    %get3A_1 = arith.constant 0 : index
    %get3A_2 = vector.load %arg1[%get3A, %get3A_0, %get3A_1] : memref<1x1000x128xf32, #tpu.memory_space<vmem>>, vector<1x1000x128xf32>
    %get3A_3 = vector.shape_cast %get3A_2 : vector<1x1000x128xf32> to vector<1000x128xf32>
    %get3A_4 = arith.constant 0 : index
    %get3A_5 = arith.constant 0 : index
    %get3A_6 = arith.constant 0 : index
    %get3A_7 = vector.load %arg2[%get3A_4, %get3A_5, %get3A_6] : memref<2x128x64xf32, #tpu.memory_space<vmem>>, vector<1x128x64xf32>
    %get3A_8 = vector.shape_cast %get3A_7 : vector<1x128x64xf32> to vector<128x64xf32>
    %dot_general3A = arith.constant dense<0.000000e+00> : vector<1000x64xf32>
    %dot_general3A_9 = tpu.matmul %get3A_3, %get3A_8, %dot_general3A {dimension_numbers = #tpu.dot_dimension_numbers<[1], [0], [0], [1], [0, 0, 1, 1], [], []>, transpose_lhs_hint = false} : vector<1000x128xf32>, vector<128x64xf32>, vector<1000x64xf32> -> vector<1000x64xf32>
    %get3A_10 = arith.constant 0 : index
    %get3A_11 = arith.constant 0 : index
    %get3A_12 = vector.load %arg3[%get3A_10, %get3A_11] : memref<2x64xf32, #tpu.memory_space<vmem>>, vector<1x64xf32>
    %get3A_13 = vector.shape_cast %get3A_12 : vector<1x64xf32> to vector<64xf32>
    %broadcast_in_dim3A = vector.shape_cast %get3A_13 : vector<64xf32> to vector<1x64xf32>
    %add3A = vector.broadcast %broadcast_in_dim3A : vector<1x64xf32> to vector<1000x64xf32>
    %add3A_14 = arith.addf %dot_general3A_9, %add3A : vector<1000x64xf32>
    %swap3A = arith.constant 0 : index
    %swap3A_15 = arith.constant 0 : index
    %swap3A_16 = vector.load %arg6[%swap3A, %swap3A_15] : memref<1000x128xf32, #tpu.memory_space<vmem>>, vector<1000x64xf32>
    tpu.vector_store %arg6[%swap3A, %swap3A_15], %add3A_14 {strides = array<i32>} : memref<1000x128xf32, #tpu.memory_space<vmem>>, vector<1000x64xf32>,
    %get3A_17 = arith.constant 0 : index
    %get3A_18 = arith.constant 0 : index
    %get3A_19 = arith.constant 0 : index
    %get3A_20 = vector.load %arg4[%get3A_17, %get3A_18, %get3A_19] : memref<2x128x1xf32, #tpu.memory_space<vmem>>, vector<1x64x1xf32>
    %get3A_21 = vector.shape_cast %get3A_20 : vector<1x64x1xf32> to vector<64x1xf32>
    %dot_general3A_22 = arith.constant dense<0.000000e+00> : vector<1000x1xf32>
    %dot_general3A_23 = tpu.matmul %add3A_14, %get3A_21, %dot_general3A_22 {dimension_numbers = #tpu.dot_dimension_numbers<[1], [0], [0], [1], [0, 0, 1, 1], [], []>, transpose_lhs_hint = false} : vector<1000x64xf32>, vector<64x1xf32>, vector<1000x1xf32> -> vector<1000x1xf32>
    %get3A_24 = arith.constant 0 : index
    %get3A_25 = arith.constant 64 : index
    %get3A_26 = arith.constant 0 : index
    %get3A_27 = vector.load %arg4[%get3A_24, %get3A_25, %get3A_26] : memref<2x128x1xf32, #tpu.memory_space<vmem>>, vector<1x64x1xf32>
    %get3A_28 = vector.shape_cast %get3A_27 : vector<1x64x1xf32> to vector<64x1xf32>
    %dot_general3A_29 = arith.constant dense<0.000000e+00> : vector<1000x1xf32>
    %dot_general3A_30 = tpu.matmul %add3A_14, %get3A_28, %dot_general3A_29 {dimension_numbers = #tpu.dot_dimension_numbers<[1], [0], [0], [1], [0, 0, 1, 1], [], []>, transpose_lhs_hint = false} : vector<1000x64xf32>, vector<64x1xf32>, vector<1000x1xf32> -> vector<1000x1xf32>
    %squeeze3A = vector.shape_cast %dot_general3A_23 : vector<1000x1xf32> to vector<1000xf32>
    %get3A_31 = arith.constant 0 : index
    %get3A_32 = arith.constant 0 : index
    %get3A_33 = vector.load %arg5[%get3A_31, %get3A_32] : memref<2x1xf32, #tpu.memory_space<vmem>>, vector<1x1xf32>
    %get3A_34 = vector.extract %get3A_33[0, 0] : f32 from vector<1x1xf32>
    %add3A_35 = vector.broadcast %get3A_34 : f32 to vector<1000xf32>
    %add3A_36 = arith.addf %squeeze3A, %add3A_35 : vector<1000xf32>
    %swap3A_37 = arith.constant 0 : index
    %swap3A_38 = arith.constant 0 : index
    %swap3A_39 = vector.load %arg7[%swap3A_37, %swap3A_38] : memref<1000x4xf32, #tpu.memory_space<vmem>>, vector<1000x1xf32>
    %swap3A_40 = vector.shape_cast %swap3A_39 : vector<1000x1xf32> to vector<1000xf32>
    %swap3A_41 = vector.shape_cast %add3A_36 : vector<1000xf32> to vector<1000x1xf32>
    tpu.vector_store %arg7[%swap3A_37, %swap3A_38], %swap3A_41 {strides = array<i32>} : memref<1000x4xf32, #tpu.memory_space<vmem>>, vector<1000x1xf32>,
    %squeeze3A_42 = vector.shape_cast %dot_general3A_30 : vector<1000x1xf32> to vector<1000xf32>
    %swap3A_43 = arith.constant 0 : index
    %swap3A_44 = arith.constant 2 : index
    %swap3A_45 = vector.load %arg7[%swap3A_43, %swap3A_44] : memref<1000x4xf32, #tpu.memory_space<vmem>>, vector<1000x1xf32>
    %swap3A_46 = vector.shape_cast %swap3A_45 : vector<1000x1xf32> to vector<1000xf32>
    %swap3A_47 = vector.shape_cast %squeeze3A_42 : vector<1000xf32> to vector<1000x1xf32>
    tpu.vector_store %arg7[%swap3A_43, %swap3A_44], %swap3A_47 {strides = array<i32>} : memref<1000x4xf32, #tpu.memory_space<vmem>>, vector<1000x1xf32>,
    %get3A_48 = arith.constant 1 : index
    %get3A_49 = arith.constant 0 : index
    %get3A_50 = arith.constant 0 : index
    %get3A_51 = vector.load %arg2[%get3A_48, %get3A_49, %get3A_50] : memref<2x128x64xf32, #tpu.memory_space<vmem>>, vector<1x128x64xf32>
    %get3A_52 = vector.shape_cast %get3A_51 : vector<1x128x64xf32> to vector<128x64xf32>
    %dot_general3A_53 = arith.constant dense<0.000000e+00> : vector<1000x64xf32>
    %dot_general3A_54 = tpu.matmul %get3A_3, %get3A_52, %dot_general3A_53 {dimension_numbers = #tpu.dot_dimension_numbers<[1], [0], [0], [1], [0, 0, 1, 1], [], []>, transpose_lhs_hint = false} : vector<1000x128xf32>, vector<128x64xf32>, vector<1000x64xf32> -> vector<1000x64xf32>
    %get3A_55 = arith.constant 1 : index
    %get3A_56 = arith.constant 0 : index
    %get3A_57 = vector.load %arg3[%get3A_55, %get3A_56] : memref<2x64xf32, #tpu.memory_space<vmem>>, vector<1x64xf32>
    %get3A_58 = vector.shape_cast %get3A_57 : vector<1x64xf32> to vector<64xf32>
    %broadcast_in_dim3A_59 = vector.shape_cast %get3A_58 : vector<64xf32> to vector<1x64xf32>
    %add3A_60 = vector.broadcast %broadcast_in_dim3A_59 : vector<1x64xf32> to vector<1000x64xf32>
    %add3A_61 = arith.addf %dot_general3A_54, %add3A_60 : vector<1000x64xf32>
    %swap3A_62 = arith.constant 0 : index
    %swap3A_63 = arith.constant 64 : index
    %swap3A_64 = vector.load %arg6[%swap3A_62, %swap3A_63] : memref<1000x128xf32, #tpu.memory_space<vmem>>, vector<1000x64xf32>
    tpu.vector_store %arg6[%swap3A_62, %swap3A_63], %add3A_61 {strides = array<i32>} : memref<1000x128xf32, #tpu.memory_space<vmem>>, vector<1000x64xf32>,
    %get3A_65 = arith.constant 1 : index
    %get3A_66 = arith.constant 0 : index
    %get3A_67 = arith.constant 0 : index
    %get3A_68 = vector.load %arg4[%get3A_65, %get3A_66, %get3A_67] : memref<2x128x1xf32, #tpu.memory_space<vmem>>, vector<1x64x1xf32>
    %get3A_69 = vector.shape_cast %get3A_68 : vector<1x64x1xf32> to vector<64x1xf32>
    %dot_general3A_70 = arith.constant dense<0.000000e+00> : vector<1000x1xf32>
    %dot_general3A_71 = tpu.matmul %add3A_61, %get3A_69, %dot_general3A_70 {dimension_numbers = #tpu.dot_dimension_numbers<[1], [0], [0], [1], [0, 0, 1, 1], [], []>, transpose_lhs_hint = false} : vector<1000x64xf32>, vector<64x1xf32>, vector<1000x1xf32> -> vector<1000x1xf32>
    %get3A_72 = arith.constant 1 : index
    %get3A_73 = arith.constant 64 : index
    %get3A_74 = arith.constant 0 : index
    %get3A_75 = vector.load %arg4[%get3A_72, %get3A_73, %get3A_74] : memref<2x128x1xf32, #tpu.memory_space<vmem>>, vector<1x64x1xf32>
    %get3A_76 = vector.shape_cast %get3A_75 : vector<1x64x1xf32> to vector<64x1xf32>
    %dot_general3A_77 = arith.constant dense<0.000000e+00> : vector<1000x1xf32>
    %dot_general3A_78 = tpu.matmul %add3A_61, %get3A_76, %dot_general3A_77 {dimension_numbers = #tpu.dot_dimension_numbers<[1], [0], [0], [1], [0, 0, 1, 1], [], []>, transpose_lhs_hint = false} : vector<1000x64xf32>, vector<64x1xf32>, vector<1000x1xf32> -> vector<1000x1xf32>
    %squeeze3A_79 = vector.shape_cast %dot_general3A_71 : vector<1000x1xf32> to vector<1000xf32>
    %get3A_80 = arith.constant 1 : index
    %get3A_81 = arith.constant 0 : index
    %get3A_82 = vector.load %arg5[%get3A_80, %get3A_81] : memref<2x1xf32, #tpu.memory_space<vmem>>, vector<1x1xf32>
    %get3A_83 = vector.extract %get3A_82[0, 0] : f32 from vector<1x1xf32>
    %add3A_84 = vector.broadcast %get3A_83 : f32 to vector<1000xf32>
    %add3A_85 = arith.addf %squeeze3A_79, %add3A_84 : vector<1000xf32>
    %swap3A_86 = arith.constant 0 : index
    %swap3A_87 = arith.constant 1 : index
    %swap3A_88 = vector.load %arg7[%swap3A_86, %swap3A_87] : memref<1000x4xf32, #tpu.memory_space<vmem>>, vector<1000x1xf32>
    %swap3A_89 = vector.shape_cast %swap3A_88 : vector<1000x1xf32> to vector<1000xf32>
    %swap3A_90 = vector.shape_cast %add3A_85 : vector<1000xf32> to vector<1000x1xf32>
    tpu.vector_store %arg7[%swap3A_86, %swap3A_87], %swap3A_90 {strides = array<i32>} : memref<1000x4xf32, #tpu.memory_space<vmem>>, vector<1000x1xf32>,
    %squeeze3A_91 = vector.shape_cast %dot_general3A_78 : vector<1000x1xf32> to vector<1000xf32>
    %swap3A_92 = arith.constant 0 : index
    %swap3A_93 = arith.constant 3 : index
    %swap3A_94 = vector.load %arg7[%swap3A_92, %swap3A_93] : memref<1000x4xf32, #tpu.memory_space<vmem>>, vector<1000x1xf32>
    %swap3A_95 = vector.shape_cast %swap3A_94 : vector<1000x1xf32> to vector<1000xf32>
    %swap3A_96 = vector.shape_cast %squeeze3A_91 : vector<1000xf32> to vector<1000x1xf32>
    tpu.vector_store %arg7[%swap3A_92, %swap3A_93], %swap3A_96 {strides = array<i32>} : memref<1000x4xf32, #tpu.memory_space<vmem>>, vector<1000x1xf32>,
    return
  }
  func.func @transform_0(%arg0: i32) -> (i32, i32, i32) {
    %c0_i32 = arith.constant 0 : i32
    %c0_i32_0 = arith.constant 0 : i32
    %c0_i32_1 = arith.constant 0 : i32
    return %c0_i32, %arg0, %c0_i32_0 : i32, i32, i32
  }
  func.func @transform_1(%arg0: i32) -> (i32, i32, i32) {
    %c0_i32 = arith.constant 0 : i32
    %c0_i32_0 = arith.constant 0 : i32
    %c0_i32_1 = arith.constant 0 : i32
    %c0_i32_2 = arith.constant 0 : i32
    return %c0_i32, %c0_i32_0, %c0_i32_1 : i32, i32, i32
  }
  func.func @transform_2(%arg0: i32) -> (i32, i32) {
    %c0_i32 = arith.constant 0 : i32
    %c0_i32_0 = arith.constant 0 : i32
    %c0_i32_1 = arith.constant 0 : i32
    return %c0_i32, %c0_i32_0 : i32, i32
  }
  func.func @transform_3(%arg0: i32) -> (i32, i32, i32) {
    %c0_i32 = arith.constant 0 : i32
    %c0_i32_0 = arith.constant 0 : i32
    %c0_i32_1 = arith.constant 0 : i32
    %c0_i32_2 = arith.constant 0 : i32
    return %c0_i32, %c0_i32_0, %c0_i32_1 : i32, i32, i32
  }
  func.func @transform_4(%arg0: i32) -> (i32, i32) {
    %c0_i32 = arith.constant 0 : i32
    %c0_i32_0 = arith.constant 0 : i32
    %c0_i32_1 = arith.constant 0 : i32
    return %c0_i32, %c0_i32_0 : i32, i32
  }
  func.func @transform_5(%arg0: i32) -> (i32, i32) {
    %c0_i32 = arith.constant 0 : i32
    %c0_i32_0 = arith.constant 0 : i32
    return %arg0, %c0_i32 : i32, i32
  }
  func.func @transform_6(%arg0: i32) -> (i32, i32) {
    %c0_i32 = arith.constant 0 : i32
    %c0_i32_0 = arith.constant 0 : i32
    return %arg0, %c0_i32 : i32, i32
  }
}

module attributes {stable_mosaic.version = 14 : i64} {
  func.func @_escore_body(%arg0: memref<161792xf32, #tpu.memory_space<vmem>>, %arg1: memref<161792xf32, #tpu.memory_space<vmem>>, %arg2: memref<161792xf32, #tpu.memory_space<vmem>>, %arg3: memref<161792xf32, #tpu.memory_space<vmem>>, %arg4: memref<161792xf32, #tpu.memory_space<vmem>>) attributes {dimension_semantics = [], scalar_prefetch = 0 : i64, scratch_operands = 0 : i64, tpu.core_type = #tpu.core_type<tc>} {
    %get3A = arith.constant 0 : index
    %get3A_0 = vector.load %arg2[%get3A] : memref<161792xf32, #tpu.memory_space<vmem>>, vector<161792xf32>
    %get3A_1 = arith.constant 0 : index
    %get3A_2 = vector.load %arg0[%get3A_1] : memref<161792xf32, #tpu.memory_space<vmem>>, vector<161792xf32>
    %ge3A = arith.constant 0.000000e+00 : f32
    %ge3A_3 = vector.broadcast %ge3A : f32 to vector<161792xf32>
    %ge3A_4 = arith.cmpf oge, %get3A_2, %ge3A_3 : vector<161792xf32>
    %mul3A = arith.constant 2.000000e-01 : f32
    %mul3A_5 = vector.broadcast %mul3A : f32 to vector<161792xf32>
    %mul3A_6 = arith.mulf %mul3A_5, %get3A_2 : vector<161792xf32>
    %select_n3A = arith.select %ge3A_4, %get3A_2, %mul3A_6 : vector<161792xi1>, vector<161792xf32>
    %min3A = arith.constant 2.000000e+00 : f32
    %min3A_7 = vector.broadcast %min3A : f32 to vector<161792xf32>
    %min3A_8 = arith.minimumf %select_n3A, %min3A_7 : vector<161792xf32>
    %max3A = arith.constant -2.000000e+00 : f32
    %max3A_9 = vector.broadcast %max3A : f32 to vector<161792xf32>
    %max3A_10 = arith.maximumf %min3A_8, %max3A_9 : vector<161792xf32>
    %exp3A = math.exp %max3A_10 : vector<161792xf32>
    %mul3A_11 = arith.mulf %exp3A, %get3A_0 : vector<161792xf32>
    %swap3A = arith.constant 0 : index
    %swap3A_12 = vector.load %arg3[%swap3A] : memref<161792xf32, #tpu.memory_space<vmem>>, vector<161792xf32>
    tpu.vector_store %arg3[%swap3A], %mul3A_11 {strides = array<i32>} : memref<161792xf32, #tpu.memory_space<vmem>>, vector<161792xf32>,
    %get3A_13 = arith.constant 0 : index
    %get3A_14 = vector.load %arg1[%get3A_13] : memref<161792xf32, #tpu.memory_space<vmem>>, vector<161792xf32>
    %ge3A_15 = arith.constant 0.000000e+00 : f32
    %ge3A_16 = vector.broadcast %ge3A_15 : f32 to vector<161792xf32>
    %ge3A_17 = arith.cmpf oge, %get3A_14, %ge3A_16 : vector<161792xf32>
    %mul3A_18 = arith.constant 2.000000e-01 : f32
    %mul3A_19 = vector.broadcast %mul3A_18 : f32 to vector<161792xf32>
    %mul3A_20 = arith.mulf %mul3A_19, %get3A_14 : vector<161792xf32>
    %select_n3A_21 = arith.select %ge3A_17, %get3A_14, %mul3A_20 : vector<161792xi1>, vector<161792xf32>
    %min3A_22 = arith.constant 2.000000e+00 : f32
    %min3A_23 = vector.broadcast %min3A_22 : f32 to vector<161792xf32>
    %min3A_24 = arith.minimumf %select_n3A_21, %min3A_23 : vector<161792xf32>
    %max3A_25 = arith.constant -2.000000e+00 : f32
    %max3A_26 = vector.broadcast %max3A_25 : f32 to vector<161792xf32>
    %max3A_27 = arith.maximumf %min3A_24, %max3A_26 : vector<161792xf32>
    %exp3A_28 = math.exp %max3A_27 : vector<161792xf32>
    %mul3A_29 = arith.mulf %exp3A_28, %get3A_0 : vector<161792xf32>
    %swap3A_30 = arith.constant 0 : index
    %swap3A_31 = vector.load %arg4[%swap3A_30] : memref<161792xf32, #tpu.memory_space<vmem>>, vector<161792xf32>
    tpu.vector_store %arg4[%swap3A_30], %mul3A_29 {strides = array<i32>} : memref<161792xf32, #tpu.memory_space<vmem>>, vector<161792xf32>,
    return
  }
}

module attributes {stable_mosaic.version = 14 : i64} {
  func.func @_sumreduce_body(%arg0: memref<10000xf32, #tpu.memory_space<vmem>>, %arg1: memref<10000xf32, #tpu.memory_space<vmem>>, %arg2: memref<10000xf32, #tpu.memory_space<vmem>>, %arg3: memref<10000xf32, #tpu.memory_space<vmem>>, %arg4: memref<10000xf32, #tpu.memory_space<vmem>>, %arg5: memref<10000xf32, #tpu.memory_space<vmem>>) attributes {dimension_semantics = [], scalar_prefetch = 0 : i64, scratch_operands = 0 : i64, tpu.core_type = #tpu.core_type<tc>} {
    %get3A = arith.constant 0 : index
    %get3A_0 = vector.load %arg0[%get3A] : memref<10000xf32, #tpu.memory_space<vmem>>, vector<10000xf32>
    %get3A_1 = arith.constant 0 : index
    %get3A_2 = vector.load %arg1[%get3A_1] : memref<10000xf32, #tpu.memory_space<vmem>>, vector<10000xf32>
    %add3A = arith.addf %get3A_0, %get3A_2 : vector<10000xf32>
    %div3A = arith.constant 1.000000e+00 : f32
    %div3A_3 = vector.broadcast %div3A : f32 to vector<10000xf32>
    %div3A_4 = arith.divf %div3A_3, %add3A : vector<10000xf32>
    %swap3A = arith.constant 0 : index
    %swap3A_5 = vector.load %arg4[%swap3A] : memref<10000xf32, #tpu.memory_space<vmem>>, vector<10000xf32>
    tpu.vector_store %arg4[%swap3A], %div3A_4 {strides = array<i32>} : memref<10000xf32, #tpu.memory_space<vmem>>, vector<10000xf32>,
    %get3A_6 = arith.constant 0 : index
    %get3A_7 = vector.load %arg2[%get3A_6] : memref<10000xf32, #tpu.memory_space<vmem>>, vector<10000xf32>
    %get3A_8 = arith.constant 0 : index
    %get3A_9 = vector.load %arg3[%get3A_8] : memref<10000xf32, #tpu.memory_space<vmem>>, vector<10000xf32>
    %add3A_10 = arith.addf %get3A_7, %get3A_9 : vector<10000xf32>
    %div3A_11 = arith.constant 1.000000e+00 : f32
    %div3A_12 = vector.broadcast %div3A_11 : f32 to vector<10000xf32>
    %div3A_13 = arith.divf %div3A_12, %add3A_10 : vector<10000xf32>
    %swap3A_14 = arith.constant 0 : index
    %swap3A_15 = vector.load %arg5[%swap3A_14] : memref<10000xf32, #tpu.memory_space<vmem>>, vector<10000xf32>
    tpu.vector_store %arg5[%swap3A_14], %div3A_13 {strides = array<i32>} : memref<10000xf32, #tpu.memory_space<vmem>>, vector<10000xf32>,
    return
  }
}

module attributes {stable_mosaic.version = 14 : i64} {
  func.func @_winv_body(%arg0: memref<161792xf32, #tpu.memory_space<vmem>>, %arg1: memref<161792xf32, #tpu.memory_space<vmem>>, %arg2: memref<161792xf32, #tpu.memory_space<vmem>>, %arg3: memref<161792xf32, #tpu.memory_space<vmem>>, %arg4: memref<161792xf32, #tpu.memory_space<vmem>>, %arg5: memref<161792xf32, #tpu.memory_space<vmem>>, %arg6: memref<161792xf32, #tpu.memory_space<vmem>>) attributes {dimension_semantics = [], scalar_prefetch = 0 : i64, scratch_operands = 0 : i64, tpu.core_type = #tpu.core_type<tc>} {
    %get3A = arith.constant 0 : index
    %get3A_0 = vector.load %arg4[%get3A] : memref<161792xf32, #tpu.memory_space<vmem>>, vector<161792xf32>
    %get3A_1 = arith.constant 0 : index
    %get3A_2 = vector.load %arg0[%get3A_1] : memref<161792xf32, #tpu.memory_space<vmem>>, vector<161792xf32>
    %get3A_3 = arith.constant 0 : index
    %get3A_4 = vector.load %arg2[%get3A_3] : memref<161792xf32, #tpu.memory_space<vmem>>, vector<161792xf32>
    %mul3A = arith.mulf %get3A_2, %get3A_4 : vector<161792xf32>
    %mul3A_5 = arith.mulf %mul3A, %get3A_0 : vector<161792xf32>
    %swap3A = arith.constant 0 : index
    %swap3A_6 = vector.load %arg5[%swap3A] : memref<161792xf32, #tpu.memory_space<vmem>>, vector<161792xf32>
    tpu.vector_store %arg5[%swap3A], %mul3A_5 {strides = array<i32>} : memref<161792xf32, #tpu.memory_space<vmem>>, vector<161792xf32>,
    %get3A_7 = arith.constant 0 : index
    %get3A_8 = vector.load %arg1[%get3A_7] : memref<161792xf32, #tpu.memory_space<vmem>>, vector<161792xf32>
    %get3A_9 = arith.constant 0 : index
    %get3A_10 = vector.load %arg3[%get3A_9] : memref<161792xf32, #tpu.memory_space<vmem>>, vector<161792xf32>
    %mul3A_11 = arith.mulf %get3A_8, %get3A_10 : vector<161792xf32>
    %mul3A_12 = arith.mulf %mul3A_11, %get3A_0 : vector<161792xf32>
    %swap3A_13 = arith.constant 0 : index
    %swap3A_14 = vector.load %arg6[%swap3A_13] : memref<161792xf32, #tpu.memory_space<vmem>>, vector<161792xf32>
    tpu.vector_store %arg6[%swap3A_13], %mul3A_12 {strides = array<i32>} : memref<161792xf32, #tpu.memory_space<vmem>>, vector<161792xf32>,
    return
  }
}

module attributes {stable_mosaic.version = 14 : i64} {
  func.func @_wrows_body(%arg0: i32, %arg1: memref<2048xf32, #tpu.memory_space<vmem>>, %arg2: memref<2048xf32, #tpu.memory_space<vmem>>, %arg3: memref<2048x128xf32, #tpu.memory_space<vmem>>, %arg4: memref<2048x128xf32, #tpu.memory_space<vmem>>) attributes {dimension_semantics = [#tpu.dimension_semantics<arbitrary>], iteration_bounds = array<i64: 79>, scalar_prefetch = 0 : i64, scratch_operands = 0 : i64, tpu.core_type = #tpu.core_type<tc>, window_params = [{transform_indices = @transform_0, window_bounds = array<i64: 2048>}, {transform_indices = @transform_1, window_bounds = array<i64: 2048>}, {transform_indices = @transform_2, window_bounds = array<i64: 2048, 128>}, {transform_indices = @transform_3, window_bounds = array<i64: 2048, 128>}]} {
    %get3A = arith.constant 0 : index
    %get3A_0 = arith.constant 0 : index
    %get3A_1 = vector.load %arg3[%get3A, %get3A_0] : memref<2048x128xf32, #tpu.memory_space<vmem>>, vector<2048x64xf32>
    %get3A_2 = arith.constant 0 : index
    %get3A_3 = vector.load %arg1[%get3A_2] : memref<2048xf32, #tpu.memory_space<vmem>>, vector<2048xf32>
    %broadcast_in_dim3A = vector.shape_cast %get3A_3 : vector<2048xf32> to vector<2048x1xf32>
    %mul3A = vector.broadcast %broadcast_in_dim3A : vector<2048x1xf32> to vector<2048x64xf32>
    %mul3A_4 = arith.mulf %get3A_1, %mul3A : vector<2048x64xf32>
    %swap3A = arith.constant 0 : index
    %swap3A_5 = arith.constant 0 : index
    %swap3A_6 = vector.load %arg4[%swap3A, %swap3A_5] : memref<2048x128xf32, #tpu.memory_space<vmem>>, vector<2048x64xf32>
    tpu.vector_store %arg4[%swap3A, %swap3A_5], %mul3A_4 {strides = array<i32>} : memref<2048x128xf32, #tpu.memory_space<vmem>>, vector<2048x64xf32>,
    %get3A_7 = arith.constant 0 : index
    %get3A_8 = arith.constant 64 : index
    %get3A_9 = vector.load %arg3[%get3A_7, %get3A_8] : memref<2048x128xf32, #tpu.memory_space<vmem>>, vector<2048x64xf32>
    %get3A_10 = arith.constant 0 : index
    %get3A_11 = vector.load %arg2[%get3A_10] : memref<2048xf32, #tpu.memory_space<vmem>>, vector<2048xf32>
    %broadcast_in_dim3A_12 = vector.shape_cast %get3A_11 : vector<2048xf32> to vector<2048x1xf32>
    %mul3A_13 = vector.broadcast %broadcast_in_dim3A_12 : vector<2048x1xf32> to vector<2048x64xf32>
    %mul3A_14 = arith.mulf %get3A_9, %mul3A_13 : vector<2048x64xf32>
    %swap3A_15 = arith.constant 0 : index
    %swap3A_16 = arith.constant 64 : index
    %swap3A_17 = vector.load %arg4[%swap3A_15, %swap3A_16] : memref<2048x128xf32, #tpu.memory_space<vmem>>, vector<2048x64xf32>
    tpu.vector_store %arg4[%swap3A_15, %swap3A_16], %mul3A_14 {strides = array<i32>} : memref<2048x128xf32, #tpu.memory_space<vmem>>, vector<2048x64xf32>,
    return
  }
  func.func @transform_0(%arg0: i32) -> i32 {
    %c0_i32 = arith.constant 0 : i32
    return %arg0 : i32
  }
  func.func @transform_1(%arg0: i32) -> i32 {
    %c0_i32 = arith.constant 0 : i32
    return %arg0 : i32
  }
  func.func @transform_2(%arg0: i32) -> (i32, i32) {
    %c0_i32 = arith.constant 0 : i32
    %c0_i32_0 = arith.constant 0 : i32
    return %arg0, %c0_i32 : i32, i32
  }
  func.func @transform_3(%arg0: i32) -> (i32, i32) {
    %c0_i32 = arith.constant 0 : i32
    %c0_i32_0 = arith.constant 0 : i32
    return %arg0, %c0_i32 : i32, i32
  }
}

</mosaic_0001>

<sc_bundles>
// kernel: gather_offload_async_start
scs
__scs_entry_jumppad:
0x0: {  	(pc) =	sbr.rel $0x88, $3  }
0x1: {  	(tag) =	ssettag $0x0;
	lr =	simm.s32 $0x1  }
0x2: {  	[smem:$0x3F9B] =	sst lr;
	_ =	strace $0xD0000000  }
0x3: {  	_ = 	snop  }
0x4: {  	_ = 	snop  }
0x5: {  	_ = 	snop  }
0x6: {  	_ = 	snop  }
0x7: {  	_ = 	snop  }
__scs_overlays_trampoline_lowered:
0x8: {  	[smem:$0x3FAA] =	sst s0  }
0x9: {  	[smem:$0x3FAB] =	sst s1  }
0xa: {  	[smem:$0x3FAC] =	sst s2  }
0xb: {  	[smem:$0x3FAD] =	sst s3  }
0xc: {  	[smem:$0x3FAE] =	sst s4  }
0xd: {  	[smem:$0x3FAF] =	sst s5  }
0xe: {  	[smem:$0x3FB0] =	sst s6  }
0xf: {  	[smem:$0x3FB1] =	sst s7  }
0x10: {  	[smem:$0x3FB2] =	sst s8  }
0x11: {  	[smem:$0x3FB3] =	sst s9;
	s0 =	simm.s32 @!p0 $0x0  }
0x12: {  	s1 =	sld [smem:$0x3F99];
	s0 =	simm.s32 @p0 $0x1  }
0x13: {  	[smem:$0x3FB4] =	sst s0;
	s0 =	simm.s32 @!p1 $0x0  }
0x14: {  	s2 =	sld [smem:$0x3F98];
	s0 =	simm.s32 @p1 $0x1  }
0x15: {  	[smem:$0x3FB5] =	sst s0;
	s0 =	simm.s32 @!p2 $0x0  }
0x16: {  	s3 =	sld [smem:$0x3FDB];
	s0 =	simm.s32 @p2 $0x1  }
0x17: {  	s4 =	simm.s32 $0x1BF5;
	[smem:$0x3FB7] =	sst s0  }
0x18: {  	s0 =	sld [smem:$0x3F9A];
	_ =	swait.ge [sflag:s4], $0x0  }
0x19: {  	s7 =	sld [smem:$0x3F9B]  }
0x1a: {  	s8 =	sadd.s32 $0xFFFFE003, lr  }
0x1b: {  	s9 =	sadd.s32 $0xFFFFFEF7, lr;
	s5 =	simm.s32 $0xFFFFFFFF;
	p2 =	slt.u32 s8, $0xFFFFF086  }
0x1c: {  	p1 =	slt.u32 s9, $0xF7A;
	s5 =	simm.s32 @!p2 $0x0  }
0x1d: {  	s5 =	simm.s32 @p1 $0x1;
	p0 =	seq.s32 s7, s2  }
0x1e: {  	s7 =	smul.u32 @!p0 $0xF7A, s2;
	p2 =	seq.s32 @!p0 s5, $0x0  }
0x1f: {  	s9 =	smul.u32 $0xF7A, s1;
	s8 =	simm.s32 @!p0 $0x1BF5;
	p2 =	por !p2, p0  }
0x20: {  	[sflag:s8] =	ssyncset.s32 @!p0 $0xFFFFF086;
	s6 =	sadd.s32 @!p0 s3, s7;
	s7 =	simm.s32 @!p0 $0x108  }
0x21: {  	s3 =	sadd.s32 s3, s9;
	s6 =	sadd.s32 @!p0 $0x88, s6;
	s7 =	simm.s32 @p2 $0x1082  }
0x22: {  	[simem:s7], [sflag:s8] =	dma.local @!p0 [hbm:s6], $0xF7A  }
0x23: {  	s9 =	sor.u32 $0xD0000000, s2;
	s6 =	simm.s32 $0x108;
	_ =	swait.ge @!p0 [sflag:s8], $0x0  }
0x24: {  	s3 =	sadd.s32 $0x88, s3;
	s6 =	simm.s32 @!p1 $0x1082;
	[sflag:s4] =	ssyncset.s32 $0xFFFFF086  }
0x25: {  	[simem:s6], [sflag:s4] =	dma.local [hbm:s3], $0xF7A  }
0x26: {  	[smem:$0x3F9B] =	sst s1;
	(tag) =	ssettag s2;
	_ =	strace s9  }
0x27: {  	s1 =	sld [smem:$0x3FAB]  }
0x28: {  	s2 =	sld [smem:$0x3FAC]  }
0x29: {  	s4 =	sld [smem:$0x3FAE]  }
0x2a: {  	p0 =	seq.s32 s5, $0x0;
	s5 =	sld [smem:$0x3FAF]  }
0x2b: {  	s6 =	sld [smem:$0x3FB0]  }
0x2c: {  	s7 =	sld [smem:$0x3FB1]  }
0x2d: {  	s3 =	simm.s32 $0x108;
	s8 =	sld [smem:$0x3FB2]  }
0x2e: {  	s3 =	simm.s32 @!p0 $0x1082;
	s9 =	sld [smem:$0x3FB3]  }
0x2f: {  	lr =	sadd.s32 s0, s3;
	s0 =	sld [smem:$0x3FAA]  }
0x30: {  	s3 =	sld [smem:$0x3FAD]  }
0x31: {  	[smem:$0x3FB6] =	sst s10  }
0x32: {  	s10 =	sld [smem:$0x3FB4];
	_ =	sdelay $0x3  }
0x33: {  	p0 =	seq.s32 s10, $0x1;
	s10 =	sld [smem:$0x3FB6];
	_ =	sdelay $0x3  }
0x34: {  	[smem:$0x3FB6] =	sst s10  }
0x35: {  	s10 =	sld [smem:$0x3FB5];
	_ =	sdelay $0x3  }
0x36: {  	p1 =	seq.s32 s10, $0x1;
	s10 =	sld [smem:$0x3FB6];
	_ =	sdelay $0x3  }
0x37: {  	[smem:$0x3FB6] =	sst s10  }
0x38: {  	s10 =	sld [smem:$0x3FB7]  }
0x39: {  	_ = 	snop;
	(pc) =	sbr.ind lr, $3  }
0x3a: {  	_ = 	snop  }
0x3b: {  	_ = 	snop  }
0x3c: {  	p2 =	seq.s32 s10, $0x1;
	s10 =	sld [smem:$0x3FB6]  }
0x3d: {  	_ =	shalt  }
0x3e: {  	_ =	shalt  }
0x3f: {  	_ =	shalt  }
0x40: {  	_ =	shalt  }
0x41: {  	_ =	shalt  }
0x42: {  	_ =	shalt  }
0x43: {  	_ =	shalt  }
0x44: {  	_ =	shalt  }
0x45: {  	_ =	shalt  }
0x46: {  	_ =	shalt  }
0x47: {  	_ =	shalt  }
0x48: {  	_ =	shalt  }
0x49: {  	_ =	shalt  }
0x4a: {  	_ =	shalt  }
0x4b: {  	_ =	shalt  }
0x4c: {  	_ =	shalt  }
0x4d: {  	_ =	shalt  }
0x4e: {  	_ =	shalt  }
0x4f: {  	_ =	shalt  }
0x50: {  	_ =	shalt  }
0x51: {  	_ =	shalt  }
0x52: {  	_ =	shalt  }
0x53: {  	_ =	shalt  }
0x54: {  	_ =	shalt  }
0x55: {  	_ =	shalt  }
0x56: {  	_ =	shalt  }
0x57: {  	_ =	shalt  }
0x58: {  	_ =	shalt  }
0x59: {  	_ =	shalt  }
0x5a: {  	_ =	shalt  }
0x5b: {  	_ =	shalt  }
0x5c: {  	_ =	shalt  }
0x5d: {  	_ =	shalt  }
0x5e: {  	_ =	shalt  }
0x5f: {  	_ =	shalt  }
0x60: {  	_ =	shalt  }
0x61: {  	_ =	shalt  }
0x62: {  	_ =	shalt  }
0x63: {  	_ =	shalt  }
0x64: {  	_ =	shalt  }
0x65: {  	_ =	shalt  }
0x66: {  	_ =	shalt  }
0x67: {  	_ =	shalt  }
0x68: {  	_ =	shalt  }
0x69: {  	_ =	shalt  }
0x6a: {  	_ =	shalt  }
0x6b: {  	_ =	shalt  }
0x6c: {  	_ =	shalt  }
0x6d: {  	_ =	shalt  }
0x6e: {  	_ =	shalt  }
0x6f: {  	_ =	shalt  }
0x70: {  	_ =	shalt  }
0x71: {  	_ =	shalt  }
0x72: {  	_ =	shalt  }
0x73: {  	_ =	shalt  }
0x74: {  	_ =	shalt  }
0x75: {  	_ =	shalt  }
0x76: {  	_ =	shalt  }
0x77: {  	_ =	shalt  }
0x78: {  	_ =	shalt  }
0x79: {  	_ =	shalt  }
0x7a: {  	_ =	shalt  }
0x7b: {  	_ =	shalt  }
0x7c: {  	_ =	shalt  }
0x7d: {  	_ =	shalt  }
0x7e: {  	_ =	shalt  }
0x7f: {  	_ =	shalt  }
0x80: {  	_ =	shalt  }
0x81: {  	_ =	shalt  }
0x82: {  	_ =	shalt  }
0x83: {  	_ =	shalt  }
0x84: {  	_ =	shalt  }
0x85: {  	_ =	shalt  }
0x86: {  	_ =	shalt  }
0x87: {  	_ =	shalt  }
.Lfunc_end0:
.L_simem_size_0:
called_computation.4_lowered:
.L_overlay_start_0:
0x88: {  	s2 =	sld [smem:$0x3FD9]  }
0x89: {  	s3 =	sld [smem:$0x3FFE];
	_ =	sdelay $0x1  }
0x8a: {  	s1 =	srdreg.scid  }
0x8b: {  	s0 =	sand.u32 $0x1, s1  }
0x8c: {  	s17 =	sshll.u32 s0, $0xA;
	s2 =	sadd.s32 s3, s2  }
0x8d: {  	s2 =	sadd.s32 s2, s17  }
0x8e: {  	[smem:$0x3FC2] =	sst s2  }
0x8f: {  	_ = 	snop  }
0x90: {  	s2 =	sld [smem:$0x3FD0];
	(tm) =	ssettm $0x1  }
0x91: {  	s18 =	sld [smem:$0x3FFB];
	_ =	sdelay $0x3  }
0x92: {  	_ =	strace s18  }
0x93: {  	s3 =	sld [smem:$0x3FFC];
	_ =	sdelay $0x3  }
0x94: {  	_ =	strace s3  }
0x95: {  	s3 =	sld [smem:$0x3FFD];
	_ =	sdelay $0x3  }
0x96: {  	_ =	strace s3  }
0x97: {  	_ =	strace $0x8FFFFFFF  }
0x98: {  	s19 =	sld [smem:$0x3FDB];
	_ =	sdelay $0x1  }
0x99: {  	s4 =	simm.s32 $_scs_section_size  }
0x9a: {  	s5 =	simm.s32 $_size__tile_overlayer_lowered;
	s6 =	simm.s32 $_tile_overlayer_lowered  }
0x9b: {  	s22 =	simm.s32 $0x1BFF;
	s21 =	sshll.u32 s6, $0x1;
	s3 =	sadd.s32 s4, s19  }
0x9c: {  	s7 =	simm.s32 $0x0;
	s20 =	sshll.u32 s5, $0x1;
	s5 =	sadd.s32 s21, s3  }
0x9d: {  	[timem:s7], [sflag:s22] =	dma.local [hbm:s5], s20  }
0x9e: {  	_ =	swait.ge [sflag:s22], s20  }
0x9f: {  	s4 =	ssub.s32 $0x0, s20;
	[sflag:s22] =	ssyncset.done $0x0  }
0xa0: {  	[sflag:s22] =	ssyncadd.s32 s4;
	_ =	sdelay $0x1  }
0xa1: {  	s23 =	simm.s32 $0x1B8B  }
0xa2: {  	_ =	swait.ge [sflag:s23], $0x1  }
0xa3: {  	[sflag:s23] =	ssyncset.done $0x0  }
0xa4: {  	s25 =	simm.s32 $0x1B8E;
	s24 =	sld [smem:$0x3FFE];
	[sflag:s23] =	ssyncadd.s32 $0xFFFFFFFF  }
0xa5: {  	s26 =	simm.s32 $execute0_lowered;
	[smem:$0x3FD2] =	sst s25  }
0xa6: {  	s5 =	sshll.u32 s26, $0x1;
	_ =	strace $0x80000049;
	[dreg:$0x1] =	wrdreg $0xFFFFFFFF  }
0xa7: {  	s28 =	simm.s32 $_size_execute0_lowered;
	s3 =	sadd.s32 s3, s5;
	[dreg:$0x0] =	wrdreg $0x0  }
0xa8: {  	s5 =	sshll.u32 s28, $0x1;
	[dreg:$0x2] =	wrdreg s3  }
0xa9: {  	[dreg:$0x3] =	wrdreg s5  }
0xaa: {  	[dreg:$0x4] =	wrdreg $0xC0  }
0xab: {  	_ =	task [dreg:s7], $0x5FFFF  }
0xac: {  	[dreg:$0x1] =	wrdreg $0xFFFFFFFF  }
0xad: {  	[dreg:$0x0] =	wrdreg $0x60  }
0xae: {  	[dreg:$0x2] =	wrdreg s24  }
0xaf: {  	[dreg:$0x3] =	wrdreg s2  }
0xb0: {  	[dreg:$0x4] =	wrdreg $0xB  }
0xb1: {  	_ =	task.clear_ibuf [dreg:s7], $0x5FFFF;
	_ =	strace $0x90000049  }
0xb2: {  	s29 =	simm.s32 $0xB;
	_ =	strace $0x8000004B  }
0xb3: {  	_ =	swait.ge [sflag:s29], $0x1  }
0xb4: {  	[sflag:s29] =	ssyncadd.s32 $0xFFFFFFFF  }
0xb5: {  	_ =	strace $0x9000004B  }
0xb6: {  	_ =	sfence  }
0xb7: {  	s30 =	sld [smem:$0x0];
	_ =	sdelay $0x2  }
0xb8: {  	s31 =	sshll.u32 s1, $0xD;
	s1 =	sshrl.u32 s1, $0x2  }
0xb9: {  	s3 =	sand.u32 $0x4000, s31;
	s1 =	sadd.s32 s1, s30  }
0xba: {  	s0 =	sor.u32 s3, s0;
	s1 =	sshll.u32 s1, $0x11  }
0xbb: {  	s0 =	sor.u32 s1, s0  }
0xbc: {  	s0 =	sadd.s32 $0x8F2B, s0  }
0xbd: {  	[sflag:s0] =	ssyncadd.remote.s32 $0x1  }
0xbe: {  	_ =	sfence.sel $0xFFFF  }
0xbf: {  	[dreg:$0x0] =	wrdreg $0xFFFFFFFF;
	(pc) =	sbr.abs _section_cstart, $3  }
0xc0: {  	[dreg:$0x1] =	wrdreg $0xFFFFFFFF  }
0xc1: {  	_ =	task.clear_ibuf [dreg:s7], $0x2FFFF;
	_ =	strace $0x9FFFFFFF  }
0xc2: {  	(tm) =	ssettm $0x7FFFFFFF  }
0xc3: {  	_ =	shalt  }
tec
execute0_lowered:
.L_overlay_start_1:
0x0: {  	(tag) =	ssettag $0x1  }
0x1: {  	s8 =	rddreg [dreg:$0x0]  }
0x2: {  	s2 =	rddreg [dreg:$0x1]  }
0x3: {  	s0 =	rddreg [dreg:$0x2];
	s1 =	stileid.u32  }
0x4: {  	s3 =	srdreg.scid;
	_ =	strace $0x8000004A;
	s4 =	simm.s32 $0x1  }
0x5: {  	s7 =	simm.s32 $0x1;
	s9 =	simm.s32 $0x1;
	s10 =	simm.s32 $0x3  }
0x6: {  	s13 =	simm.s32 $0x0;
	s5 =	sand.u32 $0x1, s3;
	s6 =	sshll.u32 s1, $0x1  }
0x7: {  	s12 =	simm.s32 $0x0;
	s3 =	sadd.s32 $0x2B7E00, s8;
	s5 =	sor.u32 s6, s5  }
.Ltmp0:
0x8: {  	[sflag:s4] =	ssyncpa.u1 $0x0;
	p0 =	slt.u32 s5, $0x9;
	(pc) =	sbr.rel .LBB2_1-.Ltmp0, $4  }
0x9: {  	s6 =	simm.s32 $0x2;
	s7 =	simm.s32 @!p0 $0x0;
	p0 =	sne.s32 s5, $0x8  }
0xa: {  	[sflag:s6] =	ssyncpa.u1 $0x0;
	s5 =	smul.u32 $0xFA0, s5;
	s9 =	simm.s32 @!p0 $0x0  }
0xb: {  	s8 =	sadd.s32 $0x400, s8;
	[sflag:s10] =	ssyncpa.u1 $0x0;
	s7 =	sadd.s32 s9, s7  }
0xc: {  	vm0 =	vmmov $0xffff;
	s10 =	simm.s32 $0x0;
	s11 =	smov.u32 s5;
	s9 =	sadd.s32 $0x1, s7  }
.LBB2_4:
0xd: {  	v2 =	vnsel vm1, $0x0, v2  }
0xe: {  	vm1 =	vgt.s32 v0, $0x0;
	v2 =	vmin.u32 v2, $0x5F5E0FF  }
0xf: {  	v0 =	vnsel vm1, $0x0, v0  }
0x10: {  	v0 =	vmin.u32 v0, $0x5F5E0FF  }
0x11: {  	[tilespmem:s18], [sflag:$0x1] =	stream.indirect_vreg.gather [hbm4b:s3+s10], $0x1, v1, vm0, $0x4038;
	[tilespmem:$0x3E80] =	vst v63  }
0x12: {  	(ifvalue) =	ssetifvalue $0x7FFFFFFF  }
0x13: {  	[tilespmem:s15], [sflag:$0x1] =	stream.indirect_vreg.gather [hbm4b:s3+s10], $0x1, v2, vm0, $0x4038;
	[tilespmem:$0x3E80] =	vst v63  }
0x14: {  	s29 =	sadd.s32 $0x10, s15;
	(ifvalue) =	ssetifvalue $0x7FFFFFFF  }
0x15: {  	[tilespmem:s29], [sflag:$0x1] =	stream.indirect_vreg.gather [hbm4b:s3+s10], $0x1, v0, vm0, $0x4038;
	[tilespmem:$0x3E80] =	vst v63  }
0x16: {  	_ =	swait.ge [sflag:s4], $0xFA0  }
0x17: {  	s30 =	sshrl.u32 s13, $0x3;
	[sflag:s4] =	ssyncset.done $0x0  }
0x18: {  	s31 =	sand.u32 $0x7, s13;
	s15 =	sadd.s32 s2, s30;
	[sflag:s4] =	ssyncadd.s32 $0xFFFFF060  }
0x19: {  	[hbm4b:s15+s31] =	stream.linear.scatter [tilespmem:s14], [sflag:$0x3], $0xFA0, $0x38;
	[tilespmem:$0x3E80] =	vst v63  }
.LBB2_5:
0x1a: {  	s15 =	sadd.s32 $0x1F400, s11  }
0x1b: {  	p1 =	sgt.s32 s15, $0x270FF  }
0x1c: {  	s15 =	smov.u32 @p1 s5;
	p1 =	sne.s32 s12, s9  }
.Ltmp1:
0x1d: {  	p0 =	slt.u32 s12, $0x2;
	(pc) =	sbr.rel @!p1 .LBB2_6-.Ltmp1, $4  }
0x1e: {  	s14 =	simm.s32 @!p0 $0x3  }
0x1f: {  	_ =	swait.ge @!p0 [sflag:s14], $0xFA0  }
0x20: {  	s16 =	sadd.s32 $0x1, s12;
	s13 =	smov.u32 s11;
	[sflag:s14] =	ssyncset.done @!p0 $0x0  }
0x21: {  	s12 =	smov.u32 s16;
	s11 =	smov.u32 s15;
	[sflag:s14] =	ssyncadd.s32 @!p0 $0xFFFFF060  }
.LBB2_1:
0x22: {  	p0 =	sge.u32 s12, s7  }
0x23: {  	s14 =	sxor.u32 @!p0 $0x1, s12  }
0x24: {  	s14 =	smul.u32 @!p0 $0x3E80, s14  }
0x25: {  	s31 =	sadd.s32 $0xFFFFFFFF, s12;
	s15 =	sshrl.u32 @!p0 s11, $0x3  }
0x26: {  	s16 =	sand.u32 @!p0 $0x7, s11;
	s15 =	sadd.s32 @!p0 s8, s15;
	s14 =	sshra.s32 @!p0 s14, $0x2  }
0x27: {  	[tilespmem:s14], [sflag:$0x2] =	stream.linear.gather @!p0 [hbm4b:s15+s16], $0xFA0, $0x38;
	[tilespmem:$0x3E80] =	vst v63  }
0x28: {  	p0 =	sge.u32 s31, s7  }
.Ltmp2:
0x29: {  	_ = 	snop;
	(pc) =	sbr.rel @p0 .LBB2_5-.Ltmp2, $1  }
0x2a: {  	_ =	sdelay $0x3  }
0x2b: {  	s14 =	sand.u32 $0x1, s12  }
0x2c: {  	_ =	swait.ge [sflag:s6], $0xFA0;
	p0 =	seq.s32 s14, $0x1;
	s14 =	simm.s32 $0xFA0  }
0x2d: {  	[sflag:s6] =	ssyncset.done $0x0;
	s14 =	simm.s32 @!p0 $0x0  }
0x2e: {  	[sflag:s6] =	ssyncadd.s32 $0xFFFFF060;
	(ifvalue) =	ssetifvalue $0x7FFFFFFF;
	v0 =	vld.msk [tilespmem:s14+$0x0 ss:$0x1], $0xffff;
	_ =	sdelay $0x4  }
0x2f: {  	s15 =	sadd.s32 $0x10, s14;
	vm1 =	vgt.s32 v0, $0x0  }
0x30: {  	v2 =	vld.msk [tilespmem:s15+$0x0 ss:$0x1], $0xffff;
	v1 =	vnsel vm1, $0x0, v0  }
0x31: {  	v1 =	vmin.u32 v1, $0x5F5E0FF;
	_ =	sdelay $0x2  }
0x32: {  	s17 =	simm.s32 $0x20;
	s14 =	sadd.s32 $0x1F40, s14;
	s16 =	sadd.s32 $0x10, s15  }
0x33: {  	s15 =	sadd.s32 $0x10, s14;
	s18 =	smov.u32 s14;
	v0 =	vld.msk [tilespmem:s16+$0x0 ss:$0x1], $0xffff;
	vm1 =	vgt.s32 v2, $0x0;
	(ifvalue) =	ssetifvalue $0x7FFFFFFF  }
.LBB2_3:
0x34: {  	[tilespmem:s18], [sflag:$0x1] =	stream.indirect_vreg.gather [hbm4b:s3+s10], $0x1, v1, vm0, $0x4038;
	[tilespmem:$0x3E80] =	vst v63  }
0x35: {  	s17 =	sadd.s32 $0x10, s17  }
0x36: {  	v2 =	vnsel vm1, $0x0, v2;
	p0 =	slt.u32 s17, $0xF90  }
.Ltmp3:
0x37: {  	s18 =	smov.u32 s15;
	v1 =	vmin.u32 v2, $0x5F5E0FF;
	(pc) =	sbr.rel @p0 .LBB2_3-.Ltmp3, $3  }
0x38: {  	_ =	sdelay $0x1  }
0x39: {  	s16 =	sadd.s32 $0x10, s16  }
0x3a: {  	vm1 =	vgt.s32 v0, $0x0;
	s15 =	sadd.s32 $0x10, s15;
	v2 =	vmov v0;
	(ifvalue) =	ssetifvalue $0x7FFFFFFF;
	v0 =	vld.msk [tilespmem:s16+$0x0 ss:$0x1], $0xffff  }
.Ltmp4:
0x3b: {  	_ = 	snop;
	(pc) =	sbr.rel .LBB2_4-.Ltmp4, $1  }
0x3c: {  	_ =	sdelay $0x3  }
.LBB2_6:
0x3d: {  	_ =	sfence.sel $0x180000  }
0x3e: {  	s2 =	simm.s32 $0x2;
	[bflag:$0x0] =	sbarrier.arrive $0xFFFF  }
0x3f: {  	s30 =	simm.s32 $0x3;
	[sflag:s2] =	ssyncpa.u1 $0x1  }
0x40: {  	s31 =	simm.s32 $0x1;
	[sflag:s30] =	ssyncpa.u1 $0x1  }
0x41: {  	[sflag:s31] =	ssyncpa.u1 $0x1  }
0x42: {  	p0 =	sne.s32 s1, $0x0;
	_ =	strace $0x9000004A  }
0x43: {  	s0 =	sadd.s32 @!p0 $0x100000, s0;
	[bflag:$0x2] =	sbarrier.arrive $0xFFFF  }
0x44: {  	[sflag:s0] =	ssyncadd.tile.s32 @!p0 $0x1;
	_ =	shalt  }
.Lfunc_end2:
_tile_overlayer_lowered:
.L_overlay_start_2:
0x45: {  	(tag) =	ssettag $0x2  }
0x46: {  	s0 =	rddreg [dreg:$0x0];
	s2 =	stileid.u32  }
0x47: {  	s1 =	rddreg [dreg:$0x1];
	p0 =	sne.s32 s2, $0x0  }
0x48: {  	s3 =	rddreg [dreg:$0x2];
	[bflag:$0x3] =	sbarrier.arrive $0xFFFF;
	s2 =	simm.s32 @!p0 $0x1C01  }
0x49: {  	[timem:s3], [sflag:s2] =	dma.local @!p0 [hbm:s0], s1  }
0x4a: {  	s0 =	simm.s32 @!p0 $0x1  }
0x4b: {  	_ =	swait.ge @!p0 [sflag:s0], s1  }
0x4c: {  	s1 =	ssub.s32 @!p0 $0x0, s1;
	[sflag:s0] =	ssyncset.done @!p0 $0x0  }
0x4d: {  	[sflag:s0] =	ssyncadd.s32 @!p0 s1  }
0x4e: {  	[bflag:$0x3] =	sbarrier.arrive $0xFFFF  }
0x4f: {  	_ =	shalt  }

// kernel: scatter_offload_async_start.1
scs
__scs_entry_jumppad:
0x0: {  	(pc) =	sbr.rel $0x88, $3  }
0x1: {  	(tag) =	ssettag $0x0;
	lr =	simm.s32 $0x1  }
0x2: {  	[smem:$0x3F9B] =	sst lr;
	_ =	strace $0xD0000000  }
0x3: {  	_ = 	snop  }
0x4: {  	_ = 	snop  }
0x5: {  	_ = 	snop  }
0x6: {  	_ = 	snop  }
0x7: {  	_ = 	snop  }
__scs_overlays_trampoline_lowered:
0x8: {  	[smem:$0x3FAA] =	sst s0  }
0x9: {  	[smem:$0x3FAB] =	sst s1  }
0xa: {  	[smem:$0x3FAC] =	sst s2  }
0xb: {  	[smem:$0x3FAD] =	sst s3  }
0xc: {  	[smem:$0x3FAE] =	sst s4  }
0xd: {  	[smem:$0x3FAF] =	sst s5  }
0xe: {  	[smem:$0x3FB0] =	sst s6  }
0xf: {  	[smem:$0x3FB1] =	sst s7  }
0x10: {  	[smem:$0x3FB2] =	sst s8  }
0x11: {  	[smem:$0x3FB3] =	sst s9;
	s0 =	simm.s32 @!p0 $0x0  }
0x12: {  	s1 =	sld [smem:$0x3F99];
	s0 =	simm.s32 @p0 $0x1  }
0x13: {  	[smem:$0x3FB4] =	sst s0;
	s0 =	simm.s32 @!p1 $0x0  }
0x14: {  	s2 =	sld [smem:$0x3F98];
	s0 =	simm.s32 @p1 $0x1  }
0x15: {  	[smem:$0x3FB5] =	sst s0;
	s0 =	simm.s32 @!p2 $0x0  }
0x16: {  	s3 =	sld [smem:$0x3FDB];
	s0 =	simm.s32 @p2 $0x1  }
0x17: {  	s4 =	simm.s32 $0x1BF5;
	[smem:$0x3FB7] =	sst s0  }
0x18: {  	s0 =	sld [smem:$0x3F9A];
	_ =	swait.ge [sflag:s4], $0x0  }
0x19: {  	s7 =	sld [smem:$0x3F9B]  }
0x1a: {  	s8 =	sadd.s32 $0xFFFFE003, lr  }
0x1b: {  	s9 =	sadd.s32 $0xFFFFFEF7, lr;
	s5 =	simm.s32 $0xFFFFFFFF;
	p2 =	slt.u32 s8, $0xFFFFF086  }
0x1c: {  	p1 =	slt.u32 s9, $0xF7A;
	s5 =	simm.s32 @!p2 $0x0  }
0x1d: {  	s5 =	simm.s32 @p1 $0x1;
	p0 =	seq.s32 s7, s2  }
0x1e: {  	s7 =	smul.u32 @!p0 $0xF7A, s2;
	p2 =	seq.s32 @!p0 s5, $0x0  }
0x1f: {  	s9 =	smul.u32 $0xF7A, s1;
	s8 =	simm.s32 @!p0 $0x1BF5;
	p2 =	por !p2, p0  }
0x20: {  	[sflag:s8] =	ssyncset.s32 @!p0 $0xFFFFF086;
	s6 =	sadd.s32 @!p0 s3, s7;
	s7 =	simm.s32 @!p0 $0x108  }
0x21: {  	s3 =	sadd.s32 s3, s9;
	s6 =	sadd.s32 @!p0 $0x88, s6;
	s7 =	simm.s32 @p2 $0x1082  }
0x22: {  	[simem:s7], [sflag:s8] =	dma.local @!p0 [hbm:s6], $0xF7A  }
0x23: {  	s9 =	sor.u32 $0xD0000000, s2;
	s6 =	simm.s32 $0x108;
	_ =	swait.ge @!p0 [sflag:s8], $0x0  }
0x24: {  	s3 =	sadd.s32 $0x88, s3;
	s6 =	simm.s32 @!p1 $0x1082;
	[sflag:s4] =	ssyncset.s32 $0xFFFFF086  }
0x25: {  	[simem:s6], [sflag:s4] =	dma.local [hbm:s3], $0xF7A  }
0x26: {  	[smem:$0x3F9B] =	sst s1;
	(tag) =	ssettag s2;
	_ =	strace s9  }
0x27: {  	s1 =	sld [smem:$0x3FAB]  }
0x28: {  	s2 =	sld [smem:$0x3FAC]  }
0x29: {  	s4 =	sld [smem:$0x3FAE]  }
0x2a: {  	p0 =	seq.s32 s5, $0x0;
	s5 =	sld [smem:$0x3FAF]  }
0x2b: {  	s6 =	sld [smem:$0x3FB0]  }
0x2c: {  	s7 =	sld [smem:$0x3FB1]  }
0x2d: {  	s3 =	simm.s32 $0x108;
	s8 =	sld [smem:$0x3FB2]  }
0x2e: {  	s3 =	simm.s32 @!p0 $0x1082;
	s9 =	sld [smem:$0x3FB3]  }
0x2f: {  	lr =	sadd.s32 s0, s3;
	s0 =	sld [smem:$0x3FAA]  }
0x30: {  	s3 =	sld [smem:$0x3FAD]  }
0x31: {  	[smem:$0x3FB6] =	sst s10  }
0x32: {  	s10 =	sld [smem:$0x3FB4];
	_ =	sdelay $0x3  }
0x33: {  	p0 =	seq.s32 s10, $0x1;
	s10 =	sld [smem:$0x3FB6];
	_ =	sdelay $0x3  }
0x34: {  	[smem:$0x3FB6] =	sst s10  }
0x35: {  	s10 =	sld [smem:$0x3FB5];
	_ =	sdelay $0x3  }
0x36: {  	p1 =	seq.s32 s10, $0x1;
	s10 =	sld [smem:$0x3FB6];
	_ =	sdelay $0x3  }
0x37: {  	[smem:$0x3FB6] =	sst s10  }
0x38: {  	s10 =	sld [smem:$0x3FB7]  }
0x39: {  	_ = 	snop;
	(pc) =	sbr.ind lr, $3  }
0x3a: {  	_ = 	snop  }
0x3b: {  	_ = 	snop  }
0x3c: {  	p2 =	seq.s32 s10, $0x1;
	s10 =	sld [smem:$0x3FB6]  }
0x3d: {  	_ =	shalt  }
0x3e: {  	_ =	shalt  }
0x3f: {  	_ =	shalt  }
0x40: {  	_ =	shalt  }
0x41: {  	_ =	shalt  }
0x42: {  	_ =	shalt  }
0x43: {  	_ =	shalt  }
0x44: {  	_ =	shalt  }
0x45: {  	_ =	shalt  }
0x46: {  	_ =	shalt  }
0x47: {  	_ =	shalt  }
0x48: {  	_ =	shalt  }
0x49: {  	_ =	shalt  }
0x4a: {  	_ =	shalt  }
0x4b: {  	_ =	shalt  }
0x4c: {  	_ =	shalt  }
0x4d: {  	_ =	shalt  }
0x4e: {  	_ =	shalt  }
0x4f: {  	_ =	shalt  }
0x50: {  	_ =	shalt  }
0x51: {  	_ =	shalt  }
0x52: {  	_ =	shalt  }
0x53: {  	_ =	shalt  }
0x54: {  	_ =	shalt  }
0x55: {  	_ =	shalt  }
0x56: {  	_ =	shalt  }
0x57: {  	_ =	shalt  }
0x58: {  	_ =	shalt  }
0x59: {  	_ =	shalt  }
0x5a: {  	_ =	shalt  }
0x5b: {  	_ =	shalt  }
0x5c: {  	_ =	shalt  }
0x5d: {  	_ =	shalt  }
0x5e: {  	_ =	shalt  }
0x5f: {  	_ =	shalt  }
0x60: {  	_ =	shalt  }
0x61: {  	_ =	shalt  }
0x62: {  	_ =	shalt  }
0x63: {  	_ =	shalt  }
0x64: {  	_ =	shalt  }
0x65: {  	_ =	shalt  }
0x66: {  	_ =	shalt  }
0x67: {  	_ =	shalt  }
0x68: {  	_ =	shalt  }
0x69: {  	_ =	shalt  }
0x6a: {  	_ =	shalt  }
0x6b: {  	_ =	shalt  }
0x6c: {  	_ =	shalt  }
0x6d: {  	_ =	shalt  }
0x6e: {  	_ =	shalt  }
0x6f: {  	_ =	shalt  }
0x70: {  	_ =	shalt  }
0x71: {  	_ =	shalt  }
0x72: {  	_ =	shalt  }
0x73: {  	_ =	shalt  }
0x74: {  	_ =	shalt  }
0x75: {  	_ =	shalt  }
0x76: {  	_ =	shalt  }
0x77: {  	_ =	shalt  }
0x78: {  	_ =	shalt  }
0x79: {  	_ =	shalt  }
0x7a: {  	_ =	shalt  }
0x7b: {  	_ =	shalt  }
0x7c: {  	_ =	shalt  }
0x7d: {  	_ =	shalt  }
0x7e: {  	_ =	shalt  }
0x7f: {  	_ =	shalt  }
0x80: {  	_ =	shalt  }
0x81: {  	_ =	shalt  }
0x82: {  	_ =	shalt  }
0x83: {  	_ =	shalt  }
0x84: {  	_ =	shalt  }
0x85: {  	_ =	shalt  }
0x86: {  	_ =	shalt  }
0x87: {  	_ =	shalt  }
.Lfunc_end0:
.L_simem_size_0:
called_computation.1_lowered:
.L_overlay_start_0:
0x88: {  	s0 =	sld [smem:$0x3FD9]  }
0x89: {  	s1 =	sld [smem:$0x3FFE];
	_ =	sdelay $0x3  }
0x8a: {  	s0 =	sadd.s32 s1, s0  }
0x8b: {  	[smem:$0x3FC2] =	sst s0  }
0x8c: {  	_ = 	snop  }
0x8d: {  	s14 =	sld [smem:$0x3FD0];
	(tm) =	ssettm $0x1  }
0x8e: {  	s15 =	sld [smem:$0x3FFB];
	_ =	sdelay $0x3  }
0x8f: {  	_ =	strace s15  }
0x90: {  	s0 =	sld [smem:$0x3FFC];
	_ =	sdelay $0x3  }
0x91: {  	_ =	strace s0  }
0x92: {  	s0 =	sld [smem:$0x3FFD];
	_ =	sdelay $0x3  }
0x93: {  	_ =	strace s0  }
0x94: {  	_ =	strace $0x8FFFFFFF  }
0x95: {  	s16 =	sld [smem:$0x3FDB];
	_ =	sdelay $0x1  }
0x96: {  	s2 =	simm.s32 $_scs_section_size  }
0x97: {  	s3 =	simm.s32 $_size__tile_overlayer_lowered;
	s4 =	simm.s32 $_tile_overlayer_lowered  }
0x98: {  	s5 =	simm.s32 $0x1BFF;
	s17 =	sshll.u32 s4, $0x1;
	s2 =	sadd.s32 s2, s16  }
0x99: {  	s18 =	simm.s32 $0x0;
	s3 =	sshll.u32 s3, $0x1;
	s4 =	sadd.s32 s17, s2  }
0x9a: {  	[timem:s18], [sflag:s5] =	dma.local [hbm:s4], s3  }
0x9b: {  	_ =	swait.ge [sflag:s5], s3  }
0x9c: {  	s3 =	ssub.s32 $0x0, s3;
	[sflag:s5] =	ssyncset.done $0x0  }
0x9d: {  	[sflag:s5] =	ssyncadd.s32 s3;
	_ =	sdelay $0x1  }
0x9e: {  	s19 =	simm.s32 $0x1B8B  }
0x9f: {  	_ =	swait.ge [sflag:s19], $0x1  }
0xa0: {  	[sflag:s19] =	ssyncset.done $0x0  }
0xa1: {  	s21 =	simm.s32 $0x1B8E;
	s20 =	sld [smem:$0x3FFE];
	[sflag:s19] =	ssyncadd.s32 $0xFFFFFFFF  }
0xa2: {  	s22 =	simm.s32 $execute0_lowered;
	[smem:$0x3FD2] =	sst s21  }
0xa3: {  	s4 =	sshll.u32 s22, $0x1;
	_ =	strace $0x80000052;
	[dreg:$0x1] =	wrdreg $0xFFFFFFFF  }
0xa4: {  	s23 =	simm.s32 $_size_execute0_lowered;
	s4 =	sadd.s32 s2, s4;
	[dreg:$0x0] =	wrdreg $0x0  }
0xa5: {  	s5 =	sshll.u32 s23, $0x1;
	[dreg:$0x2] =	wrdreg s4  }
0xa6: {  	[dreg:$0x3] =	wrdreg s5  }
0xa7: {  	[dreg:$0x4] =	wrdreg $0xC0  }
0xa8: {  	s24 =	simm.s32 $execute1_lowered;
	_ =	task [dreg:s18], $0x5FFFF  }
0xa9: {  	s4 =	sshll.u32 s24, $0x1;
	[dreg:$0x1] =	wrdreg $0xFFFFFFFF  }
0xaa: {  	s2 =	sadd.s32 s2, s4;
	[dreg:$0x0] =	wrdreg $0x60  }
0xab: {  	[dreg:$0x2] =	wrdreg s2  }
0xac: {  	[dreg:$0x3] =	wrdreg s20  }
0xad: {  	[dreg:$0x4] =	wrdreg s14  }
0xae: {  	[dreg:$0x5] =	wrdreg $0xB  }
0xaf: {  	_ =	task.clear_ibuf [dreg:s18], $0x6FFFF;
	_ =	strace $0x90000052  }
0xb0: {  	s25 =	simm.s32 $0xB;
	_ =	strace $0x80000054  }
0xb1: {  	_ =	swait.ge [sflag:s25], $0x1  }
0xb2: {  	[sflag:s25] =	ssyncadd.s32 $0xFFFFFFFF  }
0xb3: {  	_ =	strace $0x90000054  }
0xb4: {  	_ =	strace $0x80000055;
	[dreg:$0x1] =	wrdreg $0xFFFFFFFF  }
0xb5: {  	[dreg:$0x0] =	wrdreg $0x2030  }
0xb6: {  	[dreg:$0x2] =	wrdreg s14  }
0xb7: {  	[dreg:$0x3] =	wrdreg s20  }
0xb8: {  	[dreg:$0x4] =	wrdreg $0xC  }
0xb9: {  	_ =	task.clear_ibuf [dreg:s18], $0x5FFFF;
	_ =	strace $0x90000055  }
0xba: {  	s26 =	simm.s32 $0xC;
	_ =	strace $0x80000057  }
0xbb: {  	_ =	swait.ge [sflag:s26], $0x1  }
0xbc: {  	[sflag:s26] =	ssyncadd.s32 $0xFFFFFFFF  }
0xbd: {  	_ =	strace $0x90000057  }
0xbe: {  	_ =	sfence  }
0xbf: {  	s28 =	sld [smem:$0x0];
	_ =	sdelay $0x1  }
0xc0: {  	s29 =	srdreg.scid  }
0xc1: {  	s30 =	sshll.u32 s29, $0xD;
	s31 =	sshrl.u32 s29, $0x2  }
0xc2: {  	s3 =	sand.u32 $0x4000, s30;
	s2 =	sand.u32 $0x1, s29;
	s1 =	sadd.s32 s31, s28  }
0xc3: {  	s2 =	sor.u32 s3, s2;
	s1 =	sshll.u32 s1, $0x11  }
0xc4: {  	s1 =	sor.u32 s1, s2  }
0xc5: {  	s1 =	sadd.s32 $0x8F2B, s1  }
0xc6: {  	[sflag:s1] =	ssyncadd.remote.s32 $0x1  }
0xc7: {  	_ =	sfence.sel $0xFFFF  }
0xc8: {  	[dreg:$0x0] =	wrdreg $0xFFFFFFFF;
	(pc) =	sbr.abs _section_cstart, $3  }
0xc9: {  	[dreg:$0x1] =	wrdreg $0xFFFFFFFF  }
0xca: {  	_ =	task.clear_ibuf [dreg:s18], $0x2FFFF;
	_ =	strace $0x9FFFFFFF  }
0xcb: {  	(tm) =	ssettm $0x7FFFFFFF  }
tec
execute0_lowered:
.L_overlay_start_1:
0x0: {  	(tag) =	ssettag $0x1  }
0x1: {  	s3 =	rddreg [dreg:$0x0]  }
0x2: {  	s5 =	rddreg [dreg:$0x1]  }
0x3: {  	s2 =	rddreg [dreg:$0x2]  }
0x4: {  	s0 =	rddreg [dreg:$0x3];
	s4 =	stileid.u32  }
0x5: {  	[bflag:$0x3] =	sbarrier.arrive $0xFFFF;
	s1 =	simm.s32 $_size_execute1_lowered;
	p0 =	sne.s32 s4, $0x0  }
0x6: {  	s1 =	sshll.u32 s1, $0x1;
	s6 =	simm.s32 @!p0 $0x1C3F;
	s7 =	simm.s32 @!p0 $0x4060  }
0x7: {  	[timem:s7], [sflag:s6] =	dma.local @!p0 [hbm:s3], s1  }
0x8: {  	s3 =	smul.u32 $0x280, s4  }
.Ltmp0:
0x9: {  	s31 =	simm.s32 $0x2;
	(pc) =	sbr.rel .LBB2_1-.Ltmp0, $4  }
0xa: {  	s8 =	simm.s32 $0x780;
	s10 =	simm.s32 $0x0;
	s9 =	simm.s32 $0x0  }
0xb: {  	s4 =	simm.s32 $0x1;
	_ =	strace $0x80000053;
	s30 =	sshrl.u32 s3, $0x3  }
0xc: {  	s6 =	simm.s32 $0x0;
	[sflag:s4] =	ssyncpa.u1 $0x0;
	s5 =	sadd.s32 s30, s5  }
0xd: {  	s7 =	simm.s32 $0x280;
	[sflag:s31] =	ssyncpa.u1 $0x0;
	s5 =	sadd.s32 $0x1E400, s5  }
.LBB2_8:
0xe: {  	p1 =	seq.s32 s9, $0x2  }
.Ltmp1:
0xf: {  	_ = 	snop;
	(pc) =	sbr.rel @p1 .LBB2_10-.Ltmp1, $1  }
0x10: {  	_ =	sdelay $0x3  }
.LBB2_9:
0x11: {  	s9 =	sadd.s32 $0x1, s9;
	s10 =	smov.u32 s3  }
.LBB2_1:
0x12: {  	p1 =	sne.s32 s9, $0x0  }
.Ltmp2:
0x13: {  	_ = 	snop;
	(pc) =	sbr.rel @!p1 .LBB2_2-.Ltmp2, $1  }
0x14: {  	_ =	sdelay $0x3  }
0x15: {  	s11 =	sand.u32 $0x1, s9  }
0x16: {  	p1 =	seq.s32 s11, $0x0  }
.Ltmp3:
0x17: {  	_ = 	snop;
	(pc) =	sbr.rel @p1 .LBB2_8-.Ltmp3, $1  }
0x18: {  	_ =	sdelay $0x3  }
0x19: {  	_ =	swait.ge [sflag:s4], $0x280  }
0x1a: {  	[sflag:s4] =	ssyncset.done $0x0  }
0x1b: {  	s11 =	simm.s32 $0x0;
	p1 =	por $0x1, $0x1;
	[sflag:s4] =	ssyncadd.s32 $0xFFFFFD80  }
.LBB2_5:
0x1c: {  	v0 =	vld [tilespmem:s11+$0x280]  }
0x1d: {  	v1 =	vld [tilespmem:s11+$0x290]  }
0x1e: {  	v2 =	vld [tilespmem:s11+$0x2A0]  }
0x1f: {  	v3 =	vld [tilespmem:s11+$0x2B0]  }
0x20: {  	v4 =	vld [tilespmem:s11+$0x2C0]  }
0x21: {  	v53 =	vld [tilespmem:s11+$0x2D0];
	[tilespmem:s11+$0x780] =	vst v0  }
0x22: {  	v54 =	vld [tilespmem:s11+$0x2E0];
	[tilespmem:s11+$0x790] =	vst v1  }
0x23: {  	v55 =	vld [tilespmem:s11+$0x2F0];
	[tilespmem:s11+$0x7A0] =	vst v2  }
0x24: {  	v56 =	vld [tilespmem:s11+$0x300];
	[tilespmem:s11+$0x7B0] =	vst v3  }
0x25: {  	v57 =	vld [tilespmem:s11+$0x310];
	[tilespmem:s11+$0x7C0] =	vst v4  }
0x26: {  	v58 =	vld [tilespmem:s11+$0x320];
	[tilespmem:s11+$0x7D0] =	vst v53  }
0x27: {  	v59 =	vld [tilespmem:s11+$0x330];
	[tilespmem:s11+$0x7E0] =	vst v54  }
0x28: {  	v60 =	vld [tilespmem:s11+$0x340];
	[tilespmem:s11+$0x7F0] =	vst v55  }
0x29: {  	v61 =	vld [tilespmem:s11+$0x350];
	[tilespmem:s11+$0x800] =	vst v56  }
0x2a: {  	v62 =	vld [tilespmem:s11+$0x360];
	[tilespmem:s11+$0x810] =	vst v57  }
0x2b: {  	v63 =	vld [tilespmem:s11+$0x370];
	p2 =	por p1, p1;
	[tilespmem:s11+$0x820] =	vst v58  }
.Ltmp4:
0x2c: {  	[tilespmem:s11+$0x830] =	vst v59;
	(pc) =	sbr.rel @p2 .LBB2_5-.Ltmp4, $4  }
0x2d: {  	[tilespmem:s11+$0x840] =	vst v60  }
0x2e: {  	[tilespmem:s11+$0x850] =	vst v61  }
0x2f: {  	s12 =	simm.s32 $0x1F0;
	s13 =	simm.s32 $0x980;
	[tilespmem:s11+$0x860] =	vst v62  }
0x30: {  	s14 =	simm.s32 $0x480;
	p1 =	por $0x0, $0x0;
	[tilespmem:s11+$0x870] =	vst v63;
	s11 =	simm.s32 $0x100  }
.LBB2_6:
0x31: {  	s12 =	sadd.s32 $0x10, s12  }
0x32: {  	v0 =	vld [tilespmem:s14+$0x0];
	p1 =	slt.u32 s12, $0x270  }
.Ltmp5:
0x33: {  	_ = 	snop;
	(pc) =	sbr.rel @p1 .LBB2_6-.Ltmp5, $2  }
0x34: {  	_ =	sdelay $0x2  }
0x35: {  	s14 =	sadd.s32 $0x10, s14;
	[tilespmem:s13+$0x0] =	vst v0;
	s13 =	sadd.s32 $0x10, s13  }
.Ltmp6:
0x36: {  	(pc) =	sbr.rel .LBB2_8-.Ltmp6, $4  }
0x37: {  	_ = 	snop  }
0x38: {  	s10 =	sshrl.u32 s10, $0x3  }
0x39: {  	s10 =	sadd.s32 s2, s10  }
0x3a: {  	[hbm4b:s10+s6] =	stream.linear.scatter [tilespmem:s8], [sflag:$0x2], $0x280, $0x38;
	[tilespmem:$0xA00] =	vst v63  }
.LBB2_2:
.Ltmp7:
0x3b: {  	(pc) =	sbr.rel .LBB2_9-.Ltmp7, $2  }
0x3c: {  	_ =	sdelay $0x2  }
0x3d: {  	[tilespmem:s7], [sflag:$0x1] =	stream.linear.gather [hbm4b:s5+s6], $0x280, $0x38;
	[tilespmem:$0xA00] =	vst v63  }
.LBB2_10:
0x3e: {  	s2 =	simm.s32 $0x2  }
0x3f: {  	_ =	swait.ge [sflag:s2], $0x280  }
0x40: {  	[sflag:s2] =	ssyncset.done $0x0  }
0x41: {  	[sflag:s2] =	ssyncadd.s32 $0xFFFFFD80  }
0x42: {  	_ =	sfence.sel $0x180000  }
0x43: {  	s3 =	simm.s32 $0x1;
	[bflag:$0x0] =	sbarrier.arrive $0xFFFF  }
0x44: {  	[sflag:s3] =	ssyncpa.u1 $0x1  }
0x45: {  	[sflag:s2] =	ssyncpa.u1 $0x1  }
0x46: {  	_ =	strace $0x90000053  }
0x47: {  	s0 =	sadd.s32 @!p0 $0x100000, s0;
	[bflag:$0x2] =	sbarrier.arrive $0xFFFF  }
0x48: {  	[sflag:s0] =	ssyncadd.tile.s32 @!p0 $0x1;
	s0 =	simm.s32 @!p0 $0x3F  }
0x49: {  	_ =	swait.ge @!p0 [sflag:s0], s1  }
0x4a: {  	s1 =	ssub.s32 @!p0 $0x0, s1;
	[sflag:s0] =	ssyncset.done @!p0 $0x0  }
0x4b: {  	[sflag:s0] =	ssyncadd.s32 @!p0 s1  }
0x4c: {  	[bflag:$0x3] =	sbarrier.arrive $0xFFFF  }
0x4d: {  	_ =	shalt  }
.Lfunc_end2:
execute1_lowered:
.L_overlay_start_2:
0x4e: {  	(tag) =	ssettag $0x2  }
0x4f: {  	s1 =	rddreg [dreg:$0x0]  }
0x50: {  	s8 =	rddreg [dreg:$0x1]  }
0x51: {  	s0 =	rddreg [dreg:$0x2];
	_ =	strace $0x80000056;
	s2 =	simm.s32 $0x1  }
0x52: {  	v1 =	vimm.s32 $0xFFFFFFFF;
	[sflag:s2] =	ssyncpa.u1 $0x0  }
0x53: {  	[tilespmem:$0x10] =	vst v1  }
0x54: {  	v0 =	vimm.f32 $0.0e+00;
	[tilespmem:$0x20] =	vst v1  }
0x55: {  	[tilespmem:$0x30] =	vst v0  }
0x56: {  	[tilespmem:$0x40] =	vst v0  }
0x57: {  	[tilespmem:$0x50] =	vst v0  }
0x58: {  	s3 =	simm.s32 $0x2;
	[tilespmem:$0x60] =	vst v1  }
0x59: {  	s5 =	simm.s32 $0x7;
	s7 =	simm.s32 $0x8;
	s10 =	simm.s32 $0x9;
	[tilespmem:$0x70] =	vst v1  }
0x5a: {  	s14 =	simm.s32 $0x0;
	s15 =	simm.s32 $0xF0;
	p0 =	por $0x0, $0x0;
	[tilespmem:$0x80] =	vst v1  }
0x5b: {  	s16 =	simm.s32 $0xFFFFD980;
	s17 =	simm.s32 $0xFFFFFFFE;
	s18 =	simm.s32 $0xF;
	v1 =	vimm.s32 $0x0;
	[tilespmem:$0xB0] =	vst v0  }
0x5c: {  	s19 =	simm.s32 $0x30;
	s22 =	simm.s32 $0x0;
	s20 =	simm.s32 $0x0;
	[tilespmem:$0x90] =	vst v1  }
.Ltmp8:
0x5d: {  	[tilespmem:$0xA0] =	vst v1;
	[sflag:s3] =	ssyncpa.u1 $0x0;
	s3 =	stileid.u32;
	(pc) =	sbr.rel .LBB3_1-.Ltmp8, $4  }
0x5e: {  	s4 =	sadd.s32 $0x2BE00, s8;
	s6 =	smul.u32 $0x2780, s3;
	[sflag:s5] =	ssyncpa.u1 $0x0  }
0x5f: {  	s8 =	sadd.s32 $0x30E00, s8;
	s12 =	sshllo.u32 s3, $0x1;
	[sflag:s7] =	ssyncpa.u1 $0x0  }
0x60: {  	vm0 =	vmmov $0xffff;
	v2 =	vlaneseq.u32;
	s9 =	sadd.s32 $0x2780, s6;
	[sflag:s10] =	ssyncpa.u1 $0x0;
	s10 =	sshll.u32 s3, $0x1  }
0x61: {  	vm1 =	vmxor vm1, vm1;
	vm2 =	vmmov $0x1;
	vm3 =	vcmask $0x3F3C;
	s21 =	smov.u32 s6;
	s11 =	sor.u32 $0x81, s10;
	s13 =	sor.u32 $0x80, s10  }
.LBB3_10:
0x62: {  	p1 =	slt.u32 s20, $0x3  }
0x63: {  	s22 =	simm.s32 @!p1 $0x2  }
0x64: {  	_ =	swait.ge @!p1 [sflag:s22], $0x13C0  }
0x65: {  	[sflag:s22] =	ssyncset.done @!p1 $0x0  }
0x66: {  	[sflag:s22] =	ssyncadd.s32 @!p1 $0xFFFFEC40;
	s22 =	simm.s32 @!p1 $0x9  }
0x67: {  	_ =	swait.ge @!p1 [sflag:s22], $0x10  }
0x68: {  	s23 =	sadd.s32 $0x13C0, s21;
	s24 =	smov.u32 s6;
	[sflag:s22] =	ssyncset.done @!p1 $0x0  }
0x69: {  	s20 =	sadd.s32 $0x1, s20;
	[sflag:s22] =	ssyncadd.s32 @!p1 $0xFFFFFFF0;
	p1 =	slt.s32 s23, s9  }
0x6a: {  	s24 =	smov.u32 @p1 s23;
	p1 =	sne.s32 s20, $0x5  }
.Ltmp9:
0x6b: {  	_ = 	snop;
	(pc) =	sbr.rel @!p1 .LBB3_11-.Ltmp9, $3  }
0x6c: {  	_ =	sdelay $0x1  }
0x6d: {  	s15 =	sadd.s32 $0x13C0, s15;
	p0 =	por !p0, !p0;
	s16 =	sadd.s32 $0x13C0, s16  }
0x6e: {  	s17 =	sadd.s32 $0x1, s17;
	s22 =	smov.u32 s21;
	s21 =	smov.u32 s24  }
.LBB3_1:
0x6f: {  	p1 =	sgt.u32 s20, $0x1  }
0x70: {  	s23 =	smul.u32 @!p1 $0x4F00, s20;
	_ =	sdelay $0x1  }
0x71: {  	s24 =	sshrl.u32 @!p1 s21, $0x3;
	s23 =	sshra.s32 @!p1 s23, $0x2  }
0x72: {  	s25 =	sand.u32 @!p1 $0x7, s21;
	s24 =	sadd.s32 @!p1 s4, s24;
	s23 =	sadd.s32 @!p1 $0x100, s23  }
0x73: {  	[tilespmem:s23], [sflag:$0x7] =	stream.linear.gather @!p1 [hbm4b:s24+s25], $0x13C0, $0x38;
	[tilespmem:$0xB2E0] =	vst v63  }
0x74: {  	s23 =	sadd.s32 $0xFFFFFFFF, s20  }
0x75: {  	p1 =	sgt.u32 s23, $0x1  }
.Ltmp10:
0x76: {  	_ = 	snop;
	(pc) =	sbr.rel @p1 .LBB3_5-.Ltmp10, $1  }
0x77: {  	_ =	sdelay $0x3  }
0x78: {  	s24 =	smul.u32 $0x4F00, s23  }
0x79: {  	_ =	swait.ge [sflag:s5], $0x13C0  }
0x7a: {  	[sflag:s5] =	ssyncset.done $0x0;
	s24 =	sshra.s32 s24, $0x2  }
0x7b: {  	[sflag:s5] =	ssyncadd.s32 $0xFFFFEC40;
	(ifvalue) =	ssetifvalue $0xFFFFFFFF;
	v3 =	vld.msk [tilespmem:s24+$0x100 ss:$0x1], $0xffff;
	_ =	sdelay $0x2  }
0x7c: {  	p1 =	sne.s32 s20, $0x1  }
0x7d: {  	v4 =	vimm.s32 @!p1 $0x0  }
0x7e: {  	v4 =	vperm.xlane @!p1 v3, v4  }
0x7f: {  	s30 =	sshll.u32 s20, $0x4;
	vm4 =	vlt.u32 v3, $0x2800  }
0x80: {  	s24 =	sand.u32 $0x10, s30;
	v3 =	vnsel vm4, $0xFFFFFFFE, v3;
	vm4 =	vlt.u32 @!p1 v4, $0x2800  }
0x81: {  	[tilespmem:s24+$0x60] =	vst v3;
	v3 =	vnsel @!p1 vm4, $0xFFFFFFFE, v4  }
0x82: {  	[tilespmem:$0x80] =	vst @!p1 v3  }
0x83: {  	v3 =	vld.msk [tilespmem:s15+$0x0 ss:$0x1], $0xffff;
	_ =	sdelay $0x4  }
0x84: {  	(xrf1) =	vunique.msk.u32 $0xffff, v3;
	_ =	sdelay $0xd  }
0x85: {  	v4 =	vimm.s32 $0xFFFFFFFF;
	v5, _, _ =	vpop (xrf1)  }
0x86: {  	vm5 =	vne.s32 v3, v4;
	vm4 =	veq.s32 v5, v2  }
0x87: {  	vm6 =	vlt.u32 v3, $0x2800;
	vm4 =	vmand vm5, vm4  }
0x88: {  	vm4 =	vmand vm6, vm4  }
0x89: {  	v4 =	vnsel vm4, $0xFFFFFFFF, v3  }
0x8a: {  	s31 =	sand.u32 $0x1, s23  }
0x8b: {  	s23 =	simm.s32 $0x13C0;
	p1 =	seq.s32 s31, $0x1  }
0x8c: {  	s23 =	simm.s32 @!p1 $0x0  }
0x8d: {  	s24 =	sadd.s32 $0x4FF0, s23;
	(ifvalue) =	ssetifvalue $0xFFFFFFFF  }
0x8e: {  	v3 =	vperm.xlane v3, v1;
	[tilespmem:s24], [sflag:$0x8] =	stream.indirect_vreg.gather [hbm4b:s1+s14], $0x1, v4, vm0, $0x4038;
	v4 =	vnsel vm6, $0xFFFFFFFE, v4;
	[tilespmem:$0xB2E0] =	vst v63  }
0x8f: {  	s25 =	simm.s32 $0x0;
	s26 =	sadd.s32 $0xFFFFFFF0, s15;
	[tilespmem:s15+$0x0] =	vst v4  }
.LBB3_3:
0x90: {  	v4 =	vld.msk [tilespmem:s26+$0x0 ss:$0x1], $0xffff;
	s25 =	sadd.s32 $0x10, s25;
	v5 =	vmov v3;
	s28 =	smov.u32 s26  }
0x91: {  	p1 =	slt.u32 s25, $0x13B0;
	_ =	sdelay $0x4  }
0x92: {  	v3 =	vperm.xlane v4, v1;
	(xrf1) =	vunique.msk.u32 $0xffff, v4;
	_ =	sdelay $0xd  }
0x93: {  	v6, _, _ =	vpop (xrf1)  }
0x94: {  	vm5 =	vne.s32 v4, v5;
	vm4 =	veq.s32 v6, v2  }
0x95: {  	vm6 =	vlt.u32 v4, $0x2800;
	vm4 =	vmand vm5, vm4  }
0x96: {  	vm4 =	vmand vm6, vm4  }
0x97: {  	v4 =	vnsel vm4, $0xFFFFFFFF, v4  }
.Ltmp11:
0x98: {  	v5 =	vnsel vm6, $0xFFFFFFFE, v4;
	(pc) =	sbr.rel @p1 .LBB3_3-.Ltmp11, $3  }
0x99: {  	_ =	sdelay $0x1  }
0x9a: {  	s26 =	sadd.s32 $0xFFFFFFF0, s26;
	s24 =	sadd.s32 $0xFFFFFFF0, s24;
	(ifvalue) =	ssetifvalue $0xFFFFFFFF  }
0x9b: {  	[tilespmem:s24], [sflag:$0x8] =	stream.indirect_vreg.gather [hbm4b:s1+s14], $0x1, v4, vm0, $0x4038;
	[tilespmem:s28+$0x0] =	vst v5  }
0x9c: {  	s22 =	sshrl.u32 s22, $0x3  }
0x9d: {  	s23 =	sadd.s32 $0x63C0, s23;
	s22 =	sadd.s32 s8, s22  }
0x9e: {  	[tilespmem:s23], [sflag:$0x8] =	stream.linear.gather [hbm:s22], $0x13C0, $0x38;
	[tilespmem:$0xB2E0] =	vst v63  }
.LBB3_5:
0x9f: {  	p1 =	sgt.u32 s20, $0x4  }
.Ltmp12:
0xa0: {  	_ = 	snop;
	(pc) =	sbr.rel @p1 .LBB3_7-.Ltmp12, $1  }
0xa1: {  	_ =	sdelay $0x3  }
0xa2: {  	s22 =	sshll.u32 s2, s20  }
0xa3: {  	s22 =	sand.u32 $0x13, s22  }
0xa4: {  	p1 =	sne.s32 s22, $0x0  }
.Ltmp13:
0xa5: {  	_ = 	snop;
	(pc) =	sbr.rel @p1 .LBB3_10-.Ltmp13, $1  }
0xa6: {  	_ =	sdelay $0x3  }
.LBB3_7:
0xa7: {  	s22 =	sadd.s32 $0xFFFFFFFE, s20  }
0xa8: {  	s23 =	smulhi.u32 $0xAAAAAAAB, s22;
	_ =	sdelay $0x1  }
0xa9: {  	s23 =	sshrl.u32 s23, $0x1  }
0xaa: {  	s23 =	smul.u32 $0x3, s23;
	_ =	sdelay $0x1  }
0xab: {  	s22 =	ssub.s32 s22, s23  }
0xac: {  	_ =	swait.ge [sflag:s7], $0x2780;
	s26 =	smul.u32 $0x13C0, s22  }
0xad: {  	p1 =	sne.s32 s20, $0x3;
	[sflag:s7] =	ssyncset.done $0x0  }
0xae: {  	[sflag:s7] =	ssyncadd.s32 $0xFFFFD880;
	s22 =	sadd.s32 @!p1 $0x14BF, s26  }
0xaf: {  	[spmem:s11] =	stream.linear.scatter @!p1 [tilespmem:s22], [sflag:$0x1], $0x1, $0x38;
	[tilespmem:$0xB2E0] =	vst v63  }
0xb0: {  	s22 =	simm.s32 @!p1 $0x1  }
0xb1: {  	_ =	swait.ge @!p1 [sflag:s22], $0x1  }
0xb2: {  	s25 =	sshll.u32 s20, $0x4;
	[sflag:s22] =	ssyncset.done @!p1 $0x0  }
0xb3: {  	[sflag:s22] =	ssyncadd.s32 @!p1 $0xFFFFFFFF;
	s22 =	sand.u32 $0x10, s25  }
0xb4: {  	v4 =	vld [tilespmem:s22+$0x10];
	s28 =	sxor.u32 $0x10, s22  }
0xb5: {  	v5 =	vld [tilespmem:s28+$0x60]  }
0xb6: {  	v3 =	vld [tilespmem:$0x80];
	_ =	sdelay $0x2  }
0xb7: {  	(v2sf) =	vpush v4, $0x0  }
0xb8: {  	(v2sf) =	vpush v5, $0x0  }
0xb9: {  	(v2sf) =	vpush v3, $0x0;
	_ =	sdelay $0xc  }
0xba: {  	s23 =	spop (v2sf)  }
0xbb: {  	s25 =	spop (v2sf)  }
0xbc: {  	s24 =	spop (v2sf)  }
0xbd: {  	p2 =	seq.s32 s23, s25;
	p3 =	seq.s32 s24, s23  }
0xbe: {  	p3 =	por p2, p3  }
0xbf: {  	s23 =	sand.u32 $0x1, s20;
	v4 =	vpsel p3, $0xFFFFFFFF, v4  }
0xc0: {  	s25 =	smul.u32 $0x13C0, s23;
	[tilespmem:s22+$0x10] =	vst.msk $0x1, v4  }
0xc1: {  	v4 =	vld [tilespmem:$0x30]  }
0xc2: {  	v5 =	vld [tilespmem:s25+$0x63C0]  }
0xc3: {  	v6 =	vld [tilespmem:s22+$0x40];
	_ =	sdelay $0x3  }
0xc4: {  	vm4 =	vmmov vm1;
	v5 =	vadd.f32 v5, v4  }
0xc5: {  	vm5 =	vmmov vm2;
	vm4 =	vmmov @p2 vm2;
	s23 =	sshll.u32 s23, $0x4;
	v4 =	vadd.f32 v6, v4  }
0xc6: {  	vm5 =	vmmov @p3 vm1;
	s23 =	sor.u32 $0xB2C0, s23;
	[tilespmem:s25+$0x63C0] =	vst.msk vm4, v5  }
0xc7: {  	[tilespmem:s23+$0x0] =	vst.msk vm5, v4  }
0xc8: {  	v4 =	vld [tilespmem:s25+$0x4FF0];
	_ =	sdelay $0x3  }
0xc9: {  	v5 =	vimm.f32 $0.0e+00  }
0xca: {  	v4 =	vshift.insert v4, v5, s18  }
0xcb: {  	s29 =	sor.u32 $0x40, s28  }
0xcc: {  	[tilespmem:s29+$0x0] =	vst.msk $0x1, v4  }
0xcd: {  	[tilespmem:s25+$0x4FFF] =	vst.msk $0x1, v5  }
0xce: {  	v4 =	vld [tilespmem:s26+$0x14B0];
	_ =	sdelay $0x1  }
0xcf: {  	s29 =	smulhi.u32 $0xAAAAAAAB, s17;
	s26 =	simm.s32 $0x1  }
0xd0: {  	s26 =	simm.s32 @!p0 $0x0  }
0xd1: {  	s29 =	sshrl.u32 s29, $0x1;
	s26 =	smul.u32 $0x4F00, s26  }
0xd2: {  	s29 =	smul.u32 $0xFFFF1300, s29;
	v4 =	vshift.insert v4, v1, s18  }
0xd3: {  	s30 =	sshrl.u32 s26, $0x2  }
0xd4: {  	s29 =	sshra.s32 s29, $0x2;
	s26 =	sadd.s32 $0x63C0, s30;
	[tilespmem:s28+$0x10] =	vst.msk $0x1, v4  }
0xd5: {  	s31 =	sadd.s32 s29, s16;
	v6 =	vld [tilespmem:s26+$0x0]  }
0xd6: {  	v7 =	vld [tilespmem:s31+$0x0];
	_ =	sdelay $0x3  }
0xd7: {  	v5 =	vadd.f32 v6, v5  }
0xd8: {  	vm4 =	vne.s32 v7, $0xFFFFFFFF  }
0xd9: {  	(xrf2) =	vadd.seg.scan.f32 vm4, v5;
	_ =	sdelay $0x3  }
0xda: {  	s28 =	sadd.s32 $0x3C40, s30;
	v5 =	vperm.xlane v4, v1  }
0xdb: {  	v6 =	vld [tilespmem:s28+$0x0]  }
0xdc: {  	vm5 =	veq.s32 v7, v3;
	vm6 =	veq.s32 v7, v5  }
0xdd: {  	vm7 =	vgt.u32 v7, $0xFFFFFFFD;
	vm6 =	vmor vm6, vm5  }
0xde: {  	vm6 =	vmor vm6, vm7  }
0xdf: {  	v9 =	vld [tilespmem:$0xA0];
	v7 =	vsel vm6, $0xFFFFFFFF, v7  }
0xe0: {  	v10 =	vld [tilespmem:$0x90];
	v6 =	vsel vm5, $0x0, v6;
	v8, _, _ =	vpop (xrf2)  }
0xe1: {  	v6 =	vadd.f32 v8, v6  }
0xe2: {  	s29 =	sadd.s32 $0x8B40, s30  }
0xe3: {  	vm4 =	vmand vm4, vm3;
	[tilespmem:s29+$0x0] =	vst v6;
	(ifvalue) =	ssetifvalue $0xFFFFFFFF  }
0xe4: {  	vm6 =	veq.s32 v9, $0x1;
	[hbm4b:s1+s14] =	stream.indirect_vreg.scatter [tilespmem:s29], [sflag:$0x2], $0x1, v7, vm0, $0x4038;
	v7 =	vsel vm4, $0x0, v8;
	[tilespmem:$0xB2E0] =	vst v63  }
0xe5: {  	s30 =	simm.s32 $0x0;
	s31 =	sadd.s32 $0x10, s31;
	vm4 =	vmor vm6, vm5;
	v6 =	vsel vm5, v8, v10;
	v7 =	vshift.insert v7, v0, s18  }
.LBB3_8:
0xe6: {  	v8 =	vld [tilespmem:s31+$0x0];
	s26 =	sadd.s32 $0x10, s26  }
0xe7: {  	s28 =	sadd.s32 $0x10, s28;
	v9 =	vld [tilespmem:s26+$0x0]  }
0xe8: {  	s30 =	sadd.s32 $0x10, s30;
	v10 =	vld [tilespmem:s28+$0x0]  }
0xe9: {  	p2 =	slt.u32 s30, $0x13B0;
	_ =	sdelay $0x2  }
0xea: {  	v7 =	vadd.f32 v9, v7  }
0xeb: {  	vm5 =	vne.s32 v8, $0xFFFFFFFF  }
0xec: {  	vm6 =	vmand vm5, vm3;
	(xrf2) =	vadd.seg.scan.f32 vm5, v7;
	_ =	sdelay $0x5  }
0xed: {  	vm7 =	veq.s32 v8, v5;
	vm5 =	veq.s32 v8, v3  }
0xee: {  	vm8 =	vgt.u32 v8, $0xFFFFFFFD;
	vm4 =	vmor vm4, vm5;
	vm7 =	vmor vm7, vm5  }
0xef: {  	vm7 =	vmor vm7, vm8  }
0xf0: {  	v8 =	vsel vm7, $0xFFFFFFFF, v8  }
.Ltmp14:
0xf1: {  	v7 =	vsel vm5, $0x0, v10;
	v9, _, _ =	vpop (xrf2);
	(pc) =	sbr.rel @p2 .LBB3_8-.Ltmp14, $4  }
0xf2: {  	v6 =	vsel vm5, v9, v6;
	v10 =	vadd.f32 v9, v7;
	v7 =	vsel vm6, $0x0, v9  }
0xf3: {  	s29 =	sadd.s32 $0x10, s29;
	v7 =	vshift.insert v7, v0, s18  }
0xf4: {  	s31 =	sadd.s32 $0x10, s31;
	[tilespmem:s29+$0x0] =	vst v10;
	(ifvalue) =	ssetifvalue $0xFFFFFFFF  }
0xf5: {  	[hbm4b:s1+s14] =	stream.indirect_vreg.scatter [tilespmem:s29], [sflag:$0x2], $0x1, v8, vm0, $0x4038;
	[tilespmem:$0xB2E0] =	vst v63  }
0xf6: {  	v3 =	vld [tilespmem:s25+$0x9EF0];
	_ =	sdelay $0x4  }
0xf7: {  	v3 =	vshift.insert v3, v0, s18;
	_ =	sdelay $0x1  }
0xf8: {  	[tilespmem:s19+$0x0] =	vst.msk $0x1, v3  }
0xf9: {  	v3 =	vsel vm4, $0x1, v1;
	[tilespmem:$0x90] =	vst v6  }
0xfa: {  	s25 =	sadd.s32 @!p1 $0x9EFF, s25;
	[tilespmem:$0xA0] =	vst v3  }
0xfb: {  	[spmem:s12] =	stream.linear.scatter @!p1 [tilespmem:s25], [sflag:$0x1], $0x1, $0x38;
	[tilespmem:$0xB2E0] =	vst v63  }
0xfc: {  	s25 =	simm.s32 @!p1 $0x1  }
0xfd: {  	v3 =	vmctz.xlane @!p1 vm4;
	_ =	swait.ge @!p1 [sflag:s25], $0x1  }
0xfe: {  	(v2sf) =	vpush @!p1 v4, $0x0  }
0xff: {  	(v2sf) =	vpush @!p1 v3, $0x0;
	_ =	sdelay $0xd  }
0x100: {  	s26 =	spop @!p1 (v2sf)  }
0x101: {  	s28 =	spop @!p1 (v2sf)  }
0x102: {  	p2 =	sne.s32 @!p1 s24, s26;
	p3 =	slt.s32 @!p1 s28, $0xF  }
0x103: {  	[sflag:s25] =	ssyncset.done @!p1 $0x0;
	p2 =	por p2, p1;
	p3 =	por !p3, p1  }
0x104: {  	[sflag:s25] =	ssyncadd.s32 @!p1 $0xFFFFFFFF;
	v3 =	vimm.s32 @!p2 $0xFFFFFFFF;
	s28 =	simm.s32 @p3 $0xF  }
0x105: {  	[tilespmem:$0x80] =	vst @!p2 v3;
	s24 =	sadd.s32 @!p1 $0x90, s28  }
0x106: {  	[spmem:s10] =	stream.linear.scatter @!p1 [tilespmem:s24], [sflag:$0x1], $0x1, $0x38;
	[tilespmem:$0xB2E0] =	vst v63  }
0x107: {  	_ =	swait.ge @!p1 [sflag:s25], $0x1  }
0x108: {  	[sflag:s25] =	ssyncset.done @!p1 $0x0  }
0x109: {  	s24 =	simm.s32 @!p1 $0x80;
	[sflag:s25] =	ssyncadd.s32 @!p1 $0xFFFFFFFF  }
0x10a: {  	[spmem:s13] =	stream.linear.scatter @!p1 [tilespmem:s24], [sflag:$0x1], $0x1, $0x38;
	[tilespmem:$0xB2E0] =	vst v63  }
0x10b: {  	_ =	swait.ge @!p1 [sflag:s25], $0x1  }
0x10c: {  	[sflag:s25] =	ssyncset.done @!p1 $0x0  }
0x10d: {  	[sflag:s25] =	ssyncadd.s32 @!p1 $0xFFFFFFFF;
	(ifvalue) =	ssetifvalue $0xFFFFFFFF;
	v3 =	vld [tilespmem:s22+$0x10];
	_ =	sdelay $0x3  }
.Ltmp15:
0x10e: {  	_ = 	snop;
	(pc) =	sbr.rel .LBB3_10-.Ltmp15, $3  }
0x10f: {  	_ =	sdelay $0x1  }
0x110: {  	(ifvalue) =	ssetifvalue $0xFFFFFFFF  }
0x111: {  	[hbm4b:s1+s14] =	stream.indirect_vreg.scatter [tilespmem:s23], [sflag:$0x9], $0x1, v3, vm0, $0x4038;
	[tilespmem:$0xB2E0] =	vst v63  }
.LBB3_11:
0x112: {  	_ =	sfence.sel $0x180000  }
0x113: {  	s2 =	simm.s32 $0x7;
	[bflag:$0x0] =	sbarrier.arrive $0xFFFF  }
0x114: {  	s26 =	simm.s32 $0x8;
	[sflag:s2] =	ssyncpa.u1 $0x1  }
0x115: {  	s28 =	simm.s32 $0x9;
	[sflag:s26] =	ssyncpa.u1 $0x1  }
0x116: {  	[sflag:s28] =	ssyncpa.u1 $0x1  }
0x117: {  	_ =	sfence.stream.spmem  }
0x118: {  	s29 =	simm.s32 $0x3;
	[bflag:$0x0] =	sbarrier.arrive $0xFFFF  }
0x119: {  	s30 =	simm.s32 $0x4;
	[sflag:s29] =	ssyncpa.u1 $0x1  }
0x11a: {  	s31 =	simm.s32 $0x3C;
	[sflag:s30] =	ssyncpa.u1 $0x1  }
0x11b: {  	p0 =	sne.s32 s3, $0x0;
	[sflag:s31] =	ssyncpa.u1 $0x1  }
0x11c: {  	s0 =	simm.s32 @p0 $0x1;
	_ =	sfence @p0  }
0x11d: {  	[sflag:s0] =	ssyncpa.u1 @p0 $0x1;
	s0 =	simm.s32 @p0 $0x2  }
0x11e: {  	[sflag:s0] =	ssyncpa.u1 @p0 $0x1  }
0x11f: {  	_ =	strace @p0 $0x90000056  }
0x120: {  	[bflag:$0x2] =	sbarrier.arrive @p0 $0xFFFF  }
0x121: {  	_ =	shalt @p0  }
.LBB3_12:
0x122: {  	_ =	sfence.stream.spmem;
	s4 =	simm.s32 $0x5  }
0x123: {  	s2 =	simm.s32 $0x80;
	s3 =	simm.s32 $0xC0;
	[sflag:s4] =	ssyncpa.u1 $0x0  }
0x124: {  	[tilespmem:s3], [sflag:$0x5] =	stream.linear.gather [spmem:s2], $0x20, $0x38;
	[tilespmem:$0xB2E0] =	vst v63  }
0x125: {  	s2 =	simm.s32 $0x0;
	s3 =	simm.s32 $0xE0  }
0x126: {  	[tilespmem:s3], [sflag:$0x5] =	stream.linear.gather [spmem:s2], $0x20, $0x38;
	[tilespmem:$0xB2E0] =	vst v63  }
.Ltmp16:
0x127: {  	_ = 	snop;
	(pc) =	sbr.rel .LBB3_13-.Ltmp16, $4  }
0x128: {  	_ =	swait.ge [sflag:s4], $0x40  }
0x129: {  	[sflag:s4] =	ssyncset.done $0x0  }
0x12a: {  	s31 =	simm.s32 $0x6;
	[sflag:s4] =	ssyncadd.s32 $0xFFFFFFC0  }
0x12b: {  	s4 =	simm.s32 $0x0;
	[sflag:s31] =	ssyncpa.u1 $0x0  }
.LBB3_18:
0x12c: {  	p0 =	sgt.u32 s5, $0x27FF  }
0x12d: {  	s6 =	sshrl.u32 @!p0 s5, $0x3  }
0x12e: {  	s5 =	sand.u32 @!p0 $0x7, s5;
	s7 =	simm.s32 @!p0 $0xB0;
	s6 =	sadd.s32 @!p0 s1, s6  }
0x12f: {  	[tilespmem:s7], [sflag:$0x6] =	stream.linear.gather @!p0 [hbm4b:s6+s5], $0x1, $0x38;
	[tilespmem:$0xB2E0] =	vst v63  }
0x130: {  	s5 =	simm.s32 @!p0 $0x6  }
0x131: {  	_ =	swait.ge @!p0 [sflag:s5], $0x1  }
0x132: {  	[sflag:s5] =	ssyncset.done @!p0 $0x0  }
0x133: {  	[sflag:s5] =	ssyncadd.s32 @!p0 $0xFFFFFFFF  }
0x134: {  	v2 =	vmov @!p0 s4;
	v1 =	vld.msk @!p0 [tilespmem:$0xB0], $0x1;
	_ =	sdelay $0x3  }
0x135: {  	s5 =	simm.s32 @!p0 $0xE0  }
0x136: {  	[tilespmem:v2+s5+$0x0], v1 =	vst.idx.ret.add.f32.msk @!p0 $0x1, v1  }
0x137: {  	[tilespmem:s2+$0xC0] =	vst.msk $0x1, v0  }
0x138: {  	v0 =	vld.msk [tilespmem:s4+$0xE0], $0x1;
	_ =	sdelay $0x4  }
0x139: {  	[tilespmem:s2+$0xE0] =	vst.msk $0x1, v0;
	s2 =	sadd.s32 $0x1, s2  }
.LBB3_20:
0x13a: {  	s4 =	sadd.s32 $0x1, s4  }
0x13b: {  	p0 =	sne.s32 s4, $0x20  }
.Ltmp17:
0x13c: {  	_ = 	snop;
	(pc) =	sbr.rel @!p0 .LBB3_21-.Ltmp17, $1  }
0x13d: {  	_ =	sdelay $0x3  }
.LBB3_13:
0x13e: {  	v0 =	vld.msk [tilespmem:s4+$0xC0], $0x1;
	_ =	sdelay $0x4  }
0x13f: {  	(v2sf) =	vpush v0, $0x0;
	_ =	sdelay $0xe  }
0x140: {  	s5 =	spop (v2sf)  }
0x141: {  	p0 =	seq.s32 s5, $0xFFFFFFFF  }
.Ltmp18:
0x142: {  	_ = 	snop;
	(pc) =	sbr.rel @p0 .LBB3_20-.Ltmp18, $1  }
0x143: {  	_ =	sdelay $0x3  }
0x144: {  	p0 =	slt.s32 s2, $0x1  }
.Ltmp19:
0x145: {  	_ = 	snop;
	(pc) =	sbr.rel @p0 .LBB3_18-.Ltmp19, $1  }
0x146: {  	_ =	sdelay $0x3  }
0x147: {  	s6 =	simm.s32 $0xC0;
	p0 =	por $0x0, $0x0  }
0x148: {  	v1 =	vld.msk @!p0 [tilespmem:s6+$0x0], $0x1;
	_ =	sdelay $0x4  }
0x149: {  	(v2sf) =	vpush @!p0 v1, $0x0;
	_ =	sdelay $0xd  }
0x14a: {  	p2 =	sne.s32 s2, $0x1  }
.Ltmp20:
0x14b: {  	s7 =	spop @!p0 (v2sf);
	(pc) =	sbr.rel @!p2 .LBB3_17-.Ltmp20, $4  }
0x14c: {  	p1 =	seq.s32 @!p0 s5, s7  }
0x14d: {  	s7 =	simm.s32 $0x0;
	p1 =	por !p1, p0  }
0x14e: {  	s9 =	simm.s32 $0xFFFFFFFF;
	s7 =	simm.s32 @p1 $0xFFFFFFFF  }
0x14f: {  	s8 =	simm.s32 $0x1;
	s7 =	smov.u32 @p0 s9  }
.LBB3_16:
0x150: {  	s9 =	smov.u32 s7;
	p0 =	sne.s32 s7, $0xFFFFFFFF  }
0x151: {  	s6 =	sadd.s32 $0x1, s6;
	s7 =	smov.u32 s8;
	s8 =	sadd.s32 $0x1, s8  }
0x152: {  	p1 =	sne.s32 s2, s8;
	v1 =	vld.msk @!p0 [tilespmem:s6+$0x0], $0x1;
	_ =	sdelay $0x4  }
0x153: {  	(v2sf) =	vpush @!p0 v1, $0x0;
	_ =	sdelay $0xe  }
.Ltmp21:
0x154: {  	s10 =	spop @!p0 (v2sf);
	(pc) =	sbr.rel @p1 .LBB3_16-.Ltmp21, $4  }
0x155: {  	p2 =	seq.s32 @!p0 s5, s10  }
0x156: {  	p2 =	por !p2, p0  }
0x157: {  	s7 =	simm.s32 @p2 $0xFFFFFFFF  }
0x158: {  	s7 =	smov.u32 @p0 s9  }
.LBB3_17:
0x159: {  	p0 =	sne.s32 s7, $0xFFFFFFFF  }
.Ltmp22:
0x15a: {  	_ = 	snop;
	(pc) =	sbr.rel @!p0 .LBB3_18-.Ltmp22, $1  }
0x15b: {  	_ =	sdelay $0x3  }
0x15c: {  	v0 =	vld.msk [tilespmem:s4+$0xE0], $0x1;
	v1 =	vmov s7  }
.Ltmp23:
0x15d: {  	_ = 	snop;
	(pc) =	sbr.rel .LBB3_20-.Ltmp23, $2  }
0x15e: {  	_ =	sdelay $0x2  }
0x15f: {  	[tilespmem:v1+s3+$0x0], v0 =	vst.idx.ret.add.f32.msk $0x1, v0  }
.LBB3_21:
0x160: {  	p0 =	slt.s32 s2, $0x1  }
.Ltmp24:
0x161: {  	_ = 	snop;
	(pc) =	sbr.rel @p0 .LBB3_25-.Ltmp24, $3  }
0x162: {  	_ =	sdelay $0x1  }
0x163: {  	s3 =	simm.s32 $0x6  }
0x164: {  	[sflag:s3] =	ssyncpa.u1 $0x1;
	s3 =	simm.s32 $0x0  }
0x165: {  	s4 =	simm.s32 $0xC0  }
0x166: {  	v0 =	vld.msk [tilespmem:s4+$0x0], $0x1;
	_ =	sdelay $0x4  }
0x167: {  	(v2sf) =	vpush v0, $0x0;
	_ =	sdelay $0xe  }
0x168: {  	s2 =	sadd.s32 $0xFFFFFFFF, s2;
	s5 =	spop (v2sf)  }
0x169: {  	p1 =	sne.s32 s2, $0x0;
	p0 =	sgt.u32 s5, $0x27FF  }
.Ltmp25:
0x16a: {  	s6 =	sshrl.u32 @!p0 s5, $0x3;
	(pc) =	sbr.rel @!p1 .LBB3_24-.Ltmp25, $4  }
0x16b: {  	s4 =	simm.s32 $0xE0;
	s5 =	sand.u32 @!p0 $0x7, s5;
	s6 =	sadd.s32 @!p0 s1, s6  }
0x16c: {  	[hbm4b:s6+s5] =	stream.linear.scatter @!p0 [tilespmem:s4], [sflag:$0x5], $0x1, $0x38;
	[tilespmem:$0xB2E0] =	vst v63  }
0x16d: {  	s6 =	simm.s32 $0x0  }
0x16e: {  	s5 =	simm.s32 $0xC1;
	s6 =	simm.s32 @!p0 $0x4  }
.LBB3_23:
0x16f: {  	v0 =	vld.msk [tilespmem:s5+$0x0], $0x1;
	s2 =	sadd.s32 $0xFFFFFFFF, s2;
	s3 =	sadd.s32 s3, s6  }
0x170: {  	p0 =	sne.s32 s2, $0x0;
	_ =	sdelay $0x3  }
0x171: {  	(v2sf) =	vpush v0, $0x0;
	_ =	sdelay $0xe  }
.Ltmp26:
0x172: {  	s7 =	spop (v2sf);
	(pc) =	sbr.rel @p0 .LBB3_23-.Ltmp26, $4  }
0x173: {  	s6 =	simm.s32 $0x0;
	p1 =	sgt.u32 s7, $0x27FF  }
0x174: {  	s4 =	sadd.s32 $0x1, s4;
	s6 =	simm.s32 @!p1 $0x4;
	s8 =	sshrl.u32 @!p1 s7, $0x3  }
0x175: {  	s5 =	sadd.s32 $0x1, s5;
	s7 =	sand.u32 @!p1 $0x7, s7;
	s8 =	sadd.s32 @!p1 s1, s8  }
0x176: {  	[hbm4b:s8+s7] =	stream.linear.scatter @!p1 [tilespmem:s4], [sflag:$0x5], $0x1, $0x38;
	[tilespmem:$0xB2E0] =	vst v63  }
.LBB3_24:
0x177: {  	s1 =	sadd.s32 s3, s6  }
0x178: {  	s3 =	sshrl.u32 s1, $0x2  }
.LBB3_25:
0x179: {  	s1 =	simm.s32 $0x5  }
0x17a: {  	_ =	swait.ge [sflag:s1], s3  }
0x17b: {  	s2 =	ssub.s32 $0x0, s3;
	[sflag:s1] =	ssyncset.done $0x0  }
0x17c: {  	[sflag:s1] =	ssyncadd.s32 s2  }
0x17d: {  	[sflag:s1] =	ssyncpa.u1 $0x1  }
0x17e: {  	s30 =	simm.s32 $0x1;
	_ =	sfence  }
0x17f: {  	s31 =	simm.s32 $0x2;
	[sflag:s30] =	ssyncpa.u1 $0x1  }
0x180: {  	[sflag:s31] =	ssyncpa.u1 $0x1  }
0x181: {  	_ =	strace $0x90000056  }
0x182: {  	s0 =	sadd.s32 $0x100000, s0;
	[bflag:$0x2] =	sbarrier.arrive $0xFFFF  }
0x183: {  	[sflag:s0] =	ssyncadd.tile.s32 $0x1;
	_ =	shalt  }
.Lfunc_end3:
_tile_overlayer_lowered:
.L_overlay_start_3:
0x184: {  	(tag) =	ssettag $0x3  }
0x185: {  	s0 =	rddreg [dreg:$0x0];
	s2 =	stileid.u32  }
0x186: {  	s1 =	rddreg [dreg:$0x1];
	p0 =	sne.s32 s2, $0x0  }
0x187: {  	s3 =	rddreg [dreg:$0x2];
	[bflag:$0x3] =	sbarrier.arrive $0xFFFF;
	s2 =	simm.s32 @!p0 $0x1C01  }
0x188: {  	[timem:s3], [sflag:s2] =	dma.local @!p0 [hbm:s0], s1  }
0x189: {  	s0 =	simm.s32 @!p0 $0x1  }
0x18a: {  	_ =	swait.ge @!p0 [sflag:s0], s1  }
0x18b: {  	s1 =	ssub.s32 @!p0 $0x0, s1;
	[sflag:s0] =	ssyncset.done @!p0 $0x0  }
0x18c: {  	[sflag:s0] =	ssyncadd.s32 @!p0 s1  }
0x18d: {  	[bflag:$0x3] =	sbarrier.arrive $0xFFFF  }
0x18e: {  	_ =	shalt  }

// kernel: scatter_offload_async_start.2
scs
__scs_entry_jumppad:
0x0: {  	(pc) =	sbr.rel $0x88, $3  }
0x1: {  	(tag) =	ssettag $0x0;
	lr =	simm.s32 $0x1  }
0x2: {  	[smem:$0x3F9B] =	sst lr;
	_ =	strace $0xD0000000  }
0x3: {  	_ = 	snop  }
0x4: {  	_ = 	snop  }
0x5: {  	_ = 	snop  }
0x6: {  	_ = 	snop  }
0x7: {  	_ = 	snop  }
__scs_overlays_trampoline_lowered:
0x8: {  	[smem:$0x3FAA] =	sst s0  }
0x9: {  	[smem:$0x3FAB] =	sst s1  }
0xa: {  	[smem:$0x3FAC] =	sst s2  }
0xb: {  	[smem:$0x3FAD] =	sst s3  }
0xc: {  	[smem:$0x3FAE] =	sst s4  }
0xd: {  	[smem:$0x3FAF] =	sst s5  }
0xe: {  	[smem:$0x3FB0] =	sst s6  }
0xf: {  	[smem:$0x3FB1] =	sst s7  }
0x10: {  	[smem:$0x3FB2] =	sst s8  }
0x11: {  	[smem:$0x3FB3] =	sst s9;
	s0 =	simm.s32 @!p0 $0x0  }
0x12: {  	s1 =	sld [smem:$0x3F99];
	s0 =	simm.s32 @p0 $0x1  }
0x13: {  	[smem:$0x3FB4] =	sst s0;
	s0 =	simm.s32 @!p1 $0x0  }
0x14: {  	s2 =	sld [smem:$0x3F98];
	s0 =	simm.s32 @p1 $0x1  }
0x15: {  	[smem:$0x3FB5] =	sst s0;
	s0 =	simm.s32 @!p2 $0x0  }
0x16: {  	s3 =	sld [smem:$0x3FDB];
	s0 =	simm.s32 @p2 $0x1  }
0x17: {  	s4 =	simm.s32 $0x1BF5;
	[smem:$0x3FB7] =	sst s0  }
0x18: {  	s0 =	sld [smem:$0x3F9A];
	_ =	swait.ge [sflag:s4], $0x0  }
0x19: {  	s7 =	sld [smem:$0x3F9B]  }
0x1a: {  	s8 =	sadd.s32 $0xFFFFE003, lr  }
0x1b: {  	s9 =	sadd.s32 $0xFFFFFEF7, lr;
	s5 =	simm.s32 $0xFFFFFFFF;
	p2 =	slt.u32 s8, $0xFFFFF086  }
0x1c: {  	p1 =	slt.u32 s9, $0xF7A;
	s5 =	simm.s32 @!p2 $0x0  }
0x1d: {  	s5 =	simm.s32 @p1 $0x1;
	p0 =	seq.s32 s7, s2  }
0x1e: {  	s7 =	smul.u32 @!p0 $0xF7A, s2;
	p2 =	seq.s32 @!p0 s5, $0x0  }
0x1f: {  	s9 =	smul.u32 $0xF7A, s1;
	s8 =	simm.s32 @!p0 $0x1BF5;
	p2 =	por !p2, p0  }
0x20: {  	[sflag:s8] =	ssyncset.s32 @!p0 $0xFFFFF086;
	s6 =	sadd.s32 @!p0 s3, s7;
	s7 =	simm.s32 @!p0 $0x108  }
0x21: {  	s3 =	sadd.s32 s3, s9;
	s6 =	sadd.s32 @!p0 $0x88, s6;
	s7 =	simm.s32 @p2 $0x1082  }
0x22: {  	[simem:s7], [sflag:s8] =	dma.local @!p0 [hbm:s6], $0xF7A  }
0x23: {  	s9 =	sor.u32 $0xD0000000, s2;
	s6 =	simm.s32 $0x108;
	_ =	swait.ge @!p0 [sflag:s8], $0x0  }
0x24: {  	s3 =	sadd.s32 $0x88, s3;
	s6 =	simm.s32 @!p1 $0x1082;
	[sflag:s4] =	ssyncset.s32 $0xFFFFF086  }
0x25: {  	[simem:s6], [sflag:s4] =	dma.local [hbm:s3], $0xF7A  }
0x26: {  	[smem:$0x3F9B] =	sst s1;
	(tag) =	ssettag s2;
	_ =	strace s9  }
0x27: {  	s1 =	sld [smem:$0x3FAB]  }
0x28: {  	s2 =	sld [smem:$0x3FAC]  }
0x29: {  	s4 =	sld [smem:$0x3FAE]  }
0x2a: {  	p0 =	seq.s32 s5, $0x0;
	s5 =	sld [smem:$0x3FAF]  }
0x2b: {  	s6 =	sld [smem:$0x3FB0]  }
0x2c: {  	s7 =	sld [smem:$0x3FB1]  }
0x2d: {  	s3 =	simm.s32 $0x108;
	s8 =	sld [smem:$0x3FB2]  }
0x2e: {  	s3 =	simm.s32 @!p0 $0x1082;
	s9 =	sld [smem:$0x3FB3]  }
0x2f: {  	lr =	sadd.s32 s0, s3;
	s0 =	sld [smem:$0x3FAA]  }
0x30: {  	s3 =	sld [smem:$0x3FAD]  }
0x31: {  	[smem:$0x3FB6] =	sst s10  }
0x32: {  	s10 =	sld [smem:$0x3FB4];
	_ =	sdelay $0x3  }
0x33: {  	p0 =	seq.s32 s10, $0x1;
	s10 =	sld [smem:$0x3FB6];
	_ =	sdelay $0x3  }
0x34: {  	[smem:$0x3FB6] =	sst s10  }
0x35: {  	s10 =	sld [smem:$0x3FB5];
	_ =	sdelay $0x3  }
0x36: {  	p1 =	seq.s32 s10, $0x1;
	s10 =	sld [smem:$0x3FB6];
	_ =	sdelay $0x3  }
0x37: {  	[smem:$0x3FB6] =	sst s10  }
0x38: {  	s10 =	sld [smem:$0x3FB7]  }
0x39: {  	_ = 	snop;
	(pc) =	sbr.ind lr, $3  }
0x3a: {  	_ = 	snop  }
0x3b: {  	_ = 	snop  }
0x3c: {  	p2 =	seq.s32 s10, $0x1;
	s10 =	sld [smem:$0x3FB6]  }
0x3d: {  	_ =	shalt  }
0x3e: {  	_ =	shalt  }
0x3f: {  	_ =	shalt  }
0x40: {  	_ =	shalt  }
0x41: {  	_ =	shalt  }
0x42: {  	_ =	shalt  }
0x43: {  	_ =	shalt  }
0x44: {  	_ =	shalt  }
0x45: {  	_ =	shalt  }
0x46: {  	_ =	shalt  }
0x47: {  	_ =	shalt  }
0x48: {  	_ =	shalt  }
0x49: {  	_ =	shalt  }
0x4a: {  	_ =	shalt  }
0x4b: {  	_ =	shalt  }
0x4c: {  	_ =	shalt  }
0x4d: {  	_ =	shalt  }
0x4e: {  	_ =	shalt  }
0x4f: {  	_ =	shalt  }
0x50: {  	_ =	shalt  }
0x51: {  	_ =	shalt  }
0x52: {  	_ =	shalt  }
0x53: {  	_ =	shalt  }
0x54: {  	_ =	shalt  }
0x55: {  	_ =	shalt  }
0x56: {  	_ =	shalt  }
0x57: {  	_ =	shalt  }
0x58: {  	_ =	shalt  }
0x59: {  	_ =	shalt  }
0x5a: {  	_ =	shalt  }
0x5b: {  	_ =	shalt  }
0x5c: {  	_ =	shalt  }
0x5d: {  	_ =	shalt  }
0x5e: {  	_ =	shalt  }
0x5f: {  	_ =	shalt  }
0x60: {  	_ =	shalt  }
0x61: {  	_ =	shalt  }
0x62: {  	_ =	shalt  }
0x63: {  	_ =	shalt  }
0x64: {  	_ =	shalt  }
0x65: {  	_ =	shalt  }
0x66: {  	_ =	shalt  }
0x67: {  	_ =	shalt  }
0x68: {  	_ =	shalt  }
0x69: {  	_ =	shalt  }
0x6a: {  	_ =	shalt  }
0x6b: {  	_ =	shalt  }
0x6c: {  	_ =	shalt  }
0x6d: {  	_ =	shalt  }
0x6e: {  	_ =	shalt  }
0x6f: {  	_ =	shalt  }
0x70: {  	_ =	shalt  }
0x71: {  	_ =	shalt  }
0x72: {  	_ =	shalt  }
0x73: {  	_ =	shalt  }
0x74: {  	_ =	shalt  }
0x75: {  	_ =	shalt  }
0x76: {  	_ =	shalt  }
0x77: {  	_ =	shalt  }
0x78: {  	_ =	shalt  }
0x79: {  	_ =	shalt  }
0x7a: {  	_ =	shalt  }
0x7b: {  	_ =	shalt  }
0x7c: {  	_ =	shalt  }
0x7d: {  	_ =	shalt  }
0x7e: {  	_ =	shalt  }
0x7f: {  	_ =	shalt  }
0x80: {  	_ =	shalt  }
0x81: {  	_ =	shalt  }
0x82: {  	_ =	shalt  }
0x83: {  	_ =	shalt  }
0x84: {  	_ =	shalt  }
0x85: {  	_ =	shalt  }
0x86: {  	_ =	shalt  }
0x87: {  	_ =	shalt  }
.Lfunc_end0:
.L_simem_size_0:
called_computation.2_lowered:
.L_overlay_start_0:
0x88: {  	s0 =	sld [smem:$0x3FD9]  }
0x89: {  	s1 =	sld [smem:$0x3FFE];
	_ =	sdelay $0x3  }
0x8a: {  	s0 =	sadd.s32 s1, s0  }
0x8b: {  	[smem:$0x3FC2] =	sst s0  }
0x8c: {  	_ = 	snop  }
0x8d: {  	(tm) =	ssettm $0x1  }
0x8e: {  	s14 =	sld [smem:$0x3FFB];
	_ =	sdelay $0x3  }
0x8f: {  	_ =	strace s14  }
0x90: {  	s0 =	sld [smem:$0x3FFC];
	_ =	sdelay $0x3  }
0x91: {  	_ =	strace s0  }
0x92: {  	s0 =	sld [smem:$0x3FFD];
	_ =	sdelay $0x3  }
0x93: {  	_ =	strace s0  }
0x94: {  	_ =	strace $0x8FFFFFFF  }
0x95: {  	s15 =	sld [smem:$0x3FDB];
	_ =	sdelay $0x1  }
0x96: {  	s16 =	simm.s32 $_scs_section_size  }
0x97: {  	s2 =	simm.s32 $_size__tile_overlayer_lowered;
	s3 =	simm.s32 $_tile_overlayer_lowered  }
0x98: {  	s4 =	simm.s32 $0x1BFF;
	s17 =	sshll.u32 s3, $0x1;
	s1 =	sadd.s32 s16, s15  }
0x99: {  	s18 =	simm.s32 $0x0;
	s2 =	sshll.u32 s2, $0x1;
	s3 =	sadd.s32 s17, s1  }
0x9a: {  	[timem:s18], [sflag:s4] =	dma.local [hbm:s3], s2  }
0x9b: {  	_ =	swait.ge [sflag:s4], s2  }
0x9c: {  	s2 =	ssub.s32 $0x0, s2;
	[sflag:s4] =	ssyncset.done $0x0  }
0x9d: {  	[sflag:s4] =	ssyncadd.s32 s2;
	_ =	sdelay $0x1  }
0x9e: {  	s19 =	simm.s32 $0x1B8B  }
0x9f: {  	_ =	swait.ge [sflag:s19], $0x1  }
0xa0: {  	[sflag:s19] =	ssyncset.done $0x0  }
0xa1: {  	s21 =	simm.s32 $0x1B8E;
	s20 =	sld [smem:$0x3FFE];
	[sflag:s19] =	ssyncadd.s32 $0xFFFFFFFF  }
0xa2: {  	s22 =	simm.s32 $execute0_lowered;
	[smem:$0x3FD2] =	sst s21  }
0xa3: {  	s3 =	sshll.u32 s22, $0x1;
	_ =	strace $0x8000004C;
	[dreg:$0x1] =	wrdreg $0xFFFFFFFF  }
0xa4: {  	s23 =	simm.s32 $_size_execute0_lowered;
	s3 =	sadd.s32 s1, s3;
	[dreg:$0x0] =	wrdreg $0x0  }
0xa5: {  	s4 =	sshll.u32 s23, $0x1;
	[dreg:$0x2] =	wrdreg s3  }
0xa6: {  	[dreg:$0x3] =	wrdreg s4  }
0xa7: {  	[dreg:$0x4] =	wrdreg $0xC0  }
0xa8: {  	s24 =	simm.s32 $execute1_lowered;
	_ =	task [dreg:s18], $0x5FFFF  }
0xa9: {  	s3 =	sshll.u32 s24, $0x1;
	[dreg:$0x1] =	wrdreg $0xFFFFFFFF  }
0xaa: {  	s1 =	sadd.s32 s1, s3;
	[dreg:$0x0] =	wrdreg $0x60  }
0xab: {  	[dreg:$0x2] =	wrdreg s1  }
0xac: {  	[dreg:$0x3] =	wrdreg s20  }
0xad: {  	[dreg:$0x4] =	wrdreg $0x9  }
0xae: {  	_ =	task.clear_ibuf [dreg:s18], $0x5FFFF;
	_ =	strace $0x9000004C  }
0xaf: {  	s25 =	simm.s32 $0x9;
	_ =	strace $0x8000004E  }
0xb0: {  	_ =	swait.ge [sflag:s25], $0x1  }
0xb1: {  	[sflag:s25] =	ssyncadd.s32 $0xFFFFFFFF  }
0xb2: {  	_ =	strace $0x9000004E  }
0xb3: {  	_ =	strace $0x8000004F;
	[dreg:$0x1] =	wrdreg $0xFFFFFFFF  }
0xb4: {  	[dreg:$0x0] =	wrdreg $0x2030  }
0xb5: {  	[dreg:$0x2] =	wrdreg s20  }
0xb6: {  	[dreg:$0x3] =	wrdreg $0xA  }
0xb7: {  	_ =	task.clear_ibuf [dreg:s18], $0x4FFFF;
	_ =	strace $0x9000004F  }
0xb8: {  	s26 =	simm.s32 $0xA;
	_ =	strace $0x80000051  }
0xb9: {  	_ =	swait.ge [sflag:s26], $0x1  }
0xba: {  	[sflag:s26] =	ssyncadd.s32 $0xFFFFFFFF  }
0xbb: {  	_ =	strace $0x90000051  }
0xbc: {  	_ =	sfence  }
0xbd: {  	s28 =	sld [smem:$0x0];
	_ =	sdelay $0x1  }
0xbe: {  	s29 =	srdreg.scid  }
0xbf: {  	s30 =	sshll.u32 s29, $0xD;
	s31 =	sshrl.u32 s29, $0x2  }
0xc0: {  	s2 =	sand.u32 $0x1, s29;
	s3 =	sand.u32 $0x4000, s30;
	s1 =	sadd.s32 s31, s28  }
0xc1: {  	s2 =	sor.u32 s3, s2;
	s1 =	sshll.u32 s1, $0x11  }
0xc2: {  	s1 =	sor.u32 s1, s2  }
0xc3: {  	s1 =	sadd.s32 $0x8F2B, s1  }
0xc4: {  	[sflag:s1] =	ssyncadd.remote.s32 $0x1  }
0xc5: {  	_ =	sfence.sel $0xFFFF  }
0xc6: {  	[dreg:$0x0] =	wrdreg $0xFFFFFFFF;
	(pc) =	sbr.abs _section_cstart, $3  }
0xc7: {  	[dreg:$0x1] =	wrdreg $0xFFFFFFFF  }
0xc8: {  	_ =	task.clear_ibuf [dreg:s18], $0x2FFFF;
	_ =	strace $0x9FFFFFFF  }
0xc9: {  	(tm) =	ssettm $0x7FFFFFFF  }
tec
execute0_lowered:
.L_overlay_start_1:
0x0: {  	(tag) =	ssettag $0x1  }
0x1: {  	s2 =	rddreg [dreg:$0x0]  }
0x2: {  	s4 =	rddreg [dreg:$0x1]  }
0x3: {  	s0 =	rddreg [dreg:$0x2];
	s3 =	stileid.u32  }
0x4: {  	[bflag:$0x3] =	sbarrier.arrive $0xFFFF;
	s1 =	simm.s32 $_size_execute1_lowered;
	p0 =	sne.s32 s3, $0x0  }
0x5: {  	s1 =	sshll.u32 s1, $0x1;
	s5 =	simm.s32 @!p0 $0x1C3F;
	s6 =	simm.s32 @!p0 $0x4060  }
0x6: {  	[timem:s6], [sflag:s5] =	dma.local @!p0 [hbm:s2], s1  }
0x7: {  	s2 =	smul.u32 $0x280, s3  }
.Ltmp0:
0x8: {  	s31 =	simm.s32 $0x2;
	s7 =	simm.s32 $0x280;
	(pc) =	sbr.rel .LBB2_1-.Ltmp0, $4  }
0x9: {  	s8 =	simm.s32 $0x780;
	s10 =	simm.s32 $0x0;
	s9 =	simm.s32 $0x0  }
0xa: {  	s3 =	simm.s32 $0x1;
	_ =	strace $0x8000004D;
	s30 =	sshrl.u32 s2, $0x3  }
0xb: {  	s6 =	simm.s32 $0x0;
	[sflag:s3] =	ssyncpa.u1 $0x0;
	s5 =	sadd.s32 s30, s4  }
0xc: {  	s4 =	sadd.s32 $0x1EA00, s4;
	[sflag:s31] =	ssyncpa.u1 $0x0;
	s5 =	sadd.s32 $0x1E400, s5  }
.LBB2_8:
0xd: {  	p1 =	seq.s32 s9, $0x2  }
.Ltmp1:
0xe: {  	_ = 	snop;
	(pc) =	sbr.rel @p1 .LBB2_10-.Ltmp1, $1  }
0xf: {  	_ =	sdelay $0x3  }
.LBB2_9:
0x10: {  	s9 =	sadd.s32 $0x1, s9;
	s10 =	smov.u32 s2  }
.LBB2_1:
0x11: {  	p1 =	sne.s32 s9, $0x0  }
.Ltmp2:
0x12: {  	_ = 	snop;
	(pc) =	sbr.rel @!p1 .LBB2_2-.Ltmp2, $1  }
0x13: {  	_ =	sdelay $0x3  }
0x14: {  	s11 =	sand.u32 $0x1, s9  }
0x15: {  	p1 =	seq.s32 s11, $0x0  }
.Ltmp3:
0x16: {  	_ = 	snop;
	(pc) =	sbr.rel @p1 .LBB2_8-.Ltmp3, $1  }
0x17: {  	_ =	sdelay $0x3  }
0x18: {  	_ =	swait.ge [sflag:s3], $0x280  }
0x19: {  	[sflag:s3] =	ssyncset.done $0x0  }
0x1a: {  	s11 =	simm.s32 $0x0;
	p1 =	por $0x1, $0x1;
	[sflag:s3] =	ssyncadd.s32 $0xFFFFFD80  }
.LBB2_5:
0x1b: {  	v0 =	vld [tilespmem:s11+$0x280]  }
0x1c: {  	v1 =	vld [tilespmem:s11+$0x290]  }
0x1d: {  	v2 =	vld [tilespmem:s11+$0x2A0]  }
0x1e: {  	v3 =	vld [tilespmem:s11+$0x2B0]  }
0x1f: {  	v4 =	vld [tilespmem:s11+$0x2C0]  }
0x20: {  	v53 =	vld [tilespmem:s11+$0x2D0];
	[tilespmem:s11+$0x780] =	vst v0  }
0x21: {  	v54 =	vld [tilespmem:s11+$0x2E0];
	[tilespmem:s11+$0x790] =	vst v1  }
0x22: {  	v55 =	vld [tilespmem:s11+$0x2F0];
	[tilespmem:s11+$0x7A0] =	vst v2  }
0x23: {  	v56 =	vld [tilespmem:s11+$0x300];
	[tilespmem:s11+$0x7B0] =	vst v3  }
0x24: {  	v57 =	vld [tilespmem:s11+$0x310];
	[tilespmem:s11+$0x7C0] =	vst v4  }
0x25: {  	v58 =	vld [tilespmem:s11+$0x320];
	[tilespmem:s11+$0x7D0] =	vst v53  }
0x26: {  	v59 =	vld [tilespmem:s11+$0x330];
	[tilespmem:s11+$0x7E0] =	vst v54  }
0x27: {  	v60 =	vld [tilespmem:s11+$0x340];
	[tilespmem:s11+$0x7F0] =	vst v55  }
0x28: {  	v61 =	vld [tilespmem:s11+$0x350];
	[tilespmem:s11+$0x800] =	vst v56  }
0x29: {  	v62 =	vld [tilespmem:s11+$0x360];
	[tilespmem:s11+$0x810] =	vst v57  }
0x2a: {  	v63 =	vld [tilespmem:s11+$0x370];
	p2 =	por p1, p1;
	[tilespmem:s11+$0x820] =	vst v58  }
.Ltmp4:
0x2b: {  	[tilespmem:s11+$0x830] =	vst v59;
	(pc) =	sbr.rel @p2 .LBB2_5-.Ltmp4, $4  }
0x2c: {  	[tilespmem:s11+$0x840] =	vst v60  }
0x2d: {  	[tilespmem:s11+$0x850] =	vst v61  }
0x2e: {  	s12 =	simm.s32 $0x1F0;
	s13 =	simm.s32 $0x980;
	[tilespmem:s11+$0x860] =	vst v62  }
0x2f: {  	s14 =	simm.s32 $0x480;
	p1 =	por $0x0, $0x0;
	[tilespmem:s11+$0x870] =	vst v63;
	s11 =	simm.s32 $0x100  }
.LBB2_6:
0x30: {  	s12 =	sadd.s32 $0x10, s12  }
0x31: {  	v0 =	vld [tilespmem:s14+$0x0];
	p1 =	slt.u32 s12, $0x270  }
.Ltmp5:
0x32: {  	_ = 	snop;
	(pc) =	sbr.rel @p1 .LBB2_6-.Ltmp5, $2  }
0x33: {  	_ =	sdelay $0x2  }
0x34: {  	s14 =	sadd.s32 $0x10, s14;
	[tilespmem:s13+$0x0] =	vst v0;
	s13 =	sadd.s32 $0x10, s13  }
.Ltmp6:
0x35: {  	(pc) =	sbr.rel .LBB2_8-.Ltmp6, $4  }
0x36: {  	_ = 	snop  }
0x37: {  	s10 =	sshrl.u32 s10, $0x3  }
0x38: {  	s10 =	sadd.s32 s4, s10  }
0x39: {  	[hbm4b:s10+s6] =	stream.linear.scatter [tilespmem:s8], [sflag:$0x2], $0x280, $0x38;
	[tilespmem:$0xA00] =	vst v63  }
.LBB2_2:
.Ltmp7:
0x3a: {  	(pc) =	sbr.rel .LBB2_9-.Ltmp7, $2  }
0x3b: {  	_ =	sdelay $0x2  }
0x3c: {  	[tilespmem:s7], [sflag:$0x1] =	stream.linear.gather [hbm4b:s5+s6], $0x280, $0x38;
	[tilespmem:$0xA00] =	vst v63  }
.LBB2_10:
0x3d: {  	s2 =	simm.s32 $0x2  }
0x3e: {  	_ =	swait.ge [sflag:s2], $0x280  }
0x3f: {  	[sflag:s2] =	ssyncset.done $0x0  }
0x40: {  	[sflag:s2] =	ssyncadd.s32 $0xFFFFFD80  }
0x41: {  	_ =	sfence.sel $0x180000  }
0x42: {  	s3 =	simm.s32 $0x1;
	[bflag:$0x0] =	sbarrier.arrive $0xFFFF  }
0x43: {  	[sflag:s3] =	ssyncpa.u1 $0x1  }
0x44: {  	[sflag:s2] =	ssyncpa.u1 $0x1  }
0x45: {  	_ =	strace $0x9000004D  }
0x46: {  	s0 =	sadd.s32 @!p0 $0x100000, s0;
	[bflag:$0x2] =	sbarrier.arrive $0xFFFF  }
0x47: {  	[sflag:s0] =	ssyncadd.tile.s32 @!p0 $0x1;
	s0 =	simm.s32 @!p0 $0x3F  }
0x48: {  	_ =	swait.ge @!p0 [sflag:s0], s1  }
0x49: {  	s1 =	ssub.s32 @!p0 $0x0, s1;
	[sflag:s0] =	ssyncset.done @!p0 $0x0  }
0x4a: {  	[sflag:s0] =	ssyncadd.s32 @!p0 s1  }
0x4b: {  	[bflag:$0x3] =	sbarrier.arrive $0xFFFF  }
0x4c: {  	_ =	shalt  }
.Lfunc_end2:
execute1_lowered:
.L_overlay_start_2:
0x4d: {  	(tag) =	ssettag $0x2  }
0x4e: {  	s8 =	rddreg [dreg:$0x0]  }
0x4f: {  	s0 =	rddreg [dreg:$0x1];
	_ =	strace $0x80000050;
	s2 =	simm.s32 $0x1  }
0x50: {  	v1 =	vimm.s32 $0xFFFFFFFF;
	[sflag:s2] =	ssyncpa.u1 $0x0  }
0x51: {  	[tilespmem:$0x10] =	vst v1  }
0x52: {  	v0 =	vimm.f32 $0.0e+00;
	[tilespmem:$0x20] =	vst v1  }
0x53: {  	[tilespmem:$0x30] =	vst v0  }
0x54: {  	[tilespmem:$0x40] =	vst v0  }
0x55: {  	[tilespmem:$0x50] =	vst v0  }
0x56: {  	s3 =	simm.s32 $0x2;
	s5 =	simm.s32 $0x7;
	[tilespmem:$0x60] =	vst v1  }
0x57: {  	s7 =	simm.s32 $0x8;
	s10 =	simm.s32 $0x9;
	s14 =	simm.s32 $0x0;
	[tilespmem:$0x70] =	vst v1  }
0x58: {  	s15 =	simm.s32 $0xF0;
	p0 =	por $0x0, $0x0;
	s16 =	simm.s32 $0xFFFFD980;
	[tilespmem:$0x80] =	vst v1  }
0x59: {  	s17 =	simm.s32 $0xFFFFFFFE;
	s18 =	simm.s32 $0xF;
	s19 =	simm.s32 $0x30;
	v1 =	vimm.s32 $0x0;
	[tilespmem:$0xB0] =	vst v0  }
0x5a: {  	s22 =	simm.s32 $0x0;
	s20 =	simm.s32 $0x0;
	s1 =	sadd.s32 $0x1EA00, s8;
	[tilespmem:$0x90] =	vst v1  }
.Ltmp8:
0x5b: {  	[tilespmem:$0xA0] =	vst v1;
	[sflag:s3] =	ssyncpa.u1 $0x0;
	s3 =	stileid.u32;
	(pc) =	sbr.rel .LBB3_1-.Ltmp8, $4  }
0x5c: {  	s4 =	sadd.s32 $0x14400, s8;
	s6 =	smul.u32 $0x2780, s3;
	[sflag:s5] =	ssyncpa.u1 $0x0  }
0x5d: {  	s8 =	sadd.s32 $0x26E00, s8;
	s12 =	sshllo.u32 s3, $0x1;
	[sflag:s7] =	ssyncpa.u1 $0x0  }
0x5e: {  	vm0 =	vmmov $0xffff;
	v2 =	vlaneseq.u32;
	s9 =	sadd.s32 $0x2780, s6;
	[sflag:s10] =	ssyncpa.u1 $0x0;
	s10 =	sshll.u32 s3, $0x1  }
0x5f: {  	vm1 =	vmxor vm1, vm1;
	vm2 =	vmmov $0x1;
	vm3 =	vcmask $0x3F3C;
	s21 =	smov.u32 s6;
	s11 =	sor.u32 $0x81, s10;
	s13 =	sor.u32 $0x80, s10  }
.LBB3_10:
0x60: {  	p1 =	slt.u32 s20, $0x3  }
0x61: {  	s22 =	simm.s32 @!p1 $0x2  }
0x62: {  	_ =	swait.ge @!p1 [sflag:s22], $0x13C0  }
0x63: {  	[sflag:s22] =	ssyncset.done @!p1 $0x0  }
0x64: {  	[sflag:s22] =	ssyncadd.s32 @!p1 $0xFFFFEC40;
	s22 =	simm.s32 @!p1 $0x9  }
0x65: {  	_ =	swait.ge @!p1 [sflag:s22], $0x10  }
0x66: {  	s23 =	sadd.s32 $0x13C0, s21;
	s24 =	smov.u32 s6;
	[sflag:s22] =	ssyncset.done @!p1 $0x0  }
0x67: {  	s20 =	sadd.s32 $0x1, s20;
	[sflag:s22] =	ssyncadd.s32 @!p1 $0xFFFFFFF0;
	p1 =	slt.s32 s23, s9  }
0x68: {  	s24 =	smov.u32 @p1 s23;
	p1 =	sne.s32 s20, $0x5  }
.Ltmp9:
0x69: {  	_ = 	snop;
	(pc) =	sbr.rel @!p1 .LBB3_11-.Ltmp9, $3  }
0x6a: {  	_ =	sdelay $0x1  }
0x6b: {  	s15 =	sadd.s32 $0x13C0, s15;
	p0 =	por !p0, !p0;
	s16 =	sadd.s32 $0x13C0, s16  }
0x6c: {  	s17 =	sadd.s32 $0x1, s17;
	s22 =	smov.u32 s21;
	s21 =	smov.u32 s24  }
.LBB3_1:
0x6d: {  	p1 =	sgt.u32 s20, $0x1  }
0x6e: {  	s23 =	smul.u32 @!p1 $0x4F00, s20;
	_ =	sdelay $0x1  }
0x6f: {  	s24 =	sshrl.u32 @!p1 s21, $0x3;
	s23 =	sshra.s32 @!p1 s23, $0x2  }
0x70: {  	s25 =	sand.u32 @!p1 $0x7, s21;
	s24 =	sadd.s32 @!p1 s4, s24;
	s23 =	sadd.s32 @!p1 $0x100, s23  }
0x71: {  	[tilespmem:s23], [sflag:$0x7] =	stream.linear.gather @!p1 [hbm4b:s24+s25], $0x13C0, $0x38;
	[tilespmem:$0xB2E0] =	vst v63  }
0x72: {  	s23 =	sadd.s32 $0xFFFFFFFF, s20  }
0x73: {  	p1 =	sgt.u32 s23, $0x1  }
.Ltmp10:
0x74: {  	_ = 	snop;
	(pc) =	sbr.rel @p1 .LBB3_5-.Ltmp10, $1  }
0x75: {  	_ =	sdelay $0x3  }
0x76: {  	s24 =	smul.u32 $0x4F00, s23  }
0x77: {  	_ =	swait.ge [sflag:s5], $0x13C0  }
0x78: {  	[sflag:s5] =	ssyncset.done $0x0;
	s24 =	sshra.s32 s24, $0x2  }
0x79: {  	[sflag:s5] =	ssyncadd.s32 $0xFFFFEC40;
	(ifvalue) =	ssetifvalue $0xFFFFFFFF;
	v3 =	vld.msk [tilespmem:s24+$0x100 ss:$0x1], $0xffff;
	_ =	sdelay $0x2  }
0x7a: {  	p1 =	sne.s32 s20, $0x1  }
0x7b: {  	v4 =	vimm.s32 @!p1 $0x0  }
0x7c: {  	v4 =	vperm.xlane @!p1 v3, v4  }
0x7d: {  	s30 =	sshll.u32 s20, $0x4;
	vm4 =	vlt.u32 v3, $0x2800  }
0x7e: {  	s24 =	sand.u32 $0x10, s30;
	v3 =	vnsel vm4, $0xFFFFFFFE, v3;
	vm4 =	vlt.u32 @!p1 v4, $0x2800  }
0x7f: {  	[tilespmem:s24+$0x60] =	vst v3;
	v3 =	vnsel @!p1 vm4, $0xFFFFFFFE, v4  }
0x80: {  	[tilespmem:$0x80] =	vst @!p1 v3  }
0x81: {  	v3 =	vld.msk [tilespmem:s15+$0x0 ss:$0x1], $0xffff;
	_ =	sdelay $0x4  }
0x82: {  	(xrf1) =	vunique.msk.u32 $0xffff, v3;
	_ =	sdelay $0xd  }
0x83: {  	v4 =	vimm.s32 $0xFFFFFFFF;
	v5, _, _ =	vpop (xrf1)  }
0x84: {  	vm5 =	vne.s32 v3, v4;
	vm4 =	veq.s32 v5, v2  }
0x85: {  	vm6 =	vlt.u32 v3, $0x2800;
	vm4 =	vmand vm5, vm4  }
0x86: {  	vm4 =	vmand vm6, vm4  }
0x87: {  	v4 =	vnsel vm4, $0xFFFFFFFF, v3  }
0x88: {  	s31 =	sand.u32 $0x1, s23  }
0x89: {  	s23 =	simm.s32 $0x13C0;
	p1 =	seq.s32 s31, $0x1  }
0x8a: {  	s23 =	simm.s32 @!p1 $0x0  }
0x8b: {  	s24 =	sadd.s32 $0x4FF0, s23;
	(ifvalue) =	ssetifvalue $0xFFFFFFFF  }
0x8c: {  	v3 =	vperm.xlane v3, v1;
	[tilespmem:s24], [sflag:$0x8] =	stream.indirect_vreg.gather [hbm4b:s1+s14], $0x1, v4, vm0, $0x4038;
	v4 =	vnsel vm6, $0xFFFFFFFE, v4;
	[tilespmem:$0xB2E0] =	vst v63  }
0x8d: {  	s25 =	simm.s32 $0x0;
	s26 =	sadd.s32 $0xFFFFFFF0, s15;
	[tilespmem:s15+$0x0] =	vst v4  }
.LBB3_3:
0x8e: {  	v4 =	vld.msk [tilespmem:s26+$0x0 ss:$0x1], $0xffff;
	s25 =	sadd.s32 $0x10, s25;
	v5 =	vmov v3;
	s28 =	smov.u32 s26  }
0x8f: {  	p1 =	slt.u32 s25, $0x13B0;
	_ =	sdelay $0x4  }
0x90: {  	v3 =	vperm.xlane v4, v1;
	(xrf1) =	vunique.msk.u32 $0xffff, v4;
	_ =	sdelay $0xd  }
0x91: {  	v6, _, _ =	vpop (xrf1)  }
0x92: {  	vm5 =	vne.s32 v4, v5;
	vm4 =	veq.s32 v6, v2  }
0x93: {  	vm6 =	vlt.u32 v4, $0x2800;
	vm4 =	vmand vm5, vm4  }
0x94: {  	vm4 =	vmand vm6, vm4  }
0x95: {  	v4 =	vnsel vm4, $0xFFFFFFFF, v4  }
.Ltmp11:
0x96: {  	v5 =	vnsel vm6, $0xFFFFFFFE, v4;
	(pc) =	sbr.rel @p1 .LBB3_3-.Ltmp11, $3  }
0x97: {  	_ =	sdelay $0x1  }
0x98: {  	s26 =	sadd.s32 $0xFFFFFFF0, s26;
	s24 =	sadd.s32 $0xFFFFFFF0, s24;
	(ifvalue) =	ssetifvalue $0xFFFFFFFF  }
0x99: {  	[tilespmem:s24], [sflag:$0x8] =	stream.indirect_vreg.gather [hbm4b:s1+s14], $0x1, v4, vm0, $0x4038;
	[tilespmem:s28+$0x0] =	vst v5  }
0x9a: {  	s22 =	sshrl.u32 s22, $0x3  }
0x9b: {  	s23 =	sadd.s32 $0x63C0, s23;
	s22 =	sadd.s32 s8, s22  }
0x9c: {  	[tilespmem:s23], [sflag:$0x8] =	stream.linear.gather [hbm:s22], $0x13C0, $0x38;
	[tilespmem:$0xB2E0] =	vst v63  }
.LBB3_5:
0x9d: {  	p1 =	sgt.u32 s20, $0x4  }
.Ltmp12:
0x9e: {  	_ = 	snop;
	(pc) =	sbr.rel @p1 .LBB3_7-.Ltmp12, $1  }
0x9f: {  	_ =	sdelay $0x3  }
0xa0: {  	s22 =	sshll.u32 s2, s20  }
0xa1: {  	s22 =	sand.u32 $0x13, s22  }
0xa2: {  	p1 =	sne.s32 s22, $0x0  }
.Ltmp13:
0xa3: {  	_ = 	snop;
	(pc) =	sbr.rel @p1 .LBB3_10-.Ltmp13, $1  }
0xa4: {  	_ =	sdelay $0x3  }
.LBB3_7:
0xa5: {  	s22 =	sadd.s32 $0xFFFFFFFE, s20  }
0xa6: {  	s23 =	smulhi.u32 $0xAAAAAAAB, s22;
	_ =	sdelay $0x1  }
0xa7: {  	s23 =	sshrl.u32 s23, $0x1  }
0xa8: {  	s23 =	smul.u32 $0x3, s23;
	_ =	sdelay $0x1  }
0xa9: {  	s22 =	ssub.s32 s22, s23  }
0xaa: {  	_ =	swait.ge [sflag:s7], $0x2780;
	s26 =	smul.u32 $0x13C0, s22  }
0xab: {  	p1 =	sne.s32 s20, $0x3;
	[sflag:s7] =	ssyncset.done $0x0  }
0xac: {  	[sflag:s7] =	ssyncadd.s32 $0xFFFFD880;
	s22 =	sadd.s32 @!p1 $0x14BF, s26  }
0xad: {  	[spmem:s11] =	stream.linear.scatter @!p1 [tilespmem:s22], [sflag:$0x1], $0x1, $0x38;
	[tilespmem:$0xB2E0] =	vst v63  }
0xae: {  	s22 =	simm.s32 @!p1 $0x1  }
0xaf: {  	_ =	swait.ge @!p1 [sflag:s22], $0x1  }
0xb0: {  	s25 =	sshll.u32 s20, $0x4;
	[sflag:s22] =	ssyncset.done @!p1 $0x0  }
0xb1: {  	[sflag:s22] =	ssyncadd.s32 @!p1 $0xFFFFFFFF;
	s22 =	sand.u32 $0x10, s25  }
0xb2: {  	v4 =	vld [tilespmem:s22+$0x10];
	s28 =	sxor.u32 $0x10, s22  }
0xb3: {  	v5 =	vld [tilespmem:s28+$0x60]  }
0xb4: {  	v3 =	vld [tilespmem:$0x80];
	_ =	sdelay $0x2  }
0xb5: {  	(v2sf) =	vpush v4, $0x0  }
0xb6: {  	(v2sf) =	vpush v5, $0x0  }
0xb7: {  	(v2sf) =	vpush v3, $0x0;
	_ =	sdelay $0xc  }
0xb8: {  	s23 =	spop (v2sf)  }
0xb9: {  	s25 =	spop (v2sf)  }
0xba: {  	s24 =	spop (v2sf)  }
0xbb: {  	p2 =	seq.s32 s23, s25;
	p3 =	seq.s32 s24, s23  }
0xbc: {  	p3 =	por p2, p3  }
0xbd: {  	s23 =	sand.u32 $0x1, s20;
	v4 =	vpsel p3, $0xFFFFFFFF, v4  }
0xbe: {  	s25 =	smul.u32 $0x13C0, s23;
	[tilespmem:s22+$0x10] =	vst.msk $0x1, v4  }
0xbf: {  	v4 =	vld [tilespmem:$0x30]  }
0xc0: {  	v5 =	vld [tilespmem:s25+$0x63C0]  }
0xc1: {  	v6 =	vld [tilespmem:s22+$0x40];
	_ =	sdelay $0x3  }
0xc2: {  	vm4 =	vmmov vm1;
	v5 =	vadd.f32 v5, v4  }
0xc3: {  	vm5 =	vmmov vm2;
	vm4 =	vmmov @p2 vm2;
	s23 =	sshll.u32 s23, $0x4;
	v4 =	vadd.f32 v6, v4  }
0xc4: {  	vm5 =	vmmov @p3 vm1;
	s23 =	sor.u32 $0xB2C0, s23;
	[tilespmem:s25+$0x63C0] =	vst.msk vm4, v5  }
0xc5: {  	[tilespmem:s23+$0x0] =	vst.msk vm5, v4  }
0xc6: {  	v4 =	vld [tilespmem:s25+$0x4FF0];
	_ =	sdelay $0x3  }
0xc7: {  	v5 =	vimm.f32 $0.0e+00  }
0xc8: {  	v4 =	vshift.insert v4, v5, s18  }
0xc9: {  	s29 =	sor.u32 $0x40, s28  }
0xca: {  	[tilespmem:s29+$0x0] =	vst.msk $0x1, v4  }
0xcb: {  	[tilespmem:s25+$0x4FFF] =	vst.msk $0x1, v5  }
0xcc: {  	v4 =	vld [tilespmem:s26+$0x14B0];
	_ =	sdelay $0x1  }
0xcd: {  	s29 =	smulhi.u32 $0xAAAAAAAB, s17;
	s26 =	simm.s32 $0x1  }
0xce: {  	s26 =	simm.s32 @!p0 $0x0  }
0xcf: {  	s29 =	sshrl.u32 s29, $0x1;
	s26 =	smul.u32 $0x4F00, s26  }
0xd0: {  	s29 =	smul.u32 $0xFFFF1300, s29;
	v4 =	vshift.insert v4, v1, s18  }
0xd1: {  	s30 =	sshrl.u32 s26, $0x2  }
0xd2: {  	s29 =	sshra.s32 s29, $0x2;
	s26 =	sadd.s32 $0x63C0, s30;
	[tilespmem:s28+$0x10] =	vst.msk $0x1, v4  }
0xd3: {  	s31 =	sadd.s32 s29, s16;
	v6 =	vld [tilespmem:s26+$0x0]  }
0xd4: {  	v7 =	vld [tilespmem:s31+$0x0];
	_ =	sdelay $0x3  }
0xd5: {  	v5 =	vadd.f32 v6, v5  }
0xd6: {  	vm4 =	vne.s32 v7, $0xFFFFFFFF  }
0xd7: {  	(xrf2) =	vadd.seg.scan.f32 vm4, v5;
	_ =	sdelay $0x3  }
0xd8: {  	s28 =	sadd.s32 $0x3C40, s30;
	v5 =	vperm.xlane v4, v1  }
0xd9: {  	v6 =	vld [tilespmem:s28+$0x0]  }
0xda: {  	vm5 =	veq.s32 v7, v3;
	vm6 =	veq.s32 v7, v5  }
0xdb: {  	vm7 =	vgt.u32 v7, $0xFFFFFFFD;
	vm6 =	vmor vm6, vm5  }
0xdc: {  	vm6 =	vmor vm6, vm7  }
0xdd: {  	v9 =	vld [tilespmem:$0xA0];
	v7 =	vsel vm6, $0xFFFFFFFF, v7  }
0xde: {  	v10 =	vld [tilespmem:$0x90];
	v6 =	vsel vm5, $0x0, v6;
	v8, _, _ =	vpop (xrf2)  }
0xdf: {  	v6 =	vadd.f32 v8, v6  }
0xe0: {  	s29 =	sadd.s32 $0x8B40, s30  }
0xe1: {  	vm4 =	vmand vm4, vm3;
	[tilespmem:s29+$0x0] =	vst v6;
	(ifvalue) =	ssetifvalue $0xFFFFFFFF  }
0xe2: {  	vm6 =	veq.s32 v9, $0x1;
	[hbm4b:s1+s14] =	stream.indirect_vreg.scatter [tilespmem:s29], [sflag:$0x2], $0x1, v7, vm0, $0x4038;
	v7 =	vsel vm4, $0x0, v8;
	[tilespmem:$0xB2E0] =	vst v63  }
0xe3: {  	s30 =	simm.s32 $0x0;
	s31 =	sadd.s32 $0x10, s31;
	vm4 =	vmor vm6, vm5;
	v6 =	vsel vm5, v8, v10;
	v7 =	vshift.insert v7, v0, s18  }
.LBB3_8:
0xe4: {  	v8 =	vld [tilespmem:s31+$0x0];
	s26 =	sadd.s32 $0x10, s26  }
0xe5: {  	s28 =	sadd.s32 $0x10, s28;
	v9 =	vld [tilespmem:s26+$0x0]  }
0xe6: {  	s30 =	sadd.s32 $0x10, s30;
	v10 =	vld [tilespmem:s28+$0x0]  }
0xe7: {  	p2 =	slt.u32 s30, $0x13B0;
	_ =	sdelay $0x2  }
0xe8: {  	v7 =	vadd.f32 v9, v7  }
0xe9: {  	vm5 =	vne.s32 v8, $0xFFFFFFFF  }
0xea: {  	vm6 =	vmand vm5, vm3;
	(xrf2) =	vadd.seg.scan.f32 vm5, v7;
	_ =	sdelay $0x5  }
0xeb: {  	vm7 =	veq.s32 v8, v5;
	vm5 =	veq.s32 v8, v3  }
0xec: {  	vm8 =	vgt.u32 v8, $0xFFFFFFFD;
	vm4 =	vmor vm4, vm5;
	vm7 =	vmor vm7, vm5  }
0xed: {  	vm7 =	vmor vm7, vm8  }
0xee: {  	v8 =	vsel vm7, $0xFFFFFFFF, v8  }
.Ltmp14:
0xef: {  	v7 =	vsel vm5, $0x0, v10;
	v9, _, _ =	vpop (xrf2);
	(pc) =	sbr.rel @p2 .LBB3_8-.Ltmp14, $4  }
0xf0: {  	v6 =	vsel vm5, v9, v6;
	v10 =	vadd.f32 v9, v7;
	v7 =	vsel vm6, $0x0, v9  }
0xf1: {  	s29 =	sadd.s32 $0x10, s29;
	v7 =	vshift.insert v7, v0, s18  }
0xf2: {  	s31 =	sadd.s32 $0x10, s31;
	[tilespmem:s29+$0x0] =	vst v10;
	(ifvalue) =	ssetifvalue $0xFFFFFFFF  }
0xf3: {  	[hbm4b:s1+s14] =	stream.indirect_vreg.scatter [tilespmem:s29], [sflag:$0x2], $0x1, v8, vm0, $0x4038;
	[tilespmem:$0xB2E0] =	vst v63  }
0xf4: {  	v3 =	vld [tilespmem:s25+$0x9EF0];
	_ =	sdelay $0x4  }
0xf5: {  	v3 =	vshift.insert v3, v0, s18;
	_ =	sdelay $0x1  }
0xf6: {  	[tilespmem:s19+$0x0] =	vst.msk $0x1, v3  }
0xf7: {  	v3 =	vsel vm4, $0x1, v1;
	[tilespmem:$0x90] =	vst v6  }
0xf8: {  	s25 =	sadd.s32 @!p1 $0x9EFF, s25;
	[tilespmem:$0xA0] =	vst v3  }
0xf9: {  	[spmem:s12] =	stream.linear.scatter @!p1 [tilespmem:s25], [sflag:$0x1], $0x1, $0x38;
	[tilespmem:$0xB2E0] =	vst v63  }
0xfa: {  	s25 =	simm.s32 @!p1 $0x1  }
0xfb: {  	v3 =	vmctz.xlane @!p1 vm4;
	_ =	swait.ge @!p1 [sflag:s25], $0x1  }
0xfc: {  	(v2sf) =	vpush @!p1 v4, $0x0  }
0xfd: {  	(v2sf) =	vpush @!p1 v3, $0x0;
	_ =	sdelay $0xd  }
0xfe: {  	s26 =	spop @!p1 (v2sf)  }
0xff: {  	s28 =	spop @!p1 (v2sf)  }
0x100: {  	p2 =	sne.s32 @!p1 s24, s26;
	p3 =	slt.s32 @!p1 s28, $0xF  }
0x101: {  	[sflag:s25] =	ssyncset.done @!p1 $0x0;
	p2 =	por p2, p1;
	p3 =	por !p3, p1  }
0x102: {  	[sflag:s25] =	ssyncadd.s32 @!p1 $0xFFFFFFFF;
	v3 =	vimm.s32 @!p2 $0xFFFFFFFF;
	s28 =	simm.s32 @p3 $0xF  }
0x103: {  	[tilespmem:$0x80] =	vst @!p2 v3;
	s24 =	sadd.s32 @!p1 $0x90, s28  }
0x104: {  	[spmem:s10] =	stream.linear.scatter @!p1 [tilespmem:s24], [sflag:$0x1], $0x1, $0x38;
	[tilespmem:$0xB2E0] =	vst v63  }
0x105: {  	_ =	swait.ge @!p1 [sflag:s25], $0x1  }
0x106: {  	[sflag:s25] =	ssyncset.done @!p1 $0x0  }
0x107: {  	s24 =	simm.s32 @!p1 $0x80;
	[sflag:s25] =	ssyncadd.s32 @!p1 $0xFFFFFFFF  }
0x108: {  	[spmem:s13] =	stream.linear.scatter @!p1 [tilespmem:s24], [sflag:$0x1], $0x1, $0x38;
	[tilespmem:$0xB2E0] =	vst v63  }
0x109: {  	_ =	swait.ge @!p1 [sflag:s25], $0x1  }
0x10a: {  	[sflag:s25] =	ssyncset.done @!p1 $0x0  }
0x10b: {  	[sflag:s25] =	ssyncadd.s32 @!p1 $0xFFFFFFFF;
	(ifvalue) =	ssetifvalue $0xFFFFFFFF;
	v3 =	vld [tilespmem:s22+$0x10];
	_ =	sdelay $0x3  }
.Ltmp15:
0x10c: {  	_ = 	snop;
	(pc) =	sbr.rel .LBB3_10-.Ltmp15, $3  }
0x10d: {  	_ =	sdelay $0x1  }
0x10e: {  	(ifvalue) =	ssetifvalue $0xFFFFFFFF  }
0x10f: {  	[hbm4b:s1+s14] =	stream.indirect_vreg.scatter [tilespmem:s23], [sflag:$0x9], $0x1, v3, vm0, $0x4038;
	[tilespmem:$0xB2E0] =	vst v63  }
.LBB3_11:
0x110: {  	_ =	sfence.sel $0x180000  }
0x111: {  	s2 =	simm.s32 $0x7;
	[bflag:$0x0] =	sbarrier.arrive $0xFFFF  }
0x112: {  	s26 =	simm.s32 $0x8;
	[sflag:s2] =	ssyncpa.u1 $0x1  }
0x113: {  	s28 =	simm.s32 $0x9;
	[sflag:s26] =	ssyncpa.u1 $0x1  }
0x114: {  	[sflag:s28] =	ssyncpa.u1 $0x1  }
0x115: {  	_ =	sfence.stream.spmem  }
0x116: {  	s29 =	simm.s32 $0x3;
	[bflag:$0x0] =	sbarrier.arrive $0xFFFF  }
0x117: {  	s30 =	simm.s32 $0x4;
	[sflag:s29] =	ssyncpa.u1 $0x1  }
0x118: {  	s31 =	simm.s32 $0x3C;
	[sflag:s30] =	ssyncpa.u1 $0x1  }
0x119: {  	p0 =	sne.s32 s3, $0x0;
	[sflag:s31] =	ssyncpa.u1 $0x1  }
0x11a: {  	s0 =	simm.s32 @p0 $0x1;
	_ =	sfence @p0  }
0x11b: {  	[sflag:s0] =	ssyncpa.u1 @p0 $0x1;
	s0 =	simm.s32 @p0 $0x2  }
0x11c: {  	[sflag:s0] =	ssyncpa.u1 @p0 $0x1  }
0x11d: {  	_ =	strace @p0 $0x90000050  }
0x11e: {  	[bflag:$0x2] =	sbarrier.arrive @p0 $0xFFFF  }
0x11f: {  	_ =	shalt @p0  }
.LBB3_12:
0x120: {  	_ =	sfence.stream.spmem;
	s4 =	simm.s32 $0x5  }
0x121: {  	s2 =	simm.s32 $0x80;
	s3 =	simm.s32 $0xC0;
	[sflag:s4] =	ssyncpa.u1 $0x0  }
0x122: {  	[tilespmem:s3], [sflag:$0x5] =	stream.linear.gather [spmem:s2], $0x20, $0x38;
	[tilespmem:$0xB2E0] =	vst v63  }
0x123: {  	s2 =	simm.s32 $0x0;
	s3 =	simm.s32 $0xE0  }
0x124: {  	[tilespmem:s3], [sflag:$0x5] =	stream.linear.gather [spmem:s2], $0x20, $0x38;
	[tilespmem:$0xB2E0] =	vst v63  }
.Ltmp16:
0x125: {  	_ = 	snop;
	(pc) =	sbr.rel .LBB3_13-.Ltmp16, $4  }
0x126: {  	_ =	swait.ge [sflag:s4], $0x40  }
0x127: {  	[sflag:s4] =	ssyncset.done $0x0  }
0x128: {  	s31 =	simm.s32 $0x6;
	[sflag:s4] =	ssyncadd.s32 $0xFFFFFFC0  }
0x129: {  	s4 =	simm.s32 $0x0;
	[sflag:s31] =	ssyncpa.u1 $0x0  }
.LBB3_18:
0x12a: {  	p0 =	sgt.u32 s5, $0x27FF  }
0x12b: {  	s6 =	sshrl.u32 @!p0 s5, $0x3  }
0x12c: {  	s5 =	sand.u32 @!p0 $0x7, s5;
	s7 =	simm.s32 @!p0 $0xB0;
	s6 =	sadd.s32 @!p0 s1, s6  }
0x12d: {  	[tilespmem:s7], [sflag:$0x6] =	stream.linear.gather @!p0 [hbm4b:s6+s5], $0x1, $0x38;
	[tilespmem:$0xB2E0] =	vst v63  }
0x12e: {  	s5 =	simm.s32 @!p0 $0x6  }
0x12f: {  	_ =	swait.ge @!p0 [sflag:s5], $0x1  }
0x130: {  	[sflag:s5] =	ssyncset.done @!p0 $0x0  }
0x131: {  	[sflag:s5] =	ssyncadd.s32 @!p0 $0xFFFFFFFF  }
0x132: {  	v2 =	vmov @!p0 s4;
	v1 =	vld.msk @!p0 [tilespmem:$0xB0], $0x1;
	_ =	sdelay $0x3  }
0x133: {  	s5 =	simm.s32 @!p0 $0xE0  }
0x134: {  	[tilespmem:v2+s5+$0x0], v1 =	vst.idx.ret.add.f32.msk @!p0 $0x1, v1  }
0x135: {  	[tilespmem:s2+$0xC0] =	vst.msk $0x1, v0  }
0x136: {  	v0 =	vld.msk [tilespmem:s4+$0xE0], $0x1;
	_ =	sdelay $0x4  }
0x137: {  	[tilespmem:s2+$0xE0] =	vst.msk $0x1, v0;
	s2 =	sadd.s32 $0x1, s2  }
.LBB3_20:
0x138: {  	s4 =	sadd.s32 $0x1, s4  }
0x139: {  	p0 =	sne.s32 s4, $0x20  }
.Ltmp17:
0x13a: {  	_ = 	snop;
	(pc) =	sbr.rel @!p0 .LBB3_21-.Ltmp17, $1  }
0x13b: {  	_ =	sdelay $0x3  }
.LBB3_13:
0x13c: {  	v0 =	vld.msk [tilespmem:s4+$0xC0], $0x1;
	_ =	sdelay $0x4  }
0x13d: {  	(v2sf) =	vpush v0, $0x0;
	_ =	sdelay $0xe  }
0x13e: {  	s5 =	spop (v2sf)  }
0x13f: {  	p0 =	seq.s32 s5, $0xFFFFFFFF  }
.Ltmp18:
0x140: {  	_ = 	snop;
	(pc) =	sbr.rel @p0 .LBB3_20-.Ltmp18, $1  }
0x141: {  	_ =	sdelay $0x3  }
0x142: {  	p0 =	slt.s32 s2, $0x1  }
.Ltmp19:
0x143: {  	_ = 	snop;
	(pc) =	sbr.rel @p0 .LBB3_18-.Ltmp19, $1  }
0x144: {  	_ =	sdelay $0x3  }
0x145: {  	s6 =	simm.s32 $0xC0;
	p0 =	por $0x0, $0x0  }
0x146: {  	v1 =	vld.msk @!p0 [tilespmem:s6+$0x0], $0x1;
	_ =	sdelay $0x4  }
0x147: {  	(v2sf) =	vpush @!p0 v1, $0x0;
	_ =	sdelay $0xd  }
0x148: {  	p2 =	sne.s32 s2, $0x1  }
.Ltmp20:
0x149: {  	s7 =	spop @!p0 (v2sf);
	(pc) =	sbr.rel @!p2 .LBB3_17-.Ltmp20, $4  }
0x14a: {  	p1 =	seq.s32 @!p0 s5, s7  }
0x14b: {  	s7 =	simm.s32 $0x0;
	p1 =	por !p1, p0  }
0x14c: {  	s9 =	simm.s32 $0xFFFFFFFF;
	s7 =	simm.s32 @p1 $0xFFFFFFFF  }
0x14d: {  	s8 =	simm.s32 $0x1;
	s7 =	smov.u32 @p0 s9  }
.LBB3_16:
0x14e: {  	s9 =	smov.u32 s7;
	p0 =	sne.s32 s7, $0xFFFFFFFF  }
0x14f: {  	s6 =	sadd.s32 $0x1, s6;
	s7 =	smov.u32 s8;
	s8 =	sadd.s32 $0x1, s8  }
0x150: {  	p1 =	sne.s32 s2, s8;
	v1 =	vld.msk @!p0 [tilespmem:s6+$0x0], $0x1;
	_ =	sdelay $0x4  }
0x151: {  	(v2sf) =	vpush @!p0 v1, $0x0;
	_ =	sdelay $0xe  }
.Ltmp21:
0x152: {  	s10 =	spop @!p0 (v2sf);
	(pc) =	sbr.rel @p1 .LBB3_16-.Ltmp21, $4  }
0x153: {  	p2 =	seq.s32 @!p0 s5, s10  }
0x154: {  	p2 =	por !p2, p0  }
0x155: {  	s7 =	simm.s32 @p2 $0xFFFFFFFF  }
0x156: {  	s7 =	smov.u32 @p0 s9  }
.LBB3_17:
0x157: {  	p0 =	sne.s32 s7, $0xFFFFFFFF  }
.Ltmp22:
0x158: {  	_ = 	snop;
	(pc) =	sbr.rel @!p0 .LBB3_18-.Ltmp22, $1  }
0x159: {  	_ =	sdelay $0x3  }
0x15a: {  	v0 =	vld.msk [tilespmem:s4+$0xE0], $0x1;
	v1 =	vmov s7  }
.Ltmp23:
0x15b: {  	_ = 	snop;
	(pc) =	sbr.rel .LBB3_20-.Ltmp23, $2  }
0x15c: {  	_ =	sdelay $0x2  }
0x15d: {  	[tilespmem:v1+s3+$0x0], v0 =	vst.idx.ret.add.f32.msk $0x1, v0  }
.LBB3_21:
0x15e: {  	p0 =	slt.s32 s2, $0x1  }
.Ltmp24:
0x15f: {  	_ = 	snop;
	(pc) =	sbr.rel @p0 .LBB3_25-.Ltmp24, $3  }
0x160: {  	_ =	sdelay $0x1  }
0x161: {  	s3 =	simm.s32 $0x6  }
0x162: {  	[sflag:s3] =	ssyncpa.u1 $0x1;
	s3 =	simm.s32 $0x0  }
0x163: {  	s4 =	simm.s32 $0xC0  }
0x164: {  	v0 =	vld.msk [tilespmem:s4+$0x0], $0x1;
	_ =	sdelay $0x4  }
0x165: {  	(v2sf) =	vpush v0, $0x0;
	_ =	sdelay $0xe  }
0x166: {  	s2 =	sadd.s32 $0xFFFFFFFF, s2;
	s5 =	spop (v2sf)  }
0x167: {  	p1 =	sne.s32 s2, $0x0;
	p0 =	sgt.u32 s5, $0x27FF  }
.Ltmp25:
0x168: {  	s6 =	sshrl.u32 @!p0 s5, $0x3;
	(pc) =	sbr.rel @!p1 .LBB3_24-.Ltmp25, $4  }
0x169: {  	s4 =	simm.s32 $0xE0;
	s5 =	sand.u32 @!p0 $0x7, s5;
	s6 =	sadd.s32 @!p0 s1, s6  }
0x16a: {  	[hbm4b:s6+s5] =	stream.linear.scatter @!p0 [tilespmem:s4], [sflag:$0x5], $0x1, $0x38;
	[tilespmem:$0xB2E0] =	vst v63  }
0x16b: {  	s6 =	simm.s32 $0x0  }
0x16c: {  	s5 =	simm.s32 $0xC1;
	s6 =	simm.s32 @!p0 $0x4  }
.LBB3_23:
0x16d: {  	v0 =	vld.msk [tilespmem:s5+$0x0], $0x1;
	s2 =	sadd.s32 $0xFFFFFFFF, s2;
	s3 =	sadd.s32 s3, s6  }
0x16e: {  	p0 =	sne.s32 s2, $0x0;
	_ =	sdelay $0x3  }
0x16f: {  	(v2sf) =	vpush v0, $0x0;
	_ =	sdelay $0xe  }
.Ltmp26:
0x170: {  	s7 =	spop (v2sf);
	(pc) =	sbr.rel @p0 .LBB3_23-.Ltmp26, $4  }
0x171: {  	s6 =	simm.s32 $0x0;
	p1 =	sgt.u32 s7, $0x27FF  }
0x172: {  	s4 =	sadd.s32 $0x1, s4;
	s6 =	simm.s32 @!p1 $0x4;
	s8 =	sshrl.u32 @!p1 s7, $0x3  }
0x173: {  	s5 =	sadd.s32 $0x1, s5;
	s7 =	sand.u32 @!p1 $0x7, s7;
	s8 =	sadd.s32 @!p1 s1, s8  }
0x174: {  	[hbm4b:s8+s7] =	stream.linear.scatter @!p1 [tilespmem:s4], [sflag:$0x5], $0x1, $0x38;
	[tilespmem:$0xB2E0] =	vst v63  }
.LBB3_24:
0x175: {  	s1 =	sadd.s32 s3, s6  }
0x176: {  	s3 =	sshrl.u32 s1, $0x2  }
.LBB3_25:
0x177: {  	s1 =	simm.s32 $0x5  }
0x178: {  	_ =	swait.ge [sflag:s1], s3  }
0x179: {  	s2 =	ssub.s32 $0x0, s3;
	[sflag:s1] =	ssyncset.done $0x0  }
0x17a: {  	[sflag:s1] =	ssyncadd.s32 s2  }
0x17b: {  	[sflag:s1] =	ssyncpa.u1 $0x1  }
0x17c: {  	s30 =	simm.s32 $0x1;
	_ =	sfence  }
0x17d: {  	s31 =	simm.s32 $0x2;
	[sflag:s30] =	ssyncpa.u1 $0x1  }
0x17e: {  	[sflag:s31] =	ssyncpa.u1 $0x1  }
0x17f: {  	_ =	strace $0x90000050  }
0x180: {  	s0 =	sadd.s32 $0x100000, s0;
	[bflag:$0x2] =	sbarrier.arrive $0xFFFF  }
0x181: {  	[sflag:s0] =	ssyncadd.tile.s32 $0x1;
	_ =	shalt  }
.Lfunc_end3:
_tile_overlayer_lowered:
.L_overlay_start_3:
0x182: {  	(tag) =	ssettag $0x3  }
0x183: {  	s0 =	rddreg [dreg:$0x0];
	s2 =	stileid.u32  }
0x184: {  	s1 =	rddreg [dreg:$0x1];
	p0 =	sne.s32 s2, $0x0  }
0x185: {  	s3 =	rddreg [dreg:$0x2];
	[bflag:$0x3] =	sbarrier.arrive $0xFFFF;
	s2 =	simm.s32 @!p0 $0x1C01  }
0x186: {  	[timem:s3], [sflag:s2] =	dma.local @!p0 [hbm:s0], s1  }
0x187: {  	s0 =	simm.s32 @!p0 $0x1  }
0x188: {  	_ =	swait.ge @!p0 [sflag:s0], s1  }
0x189: {  	s1 =	ssub.s32 @!p0 $0x0, s1;
	[sflag:s0] =	ssyncset.done @!p0 $0x0  }
0x18a: {  	[sflag:s0] =	ssyncadd.s32 @!p0 s1  }
0x18b: {  	[bflag:$0x3] =	sbarrier.arrive $0xFFFF  }
0x18c: {  	_ =	shalt  }

// kernel: scatter_offload_async_start.3
scs
__scs_entry_jumppad:
0x0: {  	(pc) =	sbr.rel $0x88, $3  }
0x1: {  	(tag) =	ssettag $0x0;
	lr =	simm.s32 $0x1  }
0x2: {  	[smem:$0x3F9B] =	sst lr;
	_ =	strace $0xD0000000  }
0x3: {  	_ = 	snop  }
0x4: {  	_ = 	snop  }
0x5: {  	_ = 	snop  }
0x6: {  	_ = 	snop  }
0x7: {  	_ = 	snop  }
__scs_overlays_trampoline_lowered:
0x8: {  	[smem:$0x3FAA] =	sst s0  }
0x9: {  	[smem:$0x3FAB] =	sst s1  }
0xa: {  	[smem:$0x3FAC] =	sst s2  }
0xb: {  	[smem:$0x3FAD] =	sst s3  }
0xc: {  	[smem:$0x3FAE] =	sst s4  }
0xd: {  	[smem:$0x3FAF] =	sst s5  }
0xe: {  	[smem:$0x3FB0] =	sst s6  }
0xf: {  	[smem:$0x3FB1] =	sst s7  }
0x10: {  	[smem:$0x3FB2] =	sst s8  }
0x11: {  	[smem:$0x3FB3] =	sst s9;
	s0 =	simm.s32 @!p0 $0x0  }
0x12: {  	s1 =	sld [smem:$0x3F99];
	s0 =	simm.s32 @p0 $0x1  }
0x13: {  	[smem:$0x3FB4] =	sst s0;
	s0 =	simm.s32 @!p1 $0x0  }
0x14: {  	s2 =	sld [smem:$0x3F98];
	s0 =	simm.s32 @p1 $0x1  }
0x15: {  	[smem:$0x3FB5] =	sst s0;
	s0 =	simm.s32 @!p2 $0x0  }
0x16: {  	s3 =	sld [smem:$0x3FDB];
	s0 =	simm.s32 @p2 $0x1  }
0x17: {  	s4 =	simm.s32 $0x1BF5;
	[smem:$0x3FB7] =	sst s0  }
0x18: {  	s0 =	sld [smem:$0x3F9A];
	_ =	swait.ge [sflag:s4], $0x0  }
0x19: {  	s7 =	sld [smem:$0x3F9B]  }
0x1a: {  	s8 =	sadd.s32 $0xFFFFE003, lr  }
0x1b: {  	s9 =	sadd.s32 $0xFFFFFEF7, lr;
	s5 =	simm.s32 $0xFFFFFFFF;
	p2 =	slt.u32 s8, $0xFFFFF086  }
0x1c: {  	p1 =	slt.u32 s9, $0xF7A;
	s5 =	simm.s32 @!p2 $0x0  }
0x1d: {  	s5 =	simm.s32 @p1 $0x1;
	p0 =	seq.s32 s7, s2  }
0x1e: {  	s7 =	smul.u32 @!p0 $0xF7A, s2;
	p2 =	seq.s32 @!p0 s5, $0x0  }
0x1f: {  	s9 =	smul.u32 $0xF7A, s1;
	s8 =	simm.s32 @!p0 $0x1BF5;
	p2 =	por !p2, p0  }
0x20: {  	[sflag:s8] =	ssyncset.s32 @!p0 $0xFFFFF086;
	s6 =	sadd.s32 @!p0 s3, s7;
	s7 =	simm.s32 @!p0 $0x108  }
0x21: {  	s3 =	sadd.s32 s3, s9;
	s6 =	sadd.s32 @!p0 $0x88, s6;
	s7 =	simm.s32 @p2 $0x1082  }
0x22: {  	[simem:s7], [sflag:s8] =	dma.local @!p0 [hbm:s6], $0xF7A  }
0x23: {  	s9 =	sor.u32 $0xD0000000, s2;
	s6 =	simm.s32 $0x108;
	_ =	swait.ge @!p0 [sflag:s8], $0x0  }
0x24: {  	s3 =	sadd.s32 $0x88, s3;
	s6 =	simm.s32 @!p1 $0x1082;
	[sflag:s4] =	ssyncset.s32 $0xFFFFF086  }
0x25: {  	[simem:s6], [sflag:s4] =	dma.local [hbm:s3], $0xF7A  }
0x26: {  	[smem:$0x3F9B] =	sst s1;
	(tag) =	ssettag s2;
	_ =	strace s9  }
0x27: {  	s1 =	sld [smem:$0x3FAB]  }
0x28: {  	s2 =	sld [smem:$0x3FAC]  }
0x29: {  	s4 =	sld [smem:$0x3FAE]  }
0x2a: {  	p0 =	seq.s32 s5, $0x0;
	s5 =	sld [smem:$0x3FAF]  }
0x2b: {  	s6 =	sld [smem:$0x3FB0]  }
0x2c: {  	s7 =	sld [smem:$0x3FB1]  }
0x2d: {  	s3 =	simm.s32 $0x108;
	s8 =	sld [smem:$0x3FB2]  }
0x2e: {  	s3 =	simm.s32 @!p0 $0x1082;
	s9 =	sld [smem:$0x3FB3]  }
0x2f: {  	lr =	sadd.s32 s0, s3;
	s0 =	sld [smem:$0x3FAA]  }
0x30: {  	s3 =	sld [smem:$0x3FAD]  }
0x31: {  	[smem:$0x3FB6] =	sst s10  }
0x32: {  	s10 =	sld [smem:$0x3FB4];
	_ =	sdelay $0x3  }
0x33: {  	p0 =	seq.s32 s10, $0x1;
	s10 =	sld [smem:$0x3FB6];
	_ =	sdelay $0x3  }
0x34: {  	[smem:$0x3FB6] =	sst s10  }
0x35: {  	s10 =	sld [smem:$0x3FB5];
	_ =	sdelay $0x3  }
0x36: {  	p1 =	seq.s32 s10, $0x1;
	s10 =	sld [smem:$0x3FB6];
	_ =	sdelay $0x3  }
0x37: {  	[smem:$0x3FB6] =	sst s10  }
0x38: {  	s10 =	sld [smem:$0x3FB7]  }
0x39: {  	_ = 	snop;
	(pc) =	sbr.ind lr, $3  }
0x3a: {  	_ = 	snop  }
0x3b: {  	_ = 	snop  }
0x3c: {  	p2 =	seq.s32 s10, $0x1;
	s10 =	sld [smem:$0x3FB6]  }
0x3d: {  	_ =	shalt  }
0x3e: {  	_ =	shalt  }
0x3f: {  	_ =	shalt  }
0x40: {  	_ =	shalt  }
0x41: {  	_ =	shalt  }
0x42: {  	_ =	shalt  }
0x43: {  	_ =	shalt  }
0x44: {  	_ =	shalt  }
0x45: {  	_ =	shalt  }
0x46: {  	_ =	shalt  }
0x47: {  	_ =	shalt  }
0x48: {  	_ =	shalt  }
0x49: {  	_ =	shalt  }
0x4a: {  	_ =	shalt  }
0x4b: {  	_ =	shalt  }
0x4c: {  	_ =	shalt  }
0x4d: {  	_ =	shalt  }
0x4e: {  	_ =	shalt  }
0x4f: {  	_ =	shalt  }
0x50: {  	_ =	shalt  }
0x51: {  	_ =	shalt  }
0x52: {  	_ =	shalt  }
0x53: {  	_ =	shalt  }
0x54: {  	_ =	shalt  }
0x55: {  	_ =	shalt  }
0x56: {  	_ =	shalt  }
0x57: {  	_ =	shalt  }
0x58: {  	_ =	shalt  }
0x59: {  	_ =	shalt  }
0x5a: {  	_ =	shalt  }
0x5b: {  	_ =	shalt  }
0x5c: {  	_ =	shalt  }
0x5d: {  	_ =	shalt  }
0x5e: {  	_ =	shalt  }
0x5f: {  	_ =	shalt  }
0x60: {  	_ =	shalt  }
0x61: {  	_ =	shalt  }
0x62: {  	_ =	shalt  }
0x63: {  	_ =	shalt  }
0x64: {  	_ =	shalt  }
0x65: {  	_ =	shalt  }
0x66: {  	_ =	shalt  }
0x67: {  	_ =	shalt  }
0x68: {  	_ =	shalt  }
0x69: {  	_ =	shalt  }
0x6a: {  	_ =	shalt  }
0x6b: {  	_ =	shalt  }
0x6c: {  	_ =	shalt  }
0x6d: {  	_ =	shalt  }
0x6e: {  	_ =	shalt  }
0x6f: {  	_ =	shalt  }
0x70: {  	_ =	shalt  }
0x71: {  	_ =	shalt  }
0x72: {  	_ =	shalt  }
0x73: {  	_ =	shalt  }
0x74: {  	_ =	shalt  }
0x75: {  	_ =	shalt  }
0x76: {  	_ =	shalt  }
0x77: {  	_ =	shalt  }
0x78: {  	_ =	shalt  }
0x79: {  	_ =	shalt  }
0x7a: {  	_ =	shalt  }
0x7b: {  	_ =	shalt  }
0x7c: {  	_ =	shalt  }
0x7d: {  	_ =	shalt  }
0x7e: {  	_ =	shalt  }
0x7f: {  	_ =	shalt  }
0x80: {  	_ =	shalt  }
0x81: {  	_ =	shalt  }
0x82: {  	_ =	shalt  }
0x83: {  	_ =	shalt  }
0x84: {  	_ =	shalt  }
0x85: {  	_ =	shalt  }
0x86: {  	_ =	shalt  }
0x87: {  	_ =	shalt  }
.Lfunc_end0:
.L_simem_size_0:
called_computation.3_lowered:
.L_overlay_start_0:
0x88: {  	s2 =	sld [smem:$0x3FD9]  }
0x89: {  	s3 =	sld [smem:$0x3FFE];
	_ =	sdelay $0x1  }
0x8a: {  	s1 =	srdreg.scid  }
0x8b: {  	s0 =	sand.u32 $0x1, s1  }
0x8c: {  	s16 =	sshll.u32 s0, $0xA;
	s2 =	sadd.s32 s3, s2  }
0x8d: {  	s2 =	sadd.s32 s2, s16  }
0x8e: {  	[smem:$0x3FC2] =	sst s2  }
0x8f: {  	_ = 	snop  }
0x90: {  	s2 =	sld [smem:$0x3FD0];
	(tm) =	ssettm $0x1  }
0x91: {  	s17 =	sld [smem:$0x3FFB];
	_ =	sdelay $0x3  }
0x92: {  	_ =	strace s17  }
0x93: {  	s3 =	sld [smem:$0x3FFC];
	_ =	sdelay $0x3  }
0x94: {  	_ =	strace s3  }
0x95: {  	s3 =	sld [smem:$0x3FFD];
	_ =	sdelay $0x3  }
0x96: {  	_ =	strace s3  }
0x97: {  	_ =	strace $0x8FFFFFFF  }
0x98: {  	s18 =	sld [smem:$0x3FDB];
	_ =	sdelay $0x1  }
0x99: {  	s4 =	simm.s32 $_scs_section_size  }
0x9a: {  	s5 =	simm.s32 $_size__tile_overlayer_lowered;
	s6 =	simm.s32 $_tile_overlayer_lowered  }
0x9b: {  	s21 =	simm.s32 $0x1BFF;
	s20 =	sshll.u32 s6, $0x1;
	s3 =	sadd.s32 s4, s18  }
0x9c: {  	s7 =	simm.s32 $0x0;
	s19 =	sshll.u32 s5, $0x1;
	s5 =	sadd.s32 s20, s3  }
0x9d: {  	[timem:s7], [sflag:s21] =	dma.local [hbm:s5], s19  }
0x9e: {  	_ =	swait.ge [sflag:s21], s19  }
0x9f: {  	s4 =	ssub.s32 $0x0, s19;
	[sflag:s21] =	ssyncset.done $0x0  }
0xa0: {  	[sflag:s21] =	ssyncadd.s32 s4;
	_ =	sdelay $0x1  }
0xa1: {  	s22 =	simm.s32 $0x1B8B  }
0xa2: {  	_ =	swait.ge [sflag:s22], $0x1  }
0xa3: {  	[sflag:s22] =	ssyncset.done $0x0  }
0xa4: {  	s23 =	sld [smem:$0x3FFE];
	[sflag:s22] =	ssyncadd.s32 $0xFFFFFFFF  }
0xa5: {  	s25 =	simm.s32 $0x1B8E;
	s24 =	sld [smem:$0x0]  }
0xa6: {  	s26 =	simm.s32 $execute0_lowered;
	[smem:$0x3FD2] =	sst s25  }
0xa7: {  	s6 =	sshll.u32 s26, $0x1;
	_ =	strace $0x80000058;
	[dreg:$0x1] =	wrdreg $0xFFFFFFFF  }
0xa8: {  	s28 =	simm.s32 $_size_execute0_lowered;
	s3 =	sadd.s32 s3, s6;
	[dreg:$0x0] =	wrdreg $0x0  }
0xa9: {  	s6 =	sshll.u32 s28, $0x1;
	[dreg:$0x2] =	wrdreg s3  }
0xaa: {  	[dreg:$0x3] =	wrdreg s6  }
0xab: {  	[dreg:$0x4] =	wrdreg $0xC0  }
0xac: {  	_ =	task [dreg:s7], $0x5FFFF  }
0xad: {  	[dreg:$0x1] =	wrdreg $0xFFFFFFFF  }
0xae: {  	[dreg:$0x0] =	wrdreg $0x60  }
0xaf: {  	[dreg:$0x2] =	wrdreg s2  }
0xb0: {  	[dreg:$0x3] =	wrdreg s23  }
0xb1: {  	[dreg:$0x4] =	wrdreg s1  }
0xb2: {  	[dreg:$0x5] =	wrdreg s24  }
0xb3: {  	[dreg:$0x6] =	wrdreg $0x9  }
0xb4: {  	_ =	task.clear_ibuf [dreg:s7], $0x7FFFF;
	_ =	strace $0x90000058  }
0xb5: {  	s29 =	simm.s32 $0x9;
	_ =	strace $0x8000005A  }
0xb6: {  	_ =	swait.ge [sflag:s29], $0x1  }
0xb7: {  	[sflag:s29] =	ssyncadd.s32 $0xFFFFFFFF  }
0xb8: {  	_ =	strace $0x9000005A  }
0xb9: {  	_ =	sfence  }
0xba: {  	s30 =	sld [smem:$0x0];
	_ =	sdelay $0x2  }
0xbb: {  	s31 =	sshll.u32 s1, $0xD;
	s1 =	sshrl.u32 s1, $0x2  }
0xbc: {  	s3 =	sand.u32 $0x4000, s31;
	s1 =	sadd.s32 s1, s30  }
0xbd: {  	s0 =	sor.u32 s3, s0;
	s1 =	sshll.u32 s1, $0x11  }
0xbe: {  	s0 =	sor.u32 s1, s0  }
0xbf: {  	s0 =	sadd.s32 $0x8F2B, s0  }
0xc0: {  	[sflag:s0] =	ssyncadd.remote.s32 $0x1  }
0xc1: {  	_ =	sfence.sel $0xFFFF  }
0xc2: {  	[dreg:$0x0] =	wrdreg $0xFFFFFFFF;
	(pc) =	sbr.abs _section_cstart, $3  }
0xc3: {  	[dreg:$0x1] =	wrdreg $0xFFFFFFFF  }
0xc4: {  	_ =	task.clear_ibuf [dreg:s7], $0x2FFFF;
	_ =	strace $0x9FFFFFFF  }
0xc5: {  	(tm) =	ssettm $0x7FFFFFFF  }
tec
execute0_lowered:
.L_overlay_start_1:
0x0: {  	(tag) =	ssettag $0x1  }
0x1: {  	s1 =	rddreg [dreg:$0x0]  }
0x2: {  	s2 =	rddreg [dreg:$0x1]  }
0x3: {  	s3 =	rddreg [dreg:$0x2];
	_ =	strace $0x80000059;
	s0 =	simm.s32 $0x1  }
0x4: {  	v0 =	vimm.s32 $0x0;
	[sflag:s0] =	ssyncpa.u1 $0x0;
	s0 =	simm.s32 $0x108  }
0x5: {  	[tilespmem:s0+$0x70] =	vst v0  }
0x6: {  	[tilespmem:s0+$0x60] =	vst v0  }
0x7: {  	[tilespmem:s0+$0x50] =	vst v0  }
0x8: {  	[tilespmem:s0+$0x40] =	vst v0  }
0x9: {  	[tilespmem:s0+$0x30] =	vst v0  }
0xa: {  	s15 =	sadd.s32 $0x19400, s2;
	s6 =	sadd.s32 $0x2B7E00, s2;
	[tilespmem:s0+$0x20] =	vst v0  }
0xb: {  	s14 =	sadd.s32 $0xEA3C00, s2;
	s5 =	sand.u32 $0x1, s3;
	s3 =	simm.s32 $0x40;
	[tilespmem:s0+$0x10] =	vst v0  }
.LBB2_1:
0xc: {  	s3 =	sadd.s32 $0x40, s3;
	[tilespmem:s0+$0x0] =	vst v0;
	s0 =	sadd.s32 $0x80, s0  }
0xd: {  	p0 =	slt.u32 s3, $0x3C40;
	[tilespmem:s0+$0x70] =	vst v0  }
0xe: {  	[tilespmem:s0+$0x60] =	vst v0  }
.Ltmp0:
0xf: {  	[tilespmem:s0+$0x50] =	vst v0;
	(pc) =	sbr.rel @p0 .LBB2_1-.Ltmp0, $4  }
0x10: {  	[tilespmem:s0+$0x40] =	vst v0  }
0x11: {  	[tilespmem:s0+$0x30] =	vst v0  }
0x12: {  	[tilespmem:s0+$0x20] =	vst v0  }
0x13: {  	[tilespmem:s0+$0x10] =	vst v0  }
0x14: {  	s9 =	stileid.u32  }
0x15: {  	s2 =	smul.u32 $0x15, s9  }
0x16: {  	s3 =	smin.u32 s9, $0x2  }
0x17: {  	s2 =	sadd.s32 s3, s2  }
0x18: {  	p0 =	slt.u32 s9, $0x2;
	s7 =	smul.u32 $0xF0, s2;
	s2 =	simm.s32 $0x14A0  }
0x19: {  	s2 =	simm.s32 @!p0 $0x13B0  }
0x1a: {  	s2 =	sadd.s32 s2, s7  }
0x1b: {  	s8 =	smin.u32 s2, $0x13C00  }
0x1c: {  	s2 =	ssub.s32 s8, s7  }
0x1d: {  	p0 =	sgt.s32 s2, $0x0  }
0x1e: {  	s29 =	simm.s32 $0x2;
	s10 =	simm.s32 $0x9;
	s2 =	simm.s32 @!p0 $0x0  }
0x1f: {  	s4 =	simm.s32 $0xA;
	s11 =	simm.s32 $0xB;
	s28 =	smulhi.u32 $0x88888889, s2  }
0x20: {  	[dreg:$0x5] =	wrdreg s5;
	s31 =	smul.u32 $0x2780, s5;
	s12 =	simm.s32 $0x1  }
0x21: {  	s22 =	simm.s32 $0x0;
	s18 =	simm.s32 $0xC;
	s30 =	sshrl.u32 s28, $0x7  }
0x22: {  	s20 =	simm.s32 $0x0;
	s21 =	simm.s32 $0x0;
	s3 =	smul.u32 $0xF0, s30  }
.Ltmp1:
0x23: {  	[tilespmem:s0+$0x0] =	vst v0;
	v0 =	vimm.s32 $0xFFFFFFFF;
	[sflag:s29] =	ssyncpa.u1 $0x0;
	s16 =	sshll.u32 s9, $0x8;
	(pc) =	sbr.rel .LBB2_3-.Ltmp1, $4  }
0x24: {  	[tilespmem:$0xF208] =	vst v0;
	[sflag:s10] =	ssyncpa.u1 $0x0;
	p0 =	sne.s32 s2, s3;
	s2 =	simm.s32 $0x1  }
0x25: {  	s14 =	sadd.s32 s31, s14;
	[sflag:s4] =	ssyncpa.u1 $0x0;
	s2 =	simm.s32 @!p0 $0x0  }
0x26: {  	s15 =	sadd.s32 s31, s15;
	[sflag:s11] =	ssyncpa.u1 $0x0;
	s13 =	sadd.s32 s2, s30  }
0x27: {  	v0 =	vlaneseq.u32;
	s19 =	smov.u32 s7;
	p0 =	por $0x0, $0x0;
	s17 =	sadd.s32 $0x1, s13  }
.LBB2_18:
0x28: {  	s0 =	sshrl.u32 s31, $0x2  }
.LBB2_20:
0x29: {  	_ =	swait.ge [sflag:s18], s0  }
0x2a: {  	s31 =	ssub.s32 $0x0, s0;
	v1 =	vmov s24;
	vm0 =	veq.s32 v0, $0x0;
	[sflag:s18] =	ssyncset.done $0x0  }
0x2b: {  	vm15 =	veq.s32 v0, $0x2;
	v1 =	vsel vm0, s30, v1;
	[sflag:s18] =	ssyncadd.s32 s31  }
0x2c: {  	v1 =	vsel vm15, s22, v1;
	[sflag:s18] =	ssyncpa.u1 $0x1  }
0x2d: {  	[tilespmem:$0xF208] =	vst v1  }
.LBB2_21:
0x2e: {  	s0 =	sadd.s32 $0xF0, s19  }
0x2f: {  	s2 =	smov.u32 s7;
	p1 =	slt.s32 s0, s8  }
0x30: {  	s2 =	smov.u32 @p1 s0;
	p1 =	sne.s32 s21, s17  }
.Ltmp2:
0x31: {  	_ = 	snop;
	(pc) =	sbr.rel @!p1 .LBB2_22-.Ltmp2, $3  }
0x32: {  	_ =	sdelay $0x1  }
0x33: {  	s22 =	smov.u32 s20;
	s31 =	sadd.s32 $0x1, s21;
	s20 =	smov.u32 s19  }
0x34: {  	p0 =	por !p0, !p0;
	s21 =	smov.u32 s31;
	s19 =	smov.u32 s2  }
.LBB2_3:
0x35: {  	p1 =	sge.u32 s21, s13  }
0x36: {  	s0 =	smulhi.u32 @!p1 $0xAAAAAAAB, s21  }
0x37: {  	s2 =	smov.u32 s19;
	p2 =	sgt.s32 @!p1 s19, $0x13B10  }
0x38: {  	s3 =	sshra.s32 @!p1 s19, $0x1F;
	p2 =	por !p2, p1;
	s0 =	sshrl.u32 @!p1 s0, $0x1  }
0x39: {  	s3 =	sand.u32 @!p1 s3, s19;
	s2 =	simm.s32 @p2 $0x13B10;
	s0 =	smul.u32 @!p1 $0x3, s0  }
0x3a: {  	s2 =	ssub.s32 @!p1 s2, s3  }
0x3b: {  	s2 =	sadd.s32 @!p1 $0xFFFEC4F0, s2;
	s0 =	ssub.s32 @!p1 s21, s0  }
0x3c: {  	s3 =	sshll.u32 @!p1 s2, $0x2;
	p2 =	sgt.s32 @!p1 s2, $0xEF;
	s0 =	smul.u32 @!p1 $0x3C0, s0  }
0x3d: {  	s4 =	sand.u32 @!p1 $0x7, s19;
	s2 =	ssub.s32 @!p1 $0x3C0, s3;
	p2 =	por !p2, p1  }
0x3e: {  	s3 =	sshrl.u32 @!p1 s19, $0x3;
	s2 =	sshrl.u32 @!p1 s2, $0x2;
	s0 =	sshrl.u32 @!p1 s0, $0x2  }
0x3f: {  	s3 =	sadd.s32 @!p1 s3, s14;
	s2 =	simm.s32 @!p2 $0x0;
	s0 =	sadd.s32 @!p1 $0x10248, s0  }
0x40: {  	[tilespmem:s0], [sflag:$0xA] =	stream.linear.gather @!p1 [hbm4b:s3+s4], s2, $0x38;
	[tilespmem:$0x1F6F8] =	vst v63  }
0x41: {  	s0 =	sadd.s32 $0xFFFFFFFF, s21  }
0x42: {  	p1 =	sge.u32 s0, s13  }
0x43: {  	p2 =	sgt.s32 @!p1 s20, $0x13B10  }
0x44: {  	s2 =	smov.u32 s20;
	s3 =	sshra.s32 @!p1 s20, $0x1F;
	p2 =	por !p2, p1  }
0x45: {  	s3 =	sand.u32 @!p1 s3, s20;
	s2 =	simm.s32 @p2 $0x13B10  }
0x46: {  	s2 =	ssub.s32 @!p1 s2, s3  }
0x47: {  	s2 =	sadd.s32 @!p1 $0xFFFEC4F0, s2  }
0x48: {  	s4 =	sand.u32 @!p1 $0x1, s0;
	s3 =	sshll.u32 @!p1 s2, $0x2  }
0x49: {  	p2 =	sgt.s32 @!p1 s2, $0xEF;
	s2 =	ssub.s32 @!p1 $0x3C0, s3;
	s3 =	smulhi.u32 @!p1 $0xAAAAAAAB, s0  }
0x4a: {  	s23 =	smul.u32 @!p1 $0x3C0, s4;
	p2 =	por !p2, p1;
	s2 =	sshrl.u32 @!p1 s2, $0x2  }
0x4b: {  	s5 =	simm.s32 @!p1 $0xA;
	s2 =	simm.s32 @!p2 $0x0;
	s3 =	sshrl.u32 @!p1 s3, $0x1  }
0x4c: {  	s23 =	sshrl.u32 @!p1 s23, $0x2;
	_ =	swait.ge @!p1 [sflag:s5], s2;
	s3 =	smul.u32 @!p1 $0x3, s3  }
0x4d: {  	s23 =	sadd.s32 @!p1 $0x10518, s23;
	s24 =	ssub.s32 @!p1 $0x0, s2;
	[sflag:s5] =	ssyncset.done @!p1 $0x0  }
0x4e: {  	[sflag:s5] =	ssyncadd.s32 @!p1 s24;
	s5 =	sshrl.u32 @!p1 s20, $0x3;
	s0 =	ssub.s32 @!p1 s0, s3  }
0x4f: {  	s24 =	sand.u32 @!p1 $0x7, s20;
	s5 =	sadd.s32 @!p1 s5, s15;
	s0 =	smul.u32 @!p1 $0x3C0, s0  }
0x50: {  	[tilespmem:s23], [sflag:$0xB] =	stream.linear.gather @!p1 [hbm4b:s5+s24], s2, $0x38;
	[tilespmem:$0x1F6F8] =	vst v63  }
0x51: {  	s3 =	ssub.s32 @!p1 $0x13C00, s20;
	s2 =	smul.u32 @!p1 $0x1E000, s4  }
0x52: {  	p2 =	slt.s32 @!p1 s3, $0xF0  }
0x53: {  	p2 =	por !p2, p1;
	s0 =	sshrl.u32 @!p1 s0, $0x2;
	s2 =	sshrl.u32 @!p1 s2, $0x2  }
0x54: {  	s3 =	simm.s32 @p2 $0xF0;
	s0 =	sadd.s32 @!p1 $0x10248, s0;
	s2 =	sor.u32 @!p1 $0x106F8, s2  }
0x55: {  	[tilespmem:s2], [sflag:$0x9] =	stream.indirect.gather @!p1 [hbm4b:s6+s3], $0x80, s0, s3, $0xb8;
	[tilespmem:$0x1F6F8] =	vst v63  }
0x56: {  	p1 =	slt.u32 s21, $0x2  }
.Ltmp3:
0x57: {  	_ = 	snop;
	(pc) =	sbr.rel @p1 .LBB2_21-.Ltmp3, $1  }
0x58: {  	_ =	sdelay $0x3  }
0x59: {  	p1 =	sgt.s32 s22, $0x13B10  }
0x5a: {  	s0 =	smov.u32 s22;
	s2 =	sshra.s32 s22, $0x1F;
	s3 =	ssub.s32 $0x13C00, s22  }
0x5b: {  	s0 =	simm.s32 @!p1 $0x13B10;
	s2 =	sand.u32 s2, s22;
	p1 =	slt.s32 s3, $0xF0  }
0x5c: {  	s0 =	ssub.s32 s0, s2;
	s3 =	simm.s32 @!p1 $0xF0  }
0x5d: {  	s0 =	sadd.s32 $0xFFFEC4F0, s0;
	s25 =	sshll.u32 s3, $0x7  }
0x5e: {  	s26 =	sshll.u32 s0, $0x2;
	s2 =	sand.u32 $0x3FFFFF80, s25  }
0x5f: {  	p1 =	sgt.s32 s0, $0xEF;
	s29 =	ssub.s32 $0x3C0, s26;
	_ =	swait.ge [sflag:s10], s2  }
0x60: {  	s2 =	ssub.s32 $0x0, s2;
	[sflag:s10] =	ssyncset.done $0x0;
	s0 =	sshrl.u32 s29, $0x2  }
0x61: {  	[sflag:s10] =	ssyncadd.s32 s2;
	s0 =	simm.s32 @p1 $0x0  }
0x62: {  	_ =	swait.ge [sflag:s11], s0  }
0x63: {  	s0 =	ssub.s32 $0x0, s0;
	[sflag:s11] =	ssyncset.done $0x0  }
0x64: {  	[sflag:s11] =	ssyncadd.s32 s0  }
0x65: {  	v1 =	vld [tilespmem:$0xF208];
	_ =	sdelay $0x4  }
0x66: {  	(v2sf) =	vpush v1, $0x0  }
0x67: {  	(v2sf) =	vpush v1, $0x1  }
0x68: {  	(v2sf) =	vpush v1, $0x2;
	_ =	sdelay $0x3  }
0x69: {  	s0 =	sadd.s32 $0xF0, s22  }
0x6a: {  	s2 =	ssub.s32 $0x27800, s22;
	p1 =	slt.s32 s8, s0  }
0x6b: {  	s0 =	smov.u32 @p1 s8;
	p1 =	sgt.s32 s2, $0x0  }
0x6c: {  	s26 =	ssub.s32 s0, s22;
	s2 =	simm.s32 @!p1 $0x0  }
0x6d: {  	p1 =	slt.s32 s2, s26  }
0x6e: {  	s26 =	smov.u32 @p1 s2  }
0x6f: {  	s25 =	simm.s32 $0x1;
	p1 =	slt.s32 s26, $0x1  }
.Ltmp4:
0x70: {  	s25 =	simm.s32 @!p0 $0x0;
	(pc) =	sbr.rel @p1 .LBB2_8-.Ltmp4, $4  }
0x71: {  	s31 =	smul.u32 $0x3C0, s25  }
0x72: {  	s28 =	spop (v2sf)  }
0x73: {  	s0 =	sshrl.u32 s31, $0x2;
	s30 =	spop (v2sf)  }
0x74: {  	s23 =	sadd.s32 $0x10518, s0;
	s22 =	spop (v2sf)  }
0x75: {  	s0 =	smin.u32 s26, $0x10  }
0x76: {  	v1 =	vmov s0  }
0x77: {  	p2 =	sgt.s32 s26, $0x10;
	vm1 =	vgt.u32 v1, v0  }
.Ltmp5:
0x78: {  	_ = 	snop;
	(pc) =	sbr.rel @!p2 .LBB2_7-.Ltmp5, $2  }
0x79: {  	_ =	sdelay $0x2  }
0x7a: {  	s4 =	simm.s32 $0x10;
	s24 =	sadd.s32 $0xFFFFFFF0, s26;
	s0 =	smov.u32 s23;
	vm0 =	vmmov vm1  }
.LBB2_6:
0x7b: {  	s2 =	smin.u32 s24, $0x10;
	s4 =	sadd.s32 $0x10, s4;
	v1 =	vld.msk [tilespmem:s0+$0x0 ss:$0x1], vm1  }
0x7c: {  	v2 =	vmov s2;
	p2 =	slt.s32 s4, s26  }
0x7d: {  	vm1 =	vgt.u32 v2, v0  }
.Ltmp6:
0x7e: {  	(pc) =	sbr.rel @p2 .LBB2_6-.Ltmp6, $3  }
0x7f: {  	_ =	sdelay $0x1  }
0x80: {  	v1 =	vshll.u32 v1, $0x4  }
0x81: {  	s24 =	sadd.s32 $0xFFFFFFF0, s24;
	[tilespmem:s0+$0x0] =	vst.msk vm0, v1;
	s0 =	sadd.s32 $0x10, s0;
	vm0 =	vmmov vm1  }
.LBB2_7:
0x82: {  	_ =	sdelay $0x4  }
0x83: {  	v1 =	vld.msk [tilespmem:s0+$0x0 ss:$0x1], vm1;
	_ =	sdelay $0x4  }
0x84: {  	v1 =	vshll.u32 v1, $0x4  }
0x85: {  	[tilespmem:s0+$0x0] =	vst.msk vm0, v1  }
.LBB2_8:
0x86: {  	s0 =	sand.u32 $0x1, s21  }
0x87: {  	s0 =	smul.u32 $0xF0, s0  }
0x88: {  	p2 =	sne.s32 s30, $0xFFFFFFFF  }
0x89: {  	v1 =	vld.msk @!p2 [tilespmem:s0+$0x10518], $0x1;
	_ =	sdelay $0x4  }
0x8a: {  	(v2sf) =	vpush @!p2 v1, $0x0;
	_ =	sdelay $0xc  }
.Ltmp7:
0x8b: {  	_ = 	snop;
	(pc) =	sbr.rel @p1 .LBB2_19-.Ltmp7, $4  }
0x8c: {  	_ = 	snop  }
0x8d: {  	s29 =	spop @!p2 (v2sf)  }
0x8e: {  	s22 =	simm.s32 @!p2 $0x0;
	s24 =	smov.u32 s29  }
0x8f: {  	[sflag:s18] =	ssyncpa.u1 $0x0;
	s29 =	smov.u32 @p2 s28;
	s24 =	smov.u32 @p2 s30  }
0x90: {  	v1 =	vld.msk [tilespmem:s23+$0x0], $0x1;
	_ =	sdelay $0x4  }
0x91: {  	(v2sf) =	vpush v1, $0x0;
	_ =	sdelay $0xe  }
0x92: {  	s2 =	smul.u32 $0x1E000, s25;
	s0 =	spop (v2sf)  }
0x93: {  	s26 =	ssub.s32 $0x0, s26;
	p1 =	seq.s32 s29, s0  }
0x94: {  	s30 =	sadd.s32 $0x1, s26;
	s2 =	sshrl.u32 s2, $0x2;
	p2 =	sgt.s32 @!p1 s29, $0x0  }
0x95: {  	s25 =	sor.u32 $0x10738, s2;
	s2 =	smov.u32 s29;
	p2 =	por !p2, p1  }
0x96: {  	s2 =	simm.s32 @p2 $0x0;
	p2 =	seq.s32 s30, $0x0  }
.Ltmp8:
0x97: {  	_ = 	snop;
	(pc) =	sbr.rel @p2 .LBB2_11-.Ltmp8, $4  }
0x98: {  	_ = 	snop  }
0x99: {  	s28 =	simm.s32 $0x0;
	s31 =	sadd.s32 $0x1, s23;
	s2 =	smin.u32 @!p1 s2, $0x270F0  }
0x9a: {  	s4 =	simm.s32 @!p1 $0x1;
	s5 =	simm.s32 @!p1 $0x7988;
	s3 =	sand.u32 @!p1 $0x3FFF8, s2  }
0x9b: {  	s4 =	smov.u32 @p1 s28;
	s2 =	sand.u32 @!p1 $0x7, s2;
	s3 =	sadd.s32 @!p1 s1, s3  }
.LBB2_10:
0x9c: {  	s9 =	smov.u32 s4  }
0x9d: {  	[tilespmem:s5], [sflag:$0x2] =	stream.linear.gather @!p1 [hbm4b:s3+s2], $0x80, $0x38;
	[tilespmem:$0x1F6F8] =	vst v63  }
0x9e: {  	s30 =	sadd.s32 $0x1, s30;
	s2 =	smov.u32 s0;
	v1 =	vld.msk [tilespmem:s31+$0x0], $0x1  }
0x9f: {  	p2 =	seq.s32 s30, $0x0;
	_ =	sdelay $0x3  }
0xa0: {  	(v2sf) =	vpush v1, $0x0;
	_ =	sdelay $0xe  }
0xa1: {  	s0 =	spop (v2sf)  }
0xa2: {  	p1 =	seq.s32 s2, s0  }
0xa3: {  	p3 =	sgt.s32 @!p1 s2, $0x0;
	s3 =	sshll.u32 @!p1 s4, $0x9;
	s4 =	sadd.s32 @!p1 $0x1, s4  }
.Ltmp9:
0xa4: {  	p3 =	por !p3, p1;
	s3 =	sshra.s32 @!p1 s3, $0x2;
	(pc) =	sbr.rel @!p2 .LBB2_10-.Ltmp9, $4  }
0xa5: {  	s4 =	smov.u32 @p1 s9;
	s2 =	simm.s32 @p3 $0x0;
	s5 =	sadd.s32 @!p1 $0x7988, s3  }
0xa6: {  	s2 =	smin.u32 @!p1 s2, $0x270F0  }
0xa7: {  	s3 =	sand.u32 @!p1 $0x3FFF8, s2;
	s2 =	sand.u32 @!p1 $0x7, s2  }
0xa8: {  	s31 =	sadd.s32 $0x1, s31;
	s3 =	sadd.s32 @!p1 s1, s3  }
.LBB2_11:
0xa9: {  	[tilespmem:s5], [sflag:$0x2] =	stream.linear.gather @!p1 [hbm4b:s3+s2], $0x80, $0x38;
	[tilespmem:$0x1F6F8] =	vst v63  }
.Ltmp10:
0xaa: {  	s0 =	sshll.u32 s4, $0x7;
	(pc) =	sbr.rel .LBB2_12-.Ltmp10, $4  }
0xab: {  	s30 =	simm.s32 $0x2;
	s0 =	sand.u32 $0x3FFFFF80, s0  }
0xac: {  	_ =	swait.ge [sflag:s30], s0  }
0xad: {  	s0 =	ssub.s32 $0x0, s0;
	[sflag:s30] =	ssyncset.done $0x0  }
0xae: {  	s31 =	simm.s32 $0x0;
	[sflag:s30] =	ssyncadd.s32 s0  }
.LBB2_13:
0xaf: {  	v1 =	vld [tilespmem:s25+$0xFFFFFFC0];
	_ =	sdelay $0x3  }
0xb0: {  	s0 =	sshra.s32 s0, $0x2  }
0xb1: {  	[tilespmem:s0+$0x108] =	vst.add.f32.msk $0xffff, v1  }
0xb2: {  	v1 =	vld [tilespmem:s25+$0xFFFFFFD0];
	_ =	sdelay $0x4  }
0xb3: {  	[tilespmem:s0+$0x118] =	vst.add.f32.msk $0xffff, v1  }
0xb4: {  	v1 =	vld [tilespmem:s25+$0xFFFFFFE0];
	_ =	sdelay $0x4  }
0xb5: {  	[tilespmem:s0+$0x128] =	vst.add.f32.msk $0xffff, v1  }
0xb6: {  	v1 =	vld [tilespmem:s25+$0xFFFFFFF0];
	_ =	sdelay $0x4  }
0xb7: {  	[tilespmem:s0+$0x138] =	vst.add.f32.msk $0xffff, v1  }
0xb8: {  	v1 =	vld [tilespmem:s25+$0x0];
	_ =	sdelay $0x4  }
0xb9: {  	[tilespmem:s0+$0x148] =	vst.add.f32.msk $0xffff, v1  }
0xba: {  	v1 =	vld [tilespmem:s25+$0x10];
	_ =	sdelay $0x4  }
0xbb: {  	[tilespmem:s0+$0x158] =	vst.add.f32.msk $0xffff, v1  }
0xbc: {  	v1 =	vld [tilespmem:s25+$0x20];
	_ =	sdelay $0x4  }
0xbd: {  	[tilespmem:s0+$0x168] =	vst.add.f32.msk $0xffff, v1  }
0xbe: {  	v1 =	vld [tilespmem:s25+$0x30];
	_ =	sdelay $0x4  }
0xbf: {  	[tilespmem:s0+$0x178] =	vst.add.f32.msk $0xffff, v1  }
.LBB2_17:
0xc0: {  	s26 =	sadd.s32 $0x1, s26  }
0xc1: {  	p1 =	seq.s32 s26, $0x0  }
.Ltmp11:
0xc2: {  	_ = 	snop;
	(pc) =	sbr.rel @p1 .LBB2_18-.Ltmp11, $2  }
0xc3: {  	_ =	sdelay $0x2  }
0xc4: {  	s23 =	sadd.s32 $0x1, s23;
	s25 =	sadd.s32 $0x80, s25;
	s29 =	smov.u32 s30  }
.LBB2_12:
0xc5: {  	v1 =	vld.msk [tilespmem:s23+$0x0], $0x1;
	_ =	sdelay $0x4  }
0xc6: {  	(v2sf) =	vpush v1, $0x0;
	_ =	sdelay $0xe  }
0xc7: {  	s30 =	spop (v2sf)  }
0xc8: {  	p1 =	sne.s32 s29, s30  }
.Ltmp12:
0xc9: {  	_ = 	snop;
	(pc) =	sbr.rel @!p1 .LBB2_13-.Ltmp12, $2  }
0xca: {  	_ =	sdelay $0x2  }
0xcb: {  	s0 =	sshll.u32 s22, $0x9  }
0xcc: {  	p1 =	seq.s32 s29, s24  }
.Ltmp13:
0xcd: {  	_ = 	snop;
	(pc) =	sbr.rel @!p1 .LBB2_15-.Ltmp13, $1  }
0xce: {  	_ =	sdelay $0x3  }
0xcf: {  	s0 =	sshra.s32 s0, $0x2  }
.Ltmp14:
0xd0: {  	s0 =	sadd.s32 $0x108, s0;
	(pc) =	sbr.rel .LBB2_16-.Ltmp14, $4  }
0xd1: {  	[spmem:s16] =	stream.linear.scatter [tilespmem:s0], [sflag:$0x1], $0x80, $0x38;
	[tilespmem:$0x1F6F8] =	vst v63  }
0xd2: {  	_ =	swait.ge [sflag:s12], $0x80  }
0xd3: {  	[sflag:s12] =	ssyncset.done $0x0  }
0xd4: {  	[sflag:s12] =	ssyncadd.s32 $0xFFFFFF80  }
.LBB2_15:
0xd5: {  	s2 =	sshll.u32 s28, $0x9  }
0xd6: {  	s2 =	sshra.s32 s2, $0x2  }
0xd7: {  	v1 =	vld [tilespmem:s2+$0x7988];
	_ =	sdelay $0x3  }
0xd8: {  	s0 =	sshra.s32 s0, $0x2  }
0xd9: {  	[tilespmem:s0+$0x108] =	vst.add.f32.msk $0xffff, v1  }
0xda: {  	v1 =	vld [tilespmem:s2+$0x7998];
	_ =	sdelay $0x4  }
0xdb: {  	[tilespmem:s0+$0x118] =	vst.add.f32.msk $0xffff, v1  }
0xdc: {  	v1 =	vld [tilespmem:s2+$0x79A8];
	_ =	sdelay $0x4  }
0xdd: {  	[tilespmem:s0+$0x128] =	vst.add.f32.msk $0xffff, v1  }
0xde: {  	v1 =	vld [tilespmem:s2+$0x79B8];
	_ =	sdelay $0x4  }
0xdf: {  	[tilespmem:s0+$0x138] =	vst.add.f32.msk $0xffff, v1  }
0xe0: {  	v1 =	vld [tilespmem:s2+$0x79C8];
	_ =	sdelay $0x4  }
0xe1: {  	[tilespmem:s0+$0x148] =	vst.add.f32.msk $0xffff, v1  }
0xe2: {  	v1 =	vld [tilespmem:s2+$0x79D8];
	_ =	sdelay $0x4  }
0xe3: {  	[tilespmem:s0+$0x158] =	vst.add.f32.msk $0xffff, v1  }
0xe4: {  	v1 =	vld [tilespmem:s2+$0x79E8];
	_ =	sdelay $0x4  }
0xe5: {  	[tilespmem:s0+$0x168] =	vst.add.f32.msk $0xffff, v1  }
0xe6: {  	v1 =	vld [tilespmem:s2+$0x79F8];
	_ =	sdelay $0x2  }
0xe7: {  	p1 =	sgt.u32 s29, $0x270F0  }
0xe8: {  	s2 =	sand.u32 @!p1 $0x3FFF8, s29  }
0xe9: {  	s3 =	sadd.s32 $0x108, s0;
	[tilespmem:s0+$0x178] =	vst.add.f32.msk $0xffff, v1;
	s0 =	sadd.s32 @!p1 s1, s2;
	s2 =	sand.u32 @!p1 $0x7, s29  }
0xea: {  	[hbm4b:s0+s2] =	stream.linear.scatter @!p1 [tilespmem:s3], [sflag:$0xC], $0x80, $0x38;
	[tilespmem:$0x1F6F8] =	vst v63  }
0xeb: {  	s0 =	simm.s32 $0x0  }
0xec: {  	s0 =	simm.s32 @!p1 $0x200  }
0xed: {  	s31 =	sadd.s32 s0, s31  }
.LBB2_16:
0xee: {  	s0 =	sadd.s32 $0x1, s22  }
0xef: {  	s2 =	smulhi.u32 $0x88888889, s0;
	_ =	sdelay $0x1  }
0xf0: {  	v1 =	vld [tilespmem:s25+$0xFFFFFFC0];
	s2 =	sshrl.u32 s2, $0x7  }
0xf1: {  	s2 =	smul.u32 $0xF0, s2;
	_ =	sdelay $0x1  }
0xf2: {  	s22 =	ssub.s32 s0, s2  }
0xf3: {  	s0 =	sshll.u32 s22, $0x7  }
0xf4: {  	[tilespmem:s0+$0x108] =	vst v1  }
0xf5: {  	v1 =	vld [tilespmem:s25+$0xFFFFFFD0];
	_ =	sdelay $0x4  }
0xf6: {  	[tilespmem:s0+$0x118] =	vst v1  }
0xf7: {  	v1 =	vld [tilespmem:s25+$0xFFFFFFE0];
	_ =	sdelay $0x4  }
0xf8: {  	[tilespmem:s0+$0x128] =	vst v1  }
0xf9: {  	v1 =	vld [tilespmem:s25+$0xFFFFFFF0];
	_ =	sdelay $0x4  }
0xfa: {  	[tilespmem:s0+$0x138] =	vst v1  }
0xfb: {  	v1 =	vld [tilespmem:s25+$0x0];
	_ =	sdelay $0x4  }
0xfc: {  	[tilespmem:s0+$0x148] =	vst v1  }
0xfd: {  	v1 =	vld [tilespmem:s25+$0x10];
	_ =	sdelay $0x4  }
0xfe: {  	[tilespmem:s0+$0x158] =	vst v1  }
0xff: {  	v1 =	vld [tilespmem:s25+$0x20];
	_ =	sdelay $0x4  }
0x100: {  	[tilespmem:s0+$0x168] =	vst v1  }
0x101: {  	v1 =	vld [tilespmem:s25+$0x30]  }
.Ltmp15:
0x102: {  	_ = 	snop;
	(pc) =	sbr.rel .LBB2_17-.Ltmp15, $2  }
0x103: {  	_ =	sdelay $0x2  }
0x104: {  	s28 =	sadd.s32 $0x1, s28;
	[tilespmem:s0+$0x178] =	vst v1  }
.LBB2_19:
.Ltmp16:
0x105: {  	(pc) =	sbr.rel .LBB2_20-.Ltmp16, $4  }
0x106: {  	_ = 	snop  }
0x107: {  	s0 =	simm.s32 $0x2  }
0x108: {  	_ =	swait.ge [sflag:s0], $0x0  }
0x109: {  	s30 =	smov.u32 s29;
	[sflag:s0] =	ssyncset.done $0x0;
	s0 =	simm.s32 $0x0  }
.LBB2_22:
0x10a: {  	_ =	sfence.sel $0x180000  }
0x10b: {  	s0 =	simm.s32 $0x9;
	[bflag:$0x0] =	sbarrier.arrive $0xFFFF  }
0x10c: {  	s24 =	simm.s32 $0xA;
	[sflag:s0] =	ssyncpa.u1 $0x1  }
0x10d: {  	s25 =	simm.s32 $0xB;
	[sflag:s24] =	ssyncpa.u1 $0x1  }
0x10e: {  	s26 =	simm.s32 $0x2;
	[sflag:s25] =	ssyncpa.u1 $0x1  }
0x10f: {  	[sflag:s26] =	ssyncpa.u1 $0x1  }
0x110: {  	v0 =	vld [tilespmem:$0xF208];
	_ =	sdelay $0x4  }
0x111: {  	(v2sf) =	vpush v0, $0x0  }
0x112: {  	(v2sf) =	vpush v0, $0x1;
	_ =	sdelay $0x1  }
0x113: {  	(v2sf) =	vpush v0, $0x2;
	_ =	sdelay $0xb  }
0x114: {  	s0 =	spop (v2sf)  }
0x115: {  	s2 =	spop (v2sf)  }
0x116: {  	s3 =	smov.u32 s0;
	p0 =	sne.s32 s0, s2  }
0x117: {  	s4 =	spop (v2sf);
	s3 =	simm.s32 @!p0 $0xFFFFFFFF  }
0x118: {  	v2 =	vimm.s32 $0x1;
	v3 =	vlaneseq.u32;
	p0 =	seq.s32 s4, $0xFFFFFFFF;
	v1 =	vmov s3  }
0x119: {  	s16 =	stileid.u32;
	v0 =	vperm.xlane v0, v2;
	p1 =	sne.s32 @!p0 s0, s2;
	v1 =	vperm.xlane v1, v3  }
0x11a: {  	vm0 =	vcmask $0x3F04;
	s6 =	simm.s32 $0xF208;
	s0 =	simm.s32 @!p0 $0x1;
	p1 =	por !p1, p0  }
0x11b: {  	s3 =	sshll.u32 s16, $0x1;
	s2 =	sshll.u32 @!p0 s4, $0x9;
	s0 =	simm.s32 @p1 $0x0;
	v0 =	vsel vm0, v1, v0  }
0x11c: {  	s5 =	sor.u32 $0x1000, s3;
	s2 =	sshra.s32 @!p0 s2, $0x2;
	s0 =	sor.u32 @!p0 s0, s3;
	[tilespmem:$0xF208] =	vst v0  }
0x11d: {  	[spmem:s5] =	stream.linear.scatter [tilespmem:s6], [sflag:$0x1], $0x2, $0x38;
	[tilespmem:$0x1F6F8] =	vst v63  }
0x11e: {  	s2 =	sadd.s32 @!p0 $0x108, s2;
	s0 =	sshll.u32 @!p0 s0, $0x7  }
0x11f: {  	[spmem:s0] =	stream.linear.scatter @!p0 [tilespmem:s2], [sflag:$0x1], $0x80, $0x38;
	[tilespmem:$0x1F6F8] =	vst v63  }
0x120: {  	s0 =	simm.s32 @!p0 $0x82  }
0x121: {  	s28 =	simm.s32 $0x1;
	s0 =	simm.s32 @p0 $0x2  }
0x122: {  	_ =	swait.ge [sflag:s28], s0  }
0x123: {  	s0 =	ssub.s32 $0x0, s0;
	[sflag:s28] =	ssyncset.done $0x0  }
0x124: {  	p0 =	sne.s32 s16, $0x0;
	[sflag:s28] =	ssyncadd.s32 s0  }
.Ltmp17:
0x125: {  	_ =	sfence.stream.spmem;
	(pc) =	sbr.rel @p0 .LBB2_39-.Ltmp17, $4  }
0x126: {  	s29 =	simm.s32 $0x3;
	[bflag:$0x0] =	sbarrier.arrive $0xFFFF  }
0x127: {  	s30 =	simm.s32 $0x4;
	[sflag:s29] =	ssyncpa.u1 $0x1  }
0x128: {  	s31 =	simm.s32 $0x3C;
	[sflag:s30] =	ssyncpa.u1 $0x1  }
0x129: {  	s15 =	rddreg [dreg:$0x5];
	[sflag:s31] =	ssyncpa.u1 $0x1  }
0x12a: {  	_ =	sfence.stream.spmem;
	s0 =	simm.s32 $0x5  }
0x12b: {  	s2 =	simm.s32 $0x1000;
	s3 =	simm.s32 $0xF218;
	[sflag:s0] =	ssyncpa.u1 $0x0  }
0x12c: {  	[tilespmem:s3], [sflag:$0x5] =	stream.linear.gather [spmem:s2], $0x20, $0x38;
	[tilespmem:$0x1F6F8] =	vst v63  }
0x12d: {  	s26 =	simm.s32 $0x0;
	s28 =	simm.s32 $0xF238  }
0x12e: {  	[tilespmem:s28], [sflag:$0x5] =	stream.linear.gather [spmem:s26], $0x1000, $0x38;
	[tilespmem:$0x1F6F8] =	vst v63  }
0x12f: {  	_ =	swait.ge [sflag:s0], $0x1020  }
0x130: {  	[sflag:s0] =	ssyncset.done $0x0  }
0x131: {  	s29 =	simm.s32 $0x0;
	[sflag:s0] =	ssyncadd.s32 $0xFFFFEFE0  }
0x132: {  	v0 =	vld.msk [tilespmem:s29+$0xF218], $0x1;
	_ =	sdelay $0x1  }
0x133: {  	s30 =	simm.s32 $0x1  }
0x134: {  	v1 =	vld.msk [tilespmem:s30+$0xF218], $0x1;
	_ =	sdelay $0x1  }
0x135: {  	(v2sf) =	vpush v0, $0x0;
	_ =	sdelay $0x2  }
0x136: {  	(v2sf) =	vpush v1, $0x0;
	_ =	sdelay $0x2  }
0x137: {  	s31 =	simm.s32 $0x2  }
0x138: {  	v0 =	vld.msk [tilespmem:s31+$0xF218], $0x1;
	_ =	sdelay $0x2  }
0x139: {  	s4 =	simm.s32 $0xFFFFFFFF;
	s5 =	simm.s32 $0xFFFFFFFF;
	s0 =	simm.s32 $0xC  }
.LBB2_24:
0x13a: {  	s2 =	smov.u32 s5;
	s3 =	smov.u32 s4  }
0x13b: {  	s4 =	sshra.s32 s0, $0x2;
	p1 =	sne.s32 s0, $0x7C;
	s0 =	sadd.s32 $0x4, s0;
	(v2sf) =	vpush v0, $0x0  }
0x13c: {  	v0 =	vld.msk [tilespmem:s4+$0xF218], $0x1  }
.Ltmp18:
0x13d: {  	(pc) =	sbr.rel @p1 .LBB2_24-.Ltmp18, $4  }
0x13e: {  	s5 =	spop (v2sf)  }
0x13f: {  	p2 =	sne.s32 s3, $0xFFFFFFFF;
	s4 =	smov.u32 s5  }
0x140: {  	p3 =	seq.s32 s5, $0xFFFFFFFF;
	s4 =	smov.u32 @p2 s3  }
0x141: {  	s5 =	smov.u32 @p3 s2;
	s4 =	smov.u32 @p3 s3  }
0x142: {  	(v2sf) =	vpush v0, $0x0;
	_ =	sdelay $0x8  }
0x143: {  	s0 =	spop (v2sf)  }
0x144: {  	p1 =	sne.s32 s4, $0xFFFFFFFF;
	s2 =	smov.u32 s0  }
0x145: {  	s9 =	simm.s32 $0x6;
	p2 =	seq.s32 s0, $0xFFFFFFFF;
	s2 =	smov.u32 @p1 s4  }
0x146: {  	s6 =	simm.s32 $0x0;
	s2 =	smov.u32 @p2 s4;
	s3 =	spop (v2sf)  }
0x147: {  	s0 =	smov.u32 @p2 s5;
	p1 =	sne.s32 s2, $0xFFFFFFFF;
	s4 =	smov.u32 s3  }
.Ltmp19:
0x148: {  	p2 =	seq.s32 s3, $0xFFFFFFFF;
	s4 =	smov.u32 @p1 s2;
	(pc) =	sbr.rel .LBB2_26-.Ltmp19, $4  }
0x149: {  	s10 =	simm.s32 $0xF188;
	s4 =	smov.u32 @p2 s2;
	s7 =	spop (v2sf)  }
0x14a: {  	s11 =	simm.s32 $0x0;
	p1 =	sne.s32 s4, $0xFFFFFFFF;
	s8 =	smov.u32 s7  }
0x14b: {  	s3 =	smov.u32 @p2 s0;
	p2 =	seq.s32 s7, $0xFFFFFFFF;
	s8 =	smov.u32 @p1 s4  }
0x14c: {  	[sflag:s9] =	ssyncpa.u1 $0x0;
	s7 =	smov.u32 @p2 s3;
	s8 =	smov.u32 @p2 s4  }
.LBB2_32:
0x14d: {  	p1 =	sgt.u32 s12, $0x270F0  }
0x14e: {  	p2 =	seq.s32 @!p1 s12, s8  }
0x14f: {  	p1 =	por p1, p2  }
0x150: {  	p2 =	sne.s32 @!p1 s12, s7  }
0x151: {  	p1 =	por p1, !p2  }
0x152: {  	s0 =	sshll.u32 @p1 s11, $0x9  }
0x153: {  	s0 =	sand.u32 @!p1 $0x3FFF8, s12  }
0x154: {  	s2 =	sand.u32 @!p1 $0x7, s12;
	s0 =	sadd.s32 @!p1 s1, s0  }
0x155: {  	[tilespmem:s10], [sflag:$0x6] =	stream.linear.gather @!p1 [hbm4b:s0+s2], $0x80, $0x38;
	[tilespmem:$0x1F6F8] =	vst v63  }
0x156: {  	_ =	swait.ge @!p1 [sflag:s9], $0x80  }
0x157: {  	[sflag:s9] =	ssyncset.done @!p1 $0x0  }
0x158: {  	[sflag:s9] =	ssyncadd.s32 @!p1 $0xFFFFFF80  }
0x159: {  	v1 =	vld @!p1 [tilespmem:$0xF188];
	_ =	sdelay $0x2  }
0x15a: {  	s0 =	sshll.u32 @!p1 s11, $0x9  }
0x15b: {  	s2 =	sshrl.u32 @!p1 s0, $0x2  }
0x15c: {  	[tilespmem:s2+$0xF238] =	vst.add.f32.msk @!p1 $0xffff, v1  }
0x15d: {  	v1 =	vld @!p1 [tilespmem:$0xF198];
	_ =	sdelay $0x4  }
0x15e: {  	[tilespmem:s2+$0xF248] =	vst.add.f32.msk @!p1 $0xffff, v1  }
0x15f: {  	v1 =	vld @!p1 [tilespmem:$0xF1A8];
	_ =	sdelay $0x4  }
0x160: {  	[tilespmem:s2+$0xF258] =	vst.add.f32.msk @!p1 $0xffff, v1  }
0x161: {  	v1 =	vld @!p1 [tilespmem:$0xF1B8];
	_ =	sdelay $0x4  }
0x162: {  	[tilespmem:s2+$0xF268] =	vst.add.f32.msk @!p1 $0xffff, v1  }
0x163: {  	v1 =	vld @!p1 [tilespmem:$0xF1C8];
	_ =	sdelay $0x4  }
0x164: {  	[tilespmem:s2+$0xF278] =	vst.add.f32.msk @!p1 $0xffff, v1  }
0x165: {  	v1 =	vld @!p1 [tilespmem:$0xF1D8];
	_ =	sdelay $0x4  }
0x166: {  	[tilespmem:s2+$0xF288] =	vst.add.f32.msk @!p1 $0xffff, v1  }
0x167: {  	v1 =	vld @!p1 [tilespmem:$0xF1E8];
	_ =	sdelay $0x4  }
0x168: {  	[tilespmem:s2+$0xF298] =	vst.add.f32.msk @!p1 $0xffff, v1  }
0x169: {  	v1 =	vld @!p1 [tilespmem:$0xF1F8];
	_ =	sdelay $0x4  }
0x16a: {  	[tilespmem:s2+$0xF2A8] =	vst.add.f32.msk @!p1 $0xffff, v1  }
0x16b: {  	s0 =	sshrl.u32 s0, $0x2;
	[tilespmem:s6+$0xF218] =	vst.msk $0x1, v0  }
0x16c: {  	v0 =	vld [tilespmem:s0+$0xF238];
	_ =	sdelay $0x2  }
0x16d: {  	s31 =	sshll.u32 s6, $0x9  }
0x16e: {  	s2 =	sshra.s32 s31, $0x2  }
0x16f: {  	[tilespmem:s2+$0xF238] =	vst v0  }
0x170: {  	v0 =	vld [tilespmem:s0+$0xF248];
	_ =	sdelay $0x4  }
0x171: {  	[tilespmem:s2+$0xF248] =	vst v0  }
0x172: {  	v0 =	vld [tilespmem:s0+$0xF258];
	_ =	sdelay $0x4  }
0x173: {  	[tilespmem:s2+$0xF258] =	vst v0  }
0x174: {  	v0 =	vld [tilespmem:s0+$0xF268];
	_ =	sdelay $0x4  }
0x175: {  	[tilespmem:s2+$0xF268] =	vst v0  }
0x176: {  	v0 =	vld [tilespmem:s0+$0xF278];
	_ =	sdelay $0x4  }
0x177: {  	[tilespmem:s2+$0xF278] =	vst v0  }
0x178: {  	v0 =	vld [tilespmem:s0+$0xF288];
	_ =	sdelay $0x4  }
0x179: {  	[tilespmem:s2+$0xF288] =	vst v0  }
0x17a: {  	v0 =	vld [tilespmem:s0+$0xF298];
	_ =	sdelay $0x4  }
0x17b: {  	[tilespmem:s2+$0xF298] =	vst v0  }
0x17c: {  	v0 =	vld [tilespmem:s0+$0xF2A8];
	_ =	sdelay $0x4  }
0x17d: {  	s6 =	sadd.s32 $0x1, s6;
	[tilespmem:s2+$0xF2A8] =	vst v0  }
.LBB2_33:
0x17e: {  	s11 =	sadd.s32 $0x1, s11  }
0x17f: {  	p1 =	sne.s32 s11, $0x20  }
.Ltmp20:
0x180: {  	_ = 	snop;
	(pc) =	sbr.rel @!p1 .LBB2_34-.Ltmp20, $1  }
0x181: {  	_ =	sdelay $0x3  }
.LBB2_26:
0x182: {  	v0 =	vld.msk [tilespmem:s11+$0xF218], $0x1;
	_ =	sdelay $0x4  }
0x183: {  	(v2sf) =	vpush v0, $0x0;
	_ =	sdelay $0xe  }
0x184: {  	s12 =	spop (v2sf)  }
0x185: {  	p1 =	seq.s32 s12, $0xFFFFFFFF  }
.Ltmp21:
0x186: {  	_ = 	snop;
	(pc) =	sbr.rel @p1 .LBB2_33-.Ltmp21, $1  }
0x187: {  	_ =	sdelay $0x3  }
0x188: {  	p1 =	slt.s32 s6, $0x1  }
.Ltmp22:
0x189: {  	_ = 	snop;
	(pc) =	sbr.rel @p1 .LBB2_32-.Ltmp22, $1  }
0x18a: {  	_ =	sdelay $0x3  }
0x18b: {  	s13 =	simm.s32 $0xF218;
	p1 =	por $0x0, $0x0  }
0x18c: {  	v1 =	vld.msk @!p1 [tilespmem:s13+$0x0], $0x1;
	_ =	sdelay $0x4  }
0x18d: {  	(v2sf) =	vpush @!p1 v1, $0x0;
	_ =	sdelay $0xd  }
0x18e: {  	p3 =	sne.s32 s6, $0x1  }
.Ltmp23:
0x18f: {  	s0 =	spop @!p1 (v2sf);
	(pc) =	sbr.rel @!p3 .LBB2_30-.Ltmp23, $4  }
0x190: {  	p2 =	seq.s32 @!p1 s12, s0  }
0x191: {  	s14 =	simm.s32 $0x0;
	p2 =	por !p2, p1  }
0x192: {  	s2 =	simm.s32 $0xFFFFFFFF;
	s14 =	simm.s32 @p2 $0xFFFFFFFF  }
0x193: {  	s0 =	simm.s32 $0x1;
	s14 =	smov.u32 @p1 s2  }
.LBB2_29:
0x194: {  	s2 =	smov.u32 s14;
	p1 =	sne.s32 s14, $0xFFFFFFFF  }
0x195: {  	s13 =	sadd.s32 $0x1, s13;
	s14 =	smov.u32 s0;
	s0 =	sadd.s32 $0x1, s0  }
0x196: {  	p2 =	sne.s32 s6, s0;
	v1 =	vld.msk @!p1 [tilespmem:s13+$0x0], $0x1;
	_ =	sdelay $0x4  }
0x197: {  	(v2sf) =	vpush @!p1 v1, $0x0;
	_ =	sdelay $0xe  }
.Ltmp24:
0x198: {  	s3 =	spop @!p1 (v2sf);
	(pc) =	sbr.rel @p2 .LBB2_29-.Ltmp24, $4  }
0x199: {  	p3 =	seq.s32 @!p1 s12, s3  }
0x19a: {  	p3 =	por !p3, p1  }
0x19b: {  	s14 =	simm.s32 @p3 $0xFFFFFFFF  }
0x19c: {  	s14 =	smov.u32 @p1 s2  }
.LBB2_30:
0x19d: {  	p1 =	seq.s32 s14, $0xFFFFFFFF  }
.Ltmp25:
0x19e: {  	_ = 	snop;
	(pc) =	sbr.rel @p1 .LBB2_32-.Ltmp25, $1  }
0x19f: {  	_ =	sdelay $0x3  }
0x1a0: {  	s0 =	sshll.u32 s11, $0x7  }
0x1a1: {  	s0 =	sand.u32 $0x3FFFFF80, s0  }
0x1a2: {  	v0 =	vld [tilespmem:s0+$0xF238];
	_ =	sdelay $0x2  }
0x1a3: {  	s2 =	sshll.u32 s14, $0x9  }
0x1a4: {  	s2 =	sshra.s32 s2, $0x2  }
0x1a5: {  	[tilespmem:s2+$0xF238] =	vst.add.f32.msk $0xffff, v0  }
0x1a6: {  	v0 =	vld [tilespmem:s0+$0xF248];
	_ =	sdelay $0x4  }
0x1a7: {  	[tilespmem:s2+$0xF248] =	vst.add.f32.msk $0xffff, v0  }
0x1a8: {  	v0 =	vld [tilespmem:s0+$0xF258];
	_ =	sdelay $0x4  }
0x1a9: {  	[tilespmem:s2+$0xF258] =	vst.add.f32.msk $0xffff, v0  }
0x1aa: {  	v0 =	vld [tilespmem:s0+$0xF268];
	_ =	sdelay $0x4  }
0x1ab: {  	[tilespmem:s2+$0xF268] =	vst.add.f32.msk $0xffff, v0  }
0x1ac: {  	v0 =	vld [tilespmem:s0+$0xF278];
	_ =	sdelay $0x4  }
0x1ad: {  	[tilespmem:s2+$0xF278] =	vst.add.f32.msk $0xffff, v0  }
0x1ae: {  	v0 =	vld [tilespmem:s0+$0xF288];
	_ =	sdelay $0x4  }
0x1af: {  	[tilespmem:s2+$0xF288] =	vst.add.f32.msk $0xffff, v0  }
0x1b0: {  	v0 =	vld [tilespmem:s0+$0xF298];
	_ =	sdelay $0x4  }
0x1b1: {  	[tilespmem:s2+$0xF298] =	vst.add.f32.msk $0xffff, v0  }
0x1b2: {  	v0 =	vld [tilespmem:s0+$0xF2A8]  }
.Ltmp26:
0x1b3: {  	_ = 	snop;
	(pc) =	sbr.rel .LBB2_33-.Ltmp26, $2  }
0x1b4: {  	_ =	sdelay $0x2  }
0x1b5: {  	[tilespmem:s2+$0xF2A8] =	vst.add.f32.msk $0xffff, v0  }
.LBB2_34:
0x1b6: {  	s0 =	simm.s32 $0x6;
	p1 =	seq.s32 s6, $0x0  }
0x1b7: {  	[sflag:s0] =	ssyncpa.u1 $0x1;
	v0 =	vimm.s32 @p1 $0xFFFFFFFF  }
0x1b8: {  	s9 =	sadd.s32 $0xFFFFFFFF, s6;
	[tilespmem:$0x10238] =	vst @p1 v0  }
0x1b9: {  	v0 =	vld.msk @!p1 [tilespmem:s9+$0xF218], $0x1;
	_ =	sdelay $0x1  }
0x1ba: {  	v1 =	vld.msk @!p1 [tilespmem:$0xF218], $0x1;
	_ =	sdelay $0x2  }
0x1bb: {  	p2 =	seq.s32 @!p1 s9, $0x0;
	v0 =	vbroadcast @!p1 v0, $0x0  }
0x1bc: {  	vm0 =	vmmov @!p1 $0x1;
	p2 =	por !p2, p1  }
0x1bd: {  	v1 =	vnsel @!p1 vm0, $0xFFFFFFFF, v1;
	vm0 =	vcmask @!p1 $0x308;
	v0 =	vpsel !p2, $0xFFFFFFFF, v0  }
0x1be: {  	p2 =	sne.s32 @!p1 s8, s7;
	v0 =	vsel @!p1 vm0, v1, v0  }
0x1bf: {  	s0 =	simm.s32 @!p1 $0xF238;
	s2 =	simm.s32 @!p1 $0x0;
	p3 =	por !p2, p1;
	[tilespmem:$0x10238] =	vst @!p1 v0  }
0x1c0: {  	[spmem:s2] =	stream.linear.scatter @!p1 [tilespmem:s0], [sflag:$0x1], $0x80, $0x38;
	[tilespmem:$0x1F6F8] =	vst v63  }
0x1c1: {  	s0 =	sshll.u32 @!p3 s9, $0x9  }
0x1c2: {  	s0 =	sshra.s32 @!p3 s0, $0x2  }
0x1c3: {  	s2 =	simm.s32 @!p3 $0x80;
	s0 =	sadd.s32 @!p3 $0xF238, s0  }
0x1c4: {  	[spmem:s2] =	stream.linear.scatter @!p3 [tilespmem:s0], [sflag:$0x1], $0x80, $0x38;
	[tilespmem:$0x1F6F8] =	vst v63  }
0x1c5: {  	s0 =	simm.s32 @!p3 $0x1  }
0x1c6: {  	_ =	swait.ge @!p3 [sflag:s0], $0x100  }
0x1c7: {  	p1 =	por p2, p1;
	[sflag:s0] =	ssyncset.done @!p3 $0x0  }
0x1c8: {  	[sflag:s0] =	ssyncadd.s32 @!p3 $0xFFFFFF00;
	s0 =	simm.s32 @!p1 $0x1  }
0x1c9: {  	_ =	swait.ge @!p1 [sflag:s0], $0x80  }
0x1ca: {  	s29 =	simm.s32 $0x10238;
	[sflag:s0] =	ssyncset.done @!p1 $0x0  }
0x1cb: {  	s30 =	simm.s32 $0x1000;
	s31 =	simm.s32 $0x1;
	[sflag:s0] =	ssyncadd.s32 @!p1 $0xFFFFFF80  }
0x1cc: {  	[spmem:s30] =	stream.linear.scatter [tilespmem:s29], [sflag:$0x1], $0x10, $0x38;
	[tilespmem:$0x1F6F8] =	vst v63  }
0x1cd: {  	_ =	swait.ge [sflag:s31], $0x10  }
0x1ce: {  	[sflag:s31] =	ssyncset.done $0x0  }
0x1cf: {  	p1 =	seq.s32 s15, $0x0;
	s8 =	rddreg [dreg:$0x2];
	[sflag:s31] =	ssyncadd.s32 $0xFFFFFFF0  }
0x1d0: {  	s2 =	sshll.u32 @p1 s8, $0xE;
	s7 =	rddreg [dreg:$0x3]  }
0x1d1: {  	s0 =	sadd.s32 @p1 $0x15C3C, s2;
	s2 =	sshll.u32 @p1 s7, $0x11  }
0x1d2: {  	_ =	sfence.stream.spmem;
	s0 =	sor.u32 @p1 s2, s0  }
0x1d3: {  	[sflag:s0] =	ssyncadd.remote.s32 @p1 $0x1;
	s0 =	simm.s32 @p1 $0x4  }
0x1d4: {  	s3 =	simm.s32 @!p1 $0x3C;
	s2 =	sand.u32 $0xFFFFFFFE, s8;
	_ =	swait.ge @p1 [sflag:s0], $0x22  }
0x1d5: {  	s4 =	simm.s32 @!p1 $0x0;
	s2 =	sadd.s32 @!p1 $0x4, s2;
	[sflag:s0] =	ssyncset.done @p1 $0x0  }
0x1d6: {  	s5 =	simm.s32 @!p1 $0x100;
	[sflag:s0] =	ssyncadd.s32 @p1 $0xFFFFFFDE;
	s0 =	sshll.u32 @!p1 s2, $0x1A  }
0x1d7: {  	s2 =	sshll.u32 @!p1 s2, $0xD;
	s0 =	sor.u32 @!p1 s0, s7;
	_ =	swait.eq @!p1 [sflag:s3], $0x1  }
0x1d8: {  	s2 =	sor.u32 @!p1 $0x1C04, s2;
	s3 =	simm.s32 @!p1 $0x1C03;
	s0 =	sor.u32 @!p1 $0x80004000, s0  }
0x1d9: {  	[spmem:s5], [sflag:s2] =	dma.general @!p1 [spmem:s4], [sflag:s3], length:$0x20, [dreg:$0x0], stride_count:$0x0, ici_dest:s0, dma_misc:DstOpCode:WRITE  }
0x1da: {  	p2 =	slt.s32 s9, $0x2;
	s4 =	simm.s32 @!p1 $0x200;
	s5 =	simm.s32 @!p1 $0x202  }
0x1db: {  	[spmem:s5], [sflag:s2] =	dma.general @!p1 [spmem:s4], [sflag:s3], length:$0x2, [dreg:$0x0], stride_count:$0x0, ici_dest:s0, dma_misc:DstOpCode:WRITE  }
.Ltmp27:
0x1dc: {  	s0 =	simm.s32 @!p1 $0x3;
	(pc) =	sbr.rel @p2 .LBB2_38-.Ltmp27, $4  }
0x1dd: {  	s2 =	sshll.u32 @!p1 s8, $0xE;
	_ =	swait.ge @!p1 [sflag:s0], $0x22  }
0x1de: {  	s3 =	sshll.u32 @!p1 s7, $0x11;
	s2 =	sadd.s32 @!p1 $0x11C3C, s2;
	[sflag:s0] =	ssyncset.done @!p1 $0x0  }
0x1df: {  	[sflag:s0] =	ssyncadd.s32 @!p1 $0xFFFFFFDE;
	s0 =	sor.u32 @!p1 s3, s2  }
0x1e0: {  	[sflag:s0] =	ssyncadd.remote.s32 @!p1 $0xFFFFFFFF;
	s0 =	simm.s32 $0x0  }
0x1e1: {  	s0 =	simm.s32 $0xF219  }
0x1e2: {  	v0 =	vld.msk [tilespmem:s0+$0x0], $0x1;
	_ =	sdelay $0x4  }
0x1e3: {  	(v2sf) =	vpush v0, $0x0;
	_ =	sdelay $0xb  }
0x1e4: {  	s31 =	sadd.s32 $0xFFFFFFFE, s6  }
0x1e5: {  	s0 =	sadd.s32 $0xFFFFFFFF, s31  }
0x1e6: {  	p2 =	sne.s32 s0, $0x0  }
.Ltmp28:
0x1e7: {  	s2 =	spop (v2sf);
	(pc) =	sbr.rel @!p2 .LBB2_37-.Ltmp28, $4  }
0x1e8: {  	s4 =	simm.s32 $0xF2B8;
	s7 =	simm.s32 $0x0;
	p1 =	sgt.u32 s2, $0x270F0  }
0x1e9: {  	s5 =	simm.s32 $0x0;
	s6 =	simm.s32 $0xF21A;
	s3 =	sand.u32 @!p1 $0x3FFF8, s2  }
0x1ea: {  	s2 =	sand.u32 @!p1 $0x7, s2;
	s7 =	simm.s32 @!p1 $0x200;
	s3 =	sadd.s32 @!p1 s1, s3  }
0x1eb: {  	[hbm4b:s3+s2] =	stream.linear.scatter @!p1 [tilespmem:s4], [sflag:$0x5], $0x80, $0x38;
	[tilespmem:$0x1F6F8] =	vst v63  }
.LBB2_36:
0x1ec: {  	v0 =	vld.msk [tilespmem:s6+$0x0], $0x1;
	s0 =	sadd.s32 $0xFFFFFFFF, s0;
	s5 =	sadd.s32 s5, s7  }
0x1ed: {  	p1 =	sne.s32 s0, $0x0;
	_ =	sdelay $0x3  }
0x1ee: {  	(v2sf) =	vpush v0, $0x0;
	_ =	sdelay $0xe  }
.Ltmp29:
0x1ef: {  	s2 =	spop (v2sf);
	(pc) =	sbr.rel @p1 .LBB2_36-.Ltmp29, $4  }
0x1f0: {  	s7 =	simm.s32 $0x0;
	p2 =	sgt.u32 s2, $0x270F0  }
0x1f1: {  	s4 =	sadd.s32 $0x80, s4;
	s7 =	simm.s32 @!p2 $0x200;
	s3 =	sand.u32 @!p2 $0x3FFF8, s2  }
0x1f2: {  	s6 =	sadd.s32 $0x1, s6;
	s2 =	sand.u32 @!p2 $0x7, s2;
	s3 =	sadd.s32 @!p2 s1, s3  }
0x1f3: {  	[hbm4b:s3+s2] =	stream.linear.scatter @!p2 [tilespmem:s4], [sflag:$0x5], $0x80, $0x38;
	[tilespmem:$0x1F6F8] =	vst v63  }
.LBB2_37:
0x1f4: {  	s0 =	sadd.s32 s5, s7  }
0x1f5: {  	s0 =	sshrl.u32 s0, $0x2  }
.LBB2_38:
0x1f6: {  	s2 =	simm.s32 $0x5  }
0x1f7: {  	_ =	swait.ge [sflag:s2], s0  }
0x1f8: {  	s31 =	ssub.s32 $0x0, s0;
	[sflag:s2] =	ssyncset.done $0x0  }
0x1f9: {  	[sflag:s2] =	ssyncadd.s32 s31  }
0x1fa: {  	[sflag:s2] =	ssyncpa.u1 $0x1  }
.LBB2_39:
0x1fb: {  	s0 =	sor.u32 s15, s16  }
0x1fc: {  	p1 =	sne.s32 s0, $0x0  }
.Ltmp30:
0x1fd: {  	_ = 	snop;
	(pc) =	sbr.rel @p1 .LBB2_54-.Ltmp30, $3  }
0x1fe: {  	_ =	sdelay $0x1  }
0x1ff: {  	[bflag:$0x0] =	sbarrier.arrive $0xFFFF  }
0x200: {  	_ =	sfence  }
0x201: {  	s0 =	simm.s32 $0x7  }
0x202: {  	s2 =	simm.s32 $0x1000;
	s3 =	simm.s32 $0xF218;
	[sflag:s0] =	ssyncpa.u1 $0x0  }
0x203: {  	[tilespmem:s3], [sflag:$0x7] =	stream.linear.gather [spmem:s2], $0x20, $0x38;
	[tilespmem:$0x1F6F8] =	vst v63  }
0x204: {  	s30 =	simm.s32 $0xF238;
	s2 =	simm.s32 $0x0  }
0x205: {  	[tilespmem:s30], [sflag:$0x7] =	stream.linear.gather [spmem:s2], $0x1000, $0x38;
	[tilespmem:$0x1F6F8] =	vst v63  }
.Ltmp31:
0x206: {  	_ = 	snop;
	(pc) =	sbr.rel .LBB2_41-.Ltmp31, $4  }
0x207: {  	_ =	swait.ge [sflag:s0], $0x1020  }
0x208: {  	[sflag:s0] =	ssyncset.done $0x0  }
0x209: {  	s31 =	simm.s32 $0x8;
	[sflag:s0] =	ssyncadd.s32 $0xFFFFEFE0  }
0x20a: {  	s3 =	simm.s32 $0x0;
	[sflag:s31] =	ssyncpa.u1 $0x0  }
.LBB2_47:
0x20b: {  	p1 =	slt.u32 s4, $0x270F1  }
0x20c: {  	s0 =	sand.u32 @p1 $0x3FFF8, s4  }
0x20d: {  	s4 =	sand.u32 @p1 $0x7, s4;
	s5 =	simm.s32 @p1 $0xF188;
	s0 =	sadd.s32 @p1 s1, s0  }
0x20e: {  	[tilespmem:s5], [sflag:$0x8] =	stream.linear.gather @p1 [hbm4b:s0+s4], $0x80, $0x38;
	[tilespmem:$0x1F6F8] =	vst v63  }
0x20f: {  	s0 =	simm.s32 @p1 $0x8  }
0x210: {  	_ =	swait.ge @p1 [sflag:s0], $0x80  }
0x211: {  	[sflag:s0] =	ssyncset.done @p1 $0x0  }
0x212: {  	[sflag:s0] =	ssyncadd.s32 @p1 $0xFFFFFF80  }
0x213: {  	v1 =	vld @p1 [tilespmem:$0xF188];
	_ =	sdelay $0x2  }
0x214: {  	s0 =	sshll.u32 @p1 s3, $0x9  }
0x215: {  	s4 =	sshrl.u32 @p1 s0, $0x2  }
0x216: {  	[tilespmem:s4+$0xF238] =	vst.add.f32.msk @p1 $0xffff, v1  }
0x217: {  	v1 =	vld @p1 [tilespmem:$0xF198];
	_ =	sdelay $0x4  }
0x218: {  	[tilespmem:s4+$0xF248] =	vst.add.f32.msk @p1 $0xffff, v1  }
0x219: {  	v1 =	vld @p1 [tilespmem:$0xF1A8];
	_ =	sdelay $0x4  }
0x21a: {  	[tilespmem:s4+$0xF258] =	vst.add.f32.msk @p1 $0xffff, v1  }
0x21b: {  	v1 =	vld @p1 [tilespmem:$0xF1B8];
	_ =	sdelay $0x4  }
0x21c: {  	[tilespmem:s4+$0xF268] =	vst.add.f32.msk @p1 $0xffff, v1  }
0x21d: {  	v1 =	vld @p1 [tilespmem:$0xF1C8];
	_ =	sdelay $0x4  }
0x21e: {  	[tilespmem:s4+$0xF278] =	vst.add.f32.msk @p1 $0xffff, v1  }
0x21f: {  	v1 =	vld @p1 [tilespmem:$0xF1D8];
	_ =	sdelay $0x4  }
0x220: {  	[tilespmem:s4+$0xF288] =	vst.add.f32.msk @p1 $0xffff, v1  }
0x221: {  	v1 =	vld @p1 [tilespmem:$0xF1E8];
	_ =	sdelay $0x4  }
0x222: {  	[tilespmem:s4+$0xF298] =	vst.add.f32.msk @p1 $0xffff, v1  }
0x223: {  	v1 =	vld @p1 [tilespmem:$0xF1F8];
	_ =	sdelay $0x3  }
0x224: {  	s5 =	sshll.u32 @!p1 s3, $0x9  }
0x225: {  	s5 =	smov.u32 @p1 s0;
	[tilespmem:s4+$0xF2A8] =	vst.add.f32.msk @p1 $0xffff, v1  }
0x226: {  	s0 =	sshrl.u32 s5, $0x2;
	[tilespmem:s2+$0xF218] =	vst.msk $0x1, v0  }
0x227: {  	v0 =	vld [tilespmem:s0+$0xF238];
	_ =	sdelay $0x2  }
0x228: {  	s31 =	sshll.u32 s2, $0x9  }
0x229: {  	s4 =	sshra.s32 s31, $0x2  }
0x22a: {  	[tilespmem:s4+$0xF238] =	vst v0  }
0x22b: {  	v0 =	vld [tilespmem:s0+$0xF248];
	_ =	sdelay $0x4  }
0x22c: {  	[tilespmem:s4+$0xF248] =	vst v0  }
0x22d: {  	v0 =	vld [tilespmem:s0+$0xF258];
	_ =	sdelay $0x4  }
0x22e: {  	[tilespmem:s4+$0xF258] =	vst v0  }
0x22f: {  	v0 =	vld [tilespmem:s0+$0xF268];
	_ =	sdelay $0x4  }
0x230: {  	[tilespmem:s4+$0xF268] =	vst v0  }
0x231: {  	v0 =	vld [tilespmem:s0+$0xF278];
	_ =	sdelay $0x4  }
0x232: {  	[tilespmem:s4+$0xF278] =	vst v0  }
0x233: {  	v0 =	vld [tilespmem:s0+$0xF288];
	_ =	sdelay $0x4  }
0x234: {  	[tilespmem:s4+$0xF288] =	vst v0  }
0x235: {  	v0 =	vld [tilespmem:s0+$0xF298];
	_ =	sdelay $0x4  }
0x236: {  	[tilespmem:s4+$0xF298] =	vst v0  }
0x237: {  	v0 =	vld [tilespmem:s0+$0xF2A8];
	_ =	sdelay $0x4  }
0x238: {  	s2 =	sadd.s32 $0x1, s2;
	[tilespmem:s4+$0xF2A8] =	vst v0  }
.LBB2_48:
0x239: {  	s3 =	sadd.s32 $0x1, s3  }
0x23a: {  	p1 =	sne.s32 s3, $0x20  }
.Ltmp32:
0x23b: {  	_ = 	snop;
	(pc) =	sbr.rel @!p1 .LBB2_49-.Ltmp32, $1  }
0x23c: {  	_ =	sdelay $0x3  }
.LBB2_41:
0x23d: {  	v0 =	vld.msk [tilespmem:s3+$0xF218], $0x1;
	_ =	sdelay $0x4  }
0x23e: {  	(v2sf) =	vpush v0, $0x0;
	_ =	sdelay $0xe  }
0x23f: {  	s4 =	spop (v2sf)  }
0x240: {  	p1 =	seq.s32 s4, $0xFFFFFFFF  }
.Ltmp33:
0x241: {  	_ = 	snop;
	(pc) =	sbr.rel @p1 .LBB2_48-.Ltmp33, $1  }
0x242: {  	_ =	sdelay $0x3  }
0x243: {  	p1 =	slt.s32 s2, $0x1  }
.Ltmp34:
0x244: {  	_ = 	snop;
	(pc) =	sbr.rel @p1 .LBB2_47-.Ltmp34, $1  }
0x245: {  	_ =	sdelay $0x3  }
0x246: {  	s5 =	simm.s32 $0xF218;
	p1 =	por $0x0, $0x0  }
0x247: {  	v1 =	vld.msk @!p1 [tilespmem:s5+$0x0], $0x1;
	_ =	sdelay $0x4  }
0x248: {  	(v2sf) =	vpush @!p1 v1, $0x0;
	_ =	sdelay $0xd  }
0x249: {  	p3 =	sne.s32 s2, $0x1  }
.Ltmp35:
0x24a: {  	s0 =	spop @!p1 (v2sf);
	(pc) =	sbr.rel @!p3 .LBB2_45-.Ltmp35, $4  }
0x24b: {  	p2 =	seq.s32 @!p1 s4, s0  }
0x24c: {  	s6 =	simm.s32 $0x0;
	p2 =	por !p2, p1  }
0x24d: {  	s7 =	simm.s32 $0xFFFFFFFF;
	s6 =	simm.s32 @p2 $0xFFFFFFFF  }
0x24e: {  	s0 =	simm.s32 $0x1;
	s6 =	smov.u32 @p1 s7  }
.LBB2_44:
0x24f: {  	s7 =	smov.u32 s6;
	p1 =	sne.s32 s6, $0xFFFFFFFF  }
0x250: {  	s5 =	sadd.s32 $0x1, s5;
	s6 =	smov.u32 s0;
	s0 =	sadd.s32 $0x1, s0  }
0x251: {  	p2 =	sne.s32 s2, s0;
	v1 =	vld.msk @!p1 [tilespmem:s5+$0x0], $0x1;
	_ =	sdelay $0x4  }
0x252: {  	(v2sf) =	vpush @!p1 v1, $0x0;
	_ =	sdelay $0xe  }
.Ltmp36:
0x253: {  	s8 =	spop @!p1 (v2sf);
	(pc) =	sbr.rel @p2 .LBB2_44-.Ltmp36, $4  }
0x254: {  	p3 =	seq.s32 @!p1 s4, s8  }
0x255: {  	p3 =	por !p3, p1  }
0x256: {  	s6 =	simm.s32 @p3 $0xFFFFFFFF  }
0x257: {  	s6 =	smov.u32 @p1 s7  }
.LBB2_45:
0x258: {  	p1 =	seq.s32 s6, $0xFFFFFFFF  }
.Ltmp37:
0x259: {  	_ = 	snop;
	(pc) =	sbr.rel @p1 .LBB2_47-.Ltmp37, $1  }
0x25a: {  	_ =	sdelay $0x3  }
0x25b: {  	s0 =	sshll.u32 s3, $0x7  }
0x25c: {  	s0 =	sand.u32 $0x3FFFFF80, s0  }
0x25d: {  	v0 =	vld [tilespmem:s0+$0xF238];
	_ =	sdelay $0x2  }
0x25e: {  	s4 =	sshll.u32 s6, $0x9  }
0x25f: {  	s4 =	sshra.s32 s4, $0x2  }
0x260: {  	[tilespmem:s4+$0xF238] =	vst.add.f32.msk $0xffff, v0  }
0x261: {  	v0 =	vld [tilespmem:s0+$0xF248];
	_ =	sdelay $0x4  }
0x262: {  	[tilespmem:s4+$0xF248] =	vst.add.f32.msk $0xffff, v0  }
0x263: {  	v0 =	vld [tilespmem:s0+$0xF258];
	_ =	sdelay $0x4  }
0x264: {  	[tilespmem:s4+$0xF258] =	vst.add.f32.msk $0xffff, v0  }
0x265: {  	v0 =	vld [tilespmem:s0+$0xF268];
	_ =	sdelay $0x4  }
0x266: {  	[tilespmem:s4+$0xF268] =	vst.add.f32.msk $0xffff, v0  }
0x267: {  	v0 =	vld [tilespmem:s0+$0xF278];
	_ =	sdelay $0x4  }
0x268: {  	[tilespmem:s4+$0xF278] =	vst.add.f32.msk $0xffff, v0  }
0x269: {  	v0 =	vld [tilespmem:s0+$0xF288];
	_ =	sdelay $0x4  }
0x26a: {  	[tilespmem:s4+$0xF288] =	vst.add.f32.msk $0xffff, v0  }
0x26b: {  	v0 =	vld [tilespmem:s0+$0xF298];
	_ =	sdelay $0x4  }
0x26c: {  	[tilespmem:s4+$0xF298] =	vst.add.f32.msk $0xffff, v0  }
0x26d: {  	v0 =	vld [tilespmem:s0+$0xF2A8]  }
.Ltmp38:
0x26e: {  	_ = 	snop;
	(pc) =	sbr.rel .LBB2_48-.Ltmp38, $2  }
0x26f: {  	_ =	sdelay $0x2  }
0x270: {  	[tilespmem:s4+$0xF2A8] =	vst.add.f32.msk $0xffff, v0  }
.LBB2_49:
0x271: {  	p1 =	slt.s32 s2, $0x1  }
.Ltmp39:
0x272: {  	_ = 	snop;
	(pc) =	sbr.rel @p1 .LBB2_53-.Ltmp39, $3  }
0x273: {  	_ =	sdelay $0x1  }
0x274: {  	s0 =	simm.s32 $0x8  }
0x275: {  	s3 =	simm.s32 $0x0;
	[sflag:s0] =	ssyncpa.u1 $0x1  }
0x276: {  	s0 =	simm.s32 $0xF218  }
0x277: {  	v0 =	vld.msk [tilespmem:s0+$0x0], $0x1;
	_ =	sdelay $0x4  }
0x278: {  	(v2sf) =	vpush v0, $0x0;
	_ =	sdelay $0xe  }
0x279: {  	s0 =	sadd.s32 $0xFFFFFFFF, s2;
	s5 =	spop (v2sf)  }
0x27a: {  	p2 =	sne.s32 s0, $0x0;
	p1 =	sgt.u32 s5, $0x270F0  }
.Ltmp40:
0x27b: {  	s6 =	sand.u32 @!p1 $0x3FFF8, s5;
	(pc) =	sbr.rel @!p2 .LBB2_52-.Ltmp40, $4  }
0x27c: {  	s4 =	simm.s32 $0xF238;
	s5 =	sand.u32 @!p1 $0x7, s5;
	s2 =	sadd.s32 @!p1 s1, s6  }
0x27d: {  	[hbm4b:s2+s5] =	stream.linear.scatter @!p1 [tilespmem:s4], [sflag:$0x7], $0x80, $0x38;
	[tilespmem:$0x1F6F8] =	vst v63  }
0x27e: {  	s5 =	simm.s32 $0x0  }
0x27f: {  	s2 =	simm.s32 $0xF219;
	s5 =	simm.s32 @!p1 $0x200  }
.LBB2_51:
0x280: {  	v0 =	vld.msk [tilespmem:s2+$0x0], $0x1;
	s0 =	sadd.s32 $0xFFFFFFFF, s0;
	s3 =	sadd.s32 s3, s5  }
0x281: {  	p1 =	sne.s32 s0, $0x0;
	_ =	sdelay $0x3  }
0x282: {  	(v2sf) =	vpush v0, $0x0;
	_ =	sdelay $0xe  }
.Ltmp41:
0x283: {  	s6 =	spop (v2sf);
	(pc) =	sbr.rel @p1 .LBB2_51-.Ltmp41, $4  }
0x284: {  	s5 =	simm.s32 $0x0;
	p2 =	sgt.u32 s6, $0x270F0  }
0x285: {  	s4 =	sadd.s32 $0x80, s4;
	s5 =	simm.s32 @!p2 $0x200;
	s7 =	sand.u32 @!p2 $0x3FFF8, s6  }
0x286: {  	s2 =	sadd.s32 $0x1, s2;
	s6 =	sand.u32 @!p2 $0x7, s6;
	s7 =	sadd.s32 @!p2 s1, s7  }
0x287: {  	[hbm4b:s7+s6] =	stream.linear.scatter @!p2 [tilespmem:s4], [sflag:$0x7], $0x80, $0x38;
	[tilespmem:$0x1F6F8] =	vst v63  }
.LBB2_52:
0x288: {  	s0 =	sadd.s32 s3, s5  }
0x289: {  	s3 =	sshrl.u32 s0, $0x2  }
.LBB2_53:
0x28a: {  	s0 =	simm.s32 $0x7  }
0x28b: {  	_ =	swait.ge [sflag:s0], s3  }
0x28c: {  	s1 =	ssub.s32 $0x0, s3;
	[sflag:s0] =	ssyncset.done $0x0  }
0x28d: {  	[sflag:s0] =	ssyncadd.s32 s1  }
0x28e: {  	[sflag:s0] =	ssyncpa.u1 $0x1  }
.LBB2_54:
0x28f: {  	_ =	sfence;
	s0 =	simm.s32 $0x1  }
0x290: {  	[sflag:s0] =	ssyncpa.u1 $0x1  }
0x291: {  	_ =	strace $0x90000059  }
0x292: {  	[bflag:$0x2] =	sbarrier.arrive $0xFFFF  }
0x293: {  	s0 =	rddreg [dreg:$0x4]  }
0x294: {  	s0 =	sadd.s32 @!p0 $0x100000, s0  }
0x295: {  	[sflag:s0] =	ssyncadd.tile.s32 @!p0 $0x1;
	_ =	shalt  }
.Lfunc_end2:
_tile_overlayer_lowered:
.L_overlay_start_2:
0x296: {  	(tag) =	ssettag $0x2  }
0x297: {  	s0 =	rddreg [dreg:$0x0];
	s2 =	stileid.u32  }
0x298: {  	s1 =	rddreg [dreg:$0x1];
	p0 =	sne.s32 s2, $0x0  }
0x299: {  	s3 =	rddreg [dreg:$0x2];
	[bflag:$0x3] =	sbarrier.arrive $0xFFFF;
	s2 =	simm.s32 @!p0 $0x1C01  }
0x29a: {  	[timem:s3], [sflag:s2] =	dma.local @!p0 [hbm:s0], s1  }
0x29b: {  	s0 =	simm.s32 @!p0 $0x1  }
0x29c: {  	_ =	swait.ge @!p0 [sflag:s0], s1  }
0x29d: {  	s1 =	ssub.s32 @!p0 $0x0, s1;
	[sflag:s0] =	ssyncset.done @!p0 $0x0  }
0x29e: {  	[sflag:s0] =	ssyncadd.s32 @!p0 s1  }
0x29f: {  	[bflag:$0x3] =	sbarrier.arrive $0xFFFF  }
0x2a0: {  	_ =	shalt  }

// kernel: scatter_offload_async_start
scs
__scs_entry_jumppad:
0x0: {  	(pc) =	sbr.rel $0x88, $3  }
0x1: {  	(tag) =	ssettag $0x0;
	lr =	simm.s32 $0x1  }
0x2: {  	[smem:$0x3F9B] =	sst lr;
	_ =	strace $0xD0000000  }
0x3: {  	_ = 	snop  }
0x4: {  	_ = 	snop  }
0x5: {  	_ = 	snop  }
0x6: {  	_ = 	snop  }
0x7: {  	_ = 	snop  }
__scs_overlays_trampoline_lowered:
0x8: {  	[smem:$0x3FAA] =	sst s0  }
0x9: {  	[smem:$0x3FAB] =	sst s1  }
0xa: {  	[smem:$0x3FAC] =	sst s2  }
0xb: {  	[smem:$0x3FAD] =	sst s3  }
0xc: {  	[smem:$0x3FAE] =	sst s4  }
0xd: {  	[smem:$0x3FAF] =	sst s5  }
0xe: {  	[smem:$0x3FB0] =	sst s6  }
0xf: {  	[smem:$0x3FB1] =	sst s7  }
0x10: {  	[smem:$0x3FB2] =	sst s8  }
0x11: {  	[smem:$0x3FB3] =	sst s9;
	s0 =	simm.s32 @!p0 $0x0  }
0x12: {  	s1 =	sld [smem:$0x3F99];
	s0 =	simm.s32 @p0 $0x1  }
0x13: {  	[smem:$0x3FB4] =	sst s0;
	s0 =	simm.s32 @!p1 $0x0  }
0x14: {  	s2 =	sld [smem:$0x3F98];
	s0 =	simm.s32 @p1 $0x1  }
0x15: {  	[smem:$0x3FB5] =	sst s0;
	s0 =	simm.s32 @!p2 $0x0  }
0x16: {  	s3 =	sld [smem:$0x3FDB];
	s0 =	simm.s32 @p2 $0x1  }
0x17: {  	s4 =	simm.s32 $0x1BF5;
	[smem:$0x3FB7] =	sst s0  }
0x18: {  	s0 =	sld [smem:$0x3F9A];
	_ =	swait.ge [sflag:s4], $0x0  }
0x19: {  	s7 =	sld [smem:$0x3F9B]  }
0x1a: {  	s8 =	sadd.s32 $0xFFFFE003, lr  }
0x1b: {  	s9 =	sadd.s32 $0xFFFFFEF7, lr;
	s5 =	simm.s32 $0xFFFFFFFF;
	p2 =	slt.u32 s8, $0xFFFFF086  }
0x1c: {  	p1 =	slt.u32 s9, $0xF7A;
	s5 =	simm.s32 @!p2 $0x0  }
0x1d: {  	s5 =	simm.s32 @p1 $0x1;
	p0 =	seq.s32 s7, s2  }
0x1e: {  	s7 =	smul.u32 @!p0 $0xF7A, s2;
	p2 =	seq.s32 @!p0 s5, $0x0  }
0x1f: {  	s9 =	smul.u32 $0xF7A, s1;
	s8 =	simm.s32 @!p0 $0x1BF5;
	p2 =	por !p2, p0  }
0x20: {  	[sflag:s8] =	ssyncset.s32 @!p0 $0xFFFFF086;
	s6 =	sadd.s32 @!p0 s3, s7;
	s7 =	simm.s32 @!p0 $0x108  }
0x21: {  	s3 =	sadd.s32 s3, s9;
	s6 =	sadd.s32 @!p0 $0x88, s6;
	s7 =	simm.s32 @p2 $0x1082  }
0x22: {  	[simem:s7], [sflag:s8] =	dma.local @!p0 [hbm:s6], $0xF7A  }
0x23: {  	s9 =	sor.u32 $0xD0000000, s2;
	s6 =	simm.s32 $0x108;
	_ =	swait.ge @!p0 [sflag:s8], $0x0  }
0x24: {  	s3 =	sadd.s32 $0x88, s3;
	s6 =	simm.s32 @!p1 $0x1082;
	[sflag:s4] =	ssyncset.s32 $0xFFFFF086  }
0x25: {  	[simem:s6], [sflag:s4] =	dma.local [hbm:s3], $0xF7A  }
0x26: {  	[smem:$0x3F9B] =	sst s1;
	(tag) =	ssettag s2;
	_ =	strace s9  }
0x27: {  	s1 =	sld [smem:$0x3FAB]  }
0x28: {  	s2 =	sld [smem:$0x3FAC]  }
0x29: {  	s4 =	sld [smem:$0x3FAE]  }
0x2a: {  	p0 =	seq.s32 s5, $0x0;
	s5 =	sld [smem:$0x3FAF]  }
0x2b: {  	s6 =	sld [smem:$0x3FB0]  }
0x2c: {  	s7 =	sld [smem:$0x3FB1]  }
0x2d: {  	s3 =	simm.s32 $0x108;
	s8 =	sld [smem:$0x3FB2]  }
0x2e: {  	s3 =	simm.s32 @!p0 $0x1082;
	s9 =	sld [smem:$0x3FB3]  }
0x2f: {  	lr =	sadd.s32 s0, s3;
	s0 =	sld [smem:$0x3FAA]  }
0x30: {  	s3 =	sld [smem:$0x3FAD]  }
0x31: {  	[smem:$0x3FB6] =	sst s10  }
0x32: {  	s10 =	sld [smem:$0x3FB4];
	_ =	sdelay $0x3  }
0x33: {  	p0 =	seq.s32 s10, $0x1;
	s10 =	sld [smem:$0x3FB6];
	_ =	sdelay $0x3  }
0x34: {  	[smem:$0x3FB6] =	sst s10  }
0x35: {  	s10 =	sld [smem:$0x3FB5];
	_ =	sdelay $0x3  }
0x36: {  	p1 =	seq.s32 s10, $0x1;
	s10 =	sld [smem:$0x3FB6];
	_ =	sdelay $0x3  }
0x37: {  	[smem:$0x3FB6] =	sst s10  }
0x38: {  	s10 =	sld [smem:$0x3FB7]  }
0x39: {  	_ = 	snop;
	(pc) =	sbr.ind lr, $3  }
0x3a: {  	_ = 	snop  }
0x3b: {  	_ = 	snop  }
0x3c: {  	p2 =	seq.s32 s10, $0x1;
	s10 =	sld [smem:$0x3FB6]  }
0x3d: {  	_ =	shalt  }
0x3e: {  	_ =	shalt  }
0x3f: {  	_ =	shalt  }
0x40: {  	_ =	shalt  }
0x41: {  	_ =	shalt  }
0x42: {  	_ =	shalt  }
0x43: {  	_ =	shalt  }
0x44: {  	_ =	shalt  }
0x45: {  	_ =	shalt  }
0x46: {  	_ =	shalt  }
0x47: {  	_ =	shalt  }
0x48: {  	_ =	shalt  }
0x49: {  	_ =	shalt  }
0x4a: {  	_ =	shalt  }
0x4b: {  	_ =	shalt  }
0x4c: {  	_ =	shalt  }
0x4d: {  	_ =	shalt  }
0x4e: {  	_ =	shalt  }
0x4f: {  	_ =	shalt  }
0x50: {  	_ =	shalt  }
0x51: {  	_ =	shalt  }
0x52: {  	_ =	shalt  }
0x53: {  	_ =	shalt  }
0x54: {  	_ =	shalt  }
0x55: {  	_ =	shalt  }
0x56: {  	_ =	shalt  }
0x57: {  	_ =	shalt  }
0x58: {  	_ =	shalt  }
0x59: {  	_ =	shalt  }
0x5a: {  	_ =	shalt  }
0x5b: {  	_ =	shalt  }
0x5c: {  	_ =	shalt  }
0x5d: {  	_ =	shalt  }
0x5e: {  	_ =	shalt  }
0x5f: {  	_ =	shalt  }
0x60: {  	_ =	shalt  }
0x61: {  	_ =	shalt  }
0x62: {  	_ =	shalt  }
0x63: {  	_ =	shalt  }
0x64: {  	_ =	shalt  }
0x65: {  	_ =	shalt  }
0x66: {  	_ =	shalt  }
0x67: {  	_ =	shalt  }
0x68: {  	_ =	shalt  }
0x69: {  	_ =	shalt  }
0x6a: {  	_ =	shalt  }
0x6b: {  	_ =	shalt  }
0x6c: {  	_ =	shalt  }
0x6d: {  	_ =	shalt  }
0x6e: {  	_ =	shalt  }
0x6f: {  	_ =	shalt  }
0x70: {  	_ =	shalt  }
0x71: {  	_ =	shalt  }
0x72: {  	_ =	shalt  }
0x73: {  	_ =	shalt  }
0x74: {  	_ =	shalt  }
0x75: {  	_ =	shalt  }
0x76: {  	_ =	shalt  }
0x77: {  	_ =	shalt  }
0x78: {  	_ =	shalt  }
0x79: {  	_ =	shalt  }
0x7a: {  	_ =	shalt  }
0x7b: {  	_ =	shalt  }
0x7c: {  	_ =	shalt  }
0x7d: {  	_ =	shalt  }
0x7e: {  	_ =	shalt  }
0x7f: {  	_ =	shalt  }
0x80: {  	_ =	shalt  }
0x81: {  	_ =	shalt  }
0x82: {  	_ =	shalt  }
0x83: {  	_ =	shalt  }
0x84: {  	_ =	shalt  }
0x85: {  	_ =	shalt  }
0x86: {  	_ =	shalt  }
0x87: {  	_ =	shalt  }
.Lfunc_end0:
.L_simem_size_0:
called_computation_lowered:
.L_overlay_start_0:
0x88: {  	s0 =	sld [smem:$0x3FD9]  }
0x89: {  	s1 =	sld [smem:$0x3FFE];
	_ =	sdelay $0x3  }
0x8a: {  	s0 =	sadd.s32 s1, s0  }
0x8b: {  	[smem:$0x3FC2] =	sst s0  }
0x8c: {  	_ = 	snop  }
0x8d: {  	(tm) =	ssettm $0x1  }
0x8e: {  	s15 =	sld [smem:$0x3FFB];
	_ =	sdelay $0x3  }
0x8f: {  	_ =	strace s15  }
0x90: {  	s0 =	sld [smem:$0x3FFC];
	_ =	sdelay $0x3  }
0x91: {  	_ =	strace s0  }
0x92: {  	s0 =	sld [smem:$0x3FFD];
	_ =	sdelay $0x3  }
0x93: {  	_ =	strace s0  }
0x94: {  	_ =	strace $0x8FFFFFFF  }
0x95: {  	s16 =	sld [smem:$0x3FDB];
	_ =	sdelay $0x1  }
0x96: {  	s17 =	simm.s32 $_scs_section_size  }
0x97: {  	s2 =	simm.s32 $_size__tile_overlayer_lowered;
	s3 =	simm.s32 $_tile_overlayer_lowered  }
0x98: {  	s20 =	simm.s32 $0x1BFF;
	s19 =	sshll.u32 s3, $0x1;
	s0 =	sadd.s32 s17, s16  }
0x99: {  	s4 =	simm.s32 $0x0;
	s18 =	sshll.u32 s2, $0x1;
	s2 =	sadd.s32 s19, s0  }
0x9a: {  	[timem:s4], [sflag:s20] =	dma.local [hbm:s2], s18  }
0x9b: {  	_ =	swait.ge [sflag:s20], s18  }
0x9c: {  	s1 =	ssub.s32 $0x0, s18;
	[sflag:s20] =	ssyncset.done $0x0  }
0x9d: {  	[sflag:s20] =	ssyncadd.s32 s1;
	_ =	sdelay $0x1  }
0x9e: {  	s21 =	simm.s32 $0x1B8B  }
0x9f: {  	_ =	swait.ge [sflag:s21], $0x1  }
0xa0: {  	[sflag:s21] =	ssyncset.done $0x0  }
0xa1: {  	s23 =	simm.s32 $0x1B8E;
	s22 =	sld [smem:$0x3FFE];
	[sflag:s21] =	ssyncadd.s32 $0xFFFFFFFF  }
0xa2: {  	s24 =	simm.s32 $execute0_lowered;
	[smem:$0x3FD2] =	sst s23  }
0xa3: {  	s2 =	sshll.u32 s24, $0x1;
	_ =	strace $0x80000046;
	[dreg:$0x1] =	wrdreg $0xFFFFFFFF  }
0xa4: {  	s25 =	simm.s32 $_size_execute0_lowered;
	s0 =	sadd.s32 s0, s2;
	[dreg:$0x0] =	wrdreg $0x0  }
0xa5: {  	s2 =	sshll.u32 s25, $0x1;
	[dreg:$0x2] =	wrdreg s0  }
0xa6: {  	[dreg:$0x3] =	wrdreg s2  }
0xa7: {  	[dreg:$0x4] =	wrdreg $0xC0  }
0xa8: {  	_ =	task [dreg:s4], $0x5FFFF  }
0xa9: {  	[dreg:$0x1] =	wrdreg $0xFFFFFFFF  }
0xaa: {  	[dreg:$0x0] =	wrdreg $0x60  }
0xab: {  	[dreg:$0x2] =	wrdreg s22  }
0xac: {  	[dreg:$0x3] =	wrdreg $0x9  }
0xad: {  	_ =	task.clear_ibuf [dreg:s4], $0x4FFFF;
	_ =	strace $0x90000046  }
0xae: {  	s26 =	simm.s32 $0x9;
	_ =	strace $0x80000048  }
0xaf: {  	_ =	swait.ge [sflag:s26], $0x1  }
0xb0: {  	[sflag:s26] =	ssyncadd.s32 $0xFFFFFFFF  }
0xb1: {  	_ =	strace $0x90000048  }
0xb2: {  	_ =	sfence  }
0xb3: {  	s28 =	sld [smem:$0x0];
	_ =	sdelay $0x1  }
0xb4: {  	s29 =	srdreg.scid  }
0xb5: {  	s30 =	sshll.u32 s29, $0xD;
	s31 =	sshrl.u32 s29, $0x2  }
0xb6: {  	s1 =	sand.u32 $0x1, s29;
	s2 =	sand.u32 $0x4000, s30;
	s0 =	sadd.s32 s31, s28  }
0xb7: {  	s1 =	sor.u32 s2, s1;
	s0 =	sshll.u32 s0, $0x11  }
0xb8: {  	s0 =	sor.u32 s0, s1  }
0xb9: {  	s0 =	sadd.s32 $0x8F2B, s0  }
0xba: {  	[sflag:s0] =	ssyncadd.remote.s32 $0x1  }
0xbb: {  	_ =	sfence.sel $0xFFFF  }
0xbc: {  	[dreg:$0x0] =	wrdreg $0xFFFFFFFF;
	(pc) =	sbr.abs _section_cstart, $3  }
0xbd: {  	[dreg:$0x1] =	wrdreg $0xFFFFFFFF  }
0xbe: {  	_ =	task.clear_ibuf [dreg:s4], $0x2FFFF;
	_ =	strace $0x9FFFFFFF  }
0xbf: {  	(tm) =	ssettm $0x7FFFFFFF  }
tec
execute0_lowered:
.L_overlay_start_1:
0x0: {  	(tag) =	ssettag $0x1  }
0x1: {  	s0 =	rddreg [dreg:$0x0];
	_ =	strace $0x80000047;
	s2 =	simm.s32 $0x1  }
0x2: {  	v1 =	vimm.s32 $0xFFFFFFFF;
	[sflag:s2] =	ssyncpa.u1 $0x0  }
0x3: {  	s14 =	stileid.u32;
	[tilespmem:$0x10] =	vst v1  }
0x4: {  	v0 =	vimm.s32 $0x7FFFFFFF;
	s1 =	smin.u32 s14, $0x4;
	[tilespmem:$0x20] =	vst v1  }
0x5: {  	s1 =	sadd.s32 s14, s1;
	[tilespmem:$0x30] =	vst v0  }
0x6: {  	p0 =	slt.u32 s14, $0x4;
	[tilespmem:$0x40] =	vst v0;
	s3 =	smul.u32 $0x1F40, s1;
	s1 =	simm.s32 $0x3E80  }
0x7: {  	[tilespmem:$0x50] =	vst v0;
	s1 =	simm.s32 @!p0 $0x1F40  }
0x8: {  	[tilespmem:$0x60] =	vst v1;
	s1 =	sadd.s32 s1, s3  }
0x9: {  	s7 =	simm.s32 $0x2;
	s8 =	simm.s32 $0x8;
	[tilespmem:$0x70] =	vst v1;
	s4 =	smin.u32 s1, $0x27100  }
0xa: {  	s31 =	simm.s32 $0x9;
	s16 =	simm.s32 $0x0;
	[tilespmem:$0x80] =	vst v1;
	s6 =	ssub.s32 s4, s3  }
0xb: {  	s17 =	simm.s32 $0xF0;
	s18 =	simm.s32 $0xFFFFFFFF;
	v1 =	vimm.s32 $0x0;
	[tilespmem:$0xB0] =	vst v0;
	p0 =	sgt.s32 s6, $0x0  }
0xc: {  	s19 =	simm.s32 $0xFFFFC280;
	s20 =	simm.s32 $0xFFFFFFFE;
	[tilespmem:$0x90] =	vst v1;
	s6 =	simm.s32 @!p0 $0x0  }
0xd: {  	[tilespmem:$0xA0] =	vst v1;
	[sflag:s7] =	ssyncpa.u1 $0x0;
	s7 =	simm.s32 $0x7;
	s5 =	smulhi.u32 $0x10624DD3, s6  }
0xe: {  	s21 =	simm.s32 $0xF;
	s25 =	simm.s32 $0x0;
	[sflag:s7] =	ssyncpa.u1 $0x0  }
0xf: {  	s24 =	simm.s32 $0x0;
	[sflag:s8] =	ssyncpa.u1 $0x0;
	s9 =	sshrl.u32 s5, $0x9  }
0x10: {  	s23 =	smov.u32 s3;
	s1 =	sadd.s32 $0x2B7E00, s0;
	s10 =	smul.u32 $0x1F40, s9  }
.Ltmp0:
0x11: {  	s5 =	sadd.s32 $0x35E00, s0;
	s0 =	sadd.s32 $0x3AE00, s0;
	(pc) =	sbr.rel .LBB2_1-.Ltmp0, $4  }
0x12: {  	[sflag:s31] =	ssyncpa.u1 $0x0;
	[dreg:$0x2] =	wrdreg s0;
	p0 =	sne.s32 s6, s10  }
0x13: {  	s10 =	sshll.u32 s14, $0x1;
	s14 =	sshllo.u32 s14, $0x1;
	s2 =	simm.s32 @!p0 $0x0  }
0x14: {  	vm0 =	vmmov $0xffff;
	v2 =	vlaneseq.u32;
	s13 =	sor.u32 $0x81, s10;
	s15 =	sor.u32 $0x80, s10;
	s9 =	sadd.s32 s2, s9  }
0x15: {  	vm1 =	vmxor vm1, vm1;
	vm2 =	vmmov $0x1;
	vm3 =	vcmask $0x3F3C;
	p0 =	por $0x0, $0x0;
	s11 =	sadd.s32 $0x1, s9;
	s12 =	sadd.s32 $0x2, s9  }
.LBB2_9:
0x16: {  	p1 =	slt.u32 s24, $0x3  }
0x17: {  	s0 =	simm.s32 @!p1 $0x2  }
0x18: {  	_ =	swait.ge @!p1 [sflag:s0], $0x1F40  }
0x19: {  	[sflag:s0] =	ssyncset.done @!p1 $0x0  }
0x1a: {  	[sflag:s0] =	ssyncadd.s32 @!p1 $0xFFFFE0C0;
	s0 =	simm.s32 @!p1 $0x9  }
0x1b: {  	_ =	swait.ge @!p1 [sflag:s0], $0x10  }
0x1c: {  	[sflag:s0] =	ssyncset.done @!p1 $0x0  }
0x1d: {  	[sflag:s0] =	ssyncadd.s32 @!p1 $0xFFFFFFF0;
	p1 =	sne.s32 s24, s12  }
.Ltmp1:
0x1e: {  	s2 =	sadd.s32 $0x1F40, s23;
	(pc) =	sbr.rel @!p1 .LBB2_10-.Ltmp1, $4  }
0x1f: {  	s6 =	smov.u32 s3;
	s31 =	sadd.s32 $0x1, s24;
	s17 =	sadd.s32 $0x1F40, s17  }
0x20: {  	s18 =	sadd.s32 $0x1, s18;
	s25 =	smov.u32 s23;
	p2 =	slt.s32 s2, s4  }
0x21: {  	p0 =	por !p0, !p0;
	s19 =	sadd.s32 $0x1F40, s19;
	s6 =	smov.u32 @p2 s2  }
0x22: {  	s20 =	sadd.s32 $0x1, s20;
	s23 =	smov.u32 s6;
	s24 =	smov.u32 s31  }
.LBB2_1:
0x23: {  	p1 =	sge.u32 s24, s9  }
0x24: {  	s0 =	smulhi.u32 @!p1 $0xAAAAAAAB, s24;
	_ =	sdelay $0x1  }
0x25: {  	s0 =	sshrl.u32 @!p1 s0, $0x1  }
0x26: {  	s0 =	smul.u32 @!p1 $0x3, s0;
	_ =	sdelay $0x1  }
0x27: {  	s0 =	ssub.s32 @!p1 s24, s0  }
0x28: {  	s0 =	smul.u32 @!p1 $0x7D00, s0;
	_ =	sdelay $0x1  }
0x29: {  	s2 =	sshrl.u32 @!p1 s23, $0x3;
	s0 =	sshrl.u32 @!p1 s0, $0x2  }
0x2a: {  	s6 =	sand.u32 @!p1 $0x7, s23;
	s2 =	sadd.s32 @!p1 s5, s2;
	s0 =	sadd.s32 @!p1 $0x100, s0  }
0x2b: {  	[tilespmem:s0], [sflag:$0x7] =	stream.linear.gather @!p1 [hbm4b:s2+s6], $0x1F40, $0x38;
	[tilespmem:$0x11A60] =	vst v63  }
0x2c: {  	s0 =	sadd.s32 $0xFFFFFFFF, s24  }
0x2d: {  	p1 =	sge.u32 s0, s9  }
.Ltmp2:
0x2e: {  	_ = 	snop;
	(pc) =	sbr.rel @p1 .LBB2_5-.Ltmp2, $1  }
0x2f: {  	_ =	sdelay $0x3  }
0x30: {  	s2 =	smulhi.u32 $0xAAAAAAAB, s0;
	_ =	sdelay $0x1  }
0x31: {  	s2 =	sshrl.u32 s2, $0x1  }
0x32: {  	s2 =	smul.u32 $0x3, s2;
	_ =	sdelay $0x1  }
0x33: {  	s2 =	ssub.s32 s0, s2  }
0x34: {  	s2 =	smul.u32 $0x7D00, s2  }
0x35: {  	_ =	swait.ge [sflag:s7], $0x1F40  }
0x36: {  	[sflag:s7] =	ssyncset.done $0x0;
	s2 =	sshrl.u32 s2, $0x2  }
0x37: {  	[sflag:s7] =	ssyncadd.s32 $0xFFFFE0C0;
	(ifvalue) =	ssetifvalue $0xFFFFFFFF;
	v3 =	vld.msk [tilespmem:s2+$0x100 ss:$0x1], $0xffff;
	_ =	sdelay $0x2  }
0x38: {  	s30 =	smulhi.u32 $0xAAAAAAAB, s18;
	p1 =	sne.s32 s24, $0x1  }
0x39: {  	v4 =	vimm.s32 @!p1 $0x0  }
0x3a: {  	s2 =	sshrl.u32 s30, $0x1;
	v4 =	vperm.xlane @!p1 v3, v4  }
0x3b: {  	s6 =	sshll.u32 s24, $0x4;
	s2 =	smul.u32 $0xFFFE8900, s2;
	vm4 =	vlt.u32 v3, $0x5F5E400  }
0x3c: {  	s6 =	sand.u32 $0x10, s6;
	v3 =	vnsel vm4, $0xFFFFFFFE, v3;
	vm4 =	vlt.u32 @!p1 v4, $0x5F5E400  }
0x3d: {  	s2 =	sshra.s32 s2, $0x2;
	[tilespmem:s6+$0x60] =	vst v3;
	v3 =	vnsel @!p1 vm4, $0xFFFFFFFE, v4  }
0x3e: {  	s26 =	sadd.s32 s2, s17;
	[tilespmem:$0x80] =	vst @!p1 v3  }
0x3f: {  	v3 =	vld.msk [tilespmem:s26+$0x0 ss:$0x1], $0xffff;
	_ =	sdelay $0x4  }
0x40: {  	(xrf1) =	vunique.msk.u32 $0xffff, v3;
	_ =	sdelay $0xd  }
0x41: {  	v4 =	vimm.s32 $0xFFFFFFFF;
	v5, _, _ =	vpop (xrf1)  }
0x42: {  	vm5 =	vne.s32 v3, v4;
	vm4 =	veq.s32 v5, v2  }
0x43: {  	vm6 =	vlt.u32 v3, $0x5F5E400;
	vm4 =	vmand vm5, vm4  }
0x44: {  	vm4 =	vmand vm6, vm4  }
0x45: {  	v4 =	vnsel vm4, $0xFFFFFFFF, v3  }
0x46: {  	s31 =	sand.u32 $0x1, s0  }
0x47: {  	s0 =	simm.s32 $0x1F40;
	p1 =	seq.s32 s31, $0x1  }
0x48: {  	s0 =	simm.s32 @!p1 $0x0  }
0x49: {  	s2 =	sadd.s32 $0x7DF0, s0;
	(ifvalue) =	ssetifvalue $0xFFFFFFFF  }
0x4a: {  	v3 =	vperm.xlane v3, v1;
	[tilespmem:s2], [sflag:$0x8] =	stream.indirect_vreg.gather [hbm4b:s1+s16], $0x1, v4, vm0, $0x4038;
	v4 =	vnsel vm6, $0xFFFFFFFE, v4;
	[tilespmem:$0x11A60] =	vst v63  }
0x4b: {  	s22 =	sadd.s32 $0xFFFFFFF0, s26;
	s6 =	simm.s32 $0x0;
	[tilespmem:s26+$0x0] =	vst v4  }
.LBB2_3:
0x4c: {  	v4 =	vld.msk [tilespmem:s22+$0x0 ss:$0x1], $0xffff;
	s6 =	sadd.s32 $0x10, s6;
	v5 =	vmov v3;
	s26 =	smov.u32 s22  }
0x4d: {  	p1 =	slt.u32 s6, $0x1F30;
	_ =	sdelay $0x4  }
0x4e: {  	v3 =	vperm.xlane v4, v1;
	(xrf1) =	vunique.msk.u32 $0xffff, v4;
	_ =	sdelay $0xd  }
0x4f: {  	v6, _, _ =	vpop (xrf1)  }
0x50: {  	vm5 =	vne.s32 v4, v5;
	vm4 =	veq.s32 v6, v2  }
0x51: {  	vm6 =	vlt.u32 v4, $0x5F5E400;
	vm4 =	vmand vm5, vm4  }
0x52: {  	vm4 =	vmand vm6, vm4  }
0x53: {  	v4 =	vnsel vm4, $0xFFFFFFFF, v4  }
.Ltmp3:
0x54: {  	v5 =	vnsel vm6, $0xFFFFFFFE, v4;
	(pc) =	sbr.rel @p1 .LBB2_3-.Ltmp3, $3  }
0x55: {  	_ =	sdelay $0x1  }
0x56: {  	s22 =	sadd.s32 $0xFFFFFFF0, s22;
	s2 =	sadd.s32 $0xFFFFFFF0, s2;
	(ifvalue) =	ssetifvalue $0xFFFFFFFF  }
0x57: {  	[tilespmem:s2], [sflag:$0x8] =	stream.indirect_vreg.gather [hbm4b:s1+s16], $0x1, v4, vm0, $0x4038;
	[tilespmem:s26+$0x0] =	vst v5  }
0x58: {  	s2 =	sshrl.u32 s25, $0x3;
	s6 =	rddreg [dreg:$0x2]  }
0x59: {  	s0 =	sadd.s32 $0x9D40, s0;
	s2 =	sadd.s32 s6, s2  }
0x5a: {  	[tilespmem:s0], [sflag:$0x8] =	stream.linear.gather [hbm:s2], $0x1F40, $0x38;
	[tilespmem:$0x11A60] =	vst v63  }
.LBB2_5:
0x5b: {  	p1 =	slt.u32 s24, $0x2  }
0x5c: {  	p2 =	sge.u32 @!p1 s24, s12  }
0x5d: {  	p1 =	por p1, p2  }
.Ltmp4:
0x5e: {  	_ = 	snop;
	(pc) =	sbr.rel @p1 .LBB2_9-.Ltmp4, $1  }
0x5f: {  	_ =	sdelay $0x3  }
0x60: {  	s0 =	sadd.s32 $0xFFFFFFFE, s24  }
0x61: {  	s2 =	smulhi.u32 $0xAAAAAAAB, s0;
	_ =	sdelay $0x1  }
0x62: {  	s2 =	sshrl.u32 s2, $0x1  }
0x63: {  	s2 =	smul.u32 $0x3, s2;
	_ =	sdelay $0x1  }
0x64: {  	s0 =	ssub.s32 s0, s2  }
0x65: {  	_ =	swait.ge [sflag:s8], $0x3E80;
	s0 =	smul.u32 $0x1F40, s0  }
0x66: {  	p1 =	sne.s32 s24, s11;
	[sflag:s8] =	ssyncset.done $0x0  }
0x67: {  	[sflag:s8] =	ssyncadd.s32 $0xFFFFC180;
	s2 =	sadd.s32 @!p1 $0x203F, s0  }
0x68: {  	[spmem:s13] =	stream.linear.scatter @!p1 [tilespmem:s2], [sflag:$0x1], $0x1, $0x38;
	[tilespmem:$0x11A60] =	vst v63  }
0x69: {  	s2 =	simm.s32 @!p1 $0x1  }
0x6a: {  	_ =	swait.ge @!p1 [sflag:s2], $0x1  }
0x6b: {  	s6 =	sshll.u32 s24, $0x4;
	[sflag:s2] =	ssyncset.done @!p1 $0x0  }
0x6c: {  	s25 =	sand.u32 $0x10, s6;
	[sflag:s2] =	ssyncadd.s32 @!p1 $0xFFFFFFFF  }
0x6d: {  	s2 =	sxor.u32 $0x10, s25;
	v4 =	vld [tilespmem:s25+$0x10]  }
0x6e: {  	v5 =	vld [tilespmem:s2+$0x60]  }
0x6f: {  	v3 =	vld [tilespmem:$0x80];
	_ =	sdelay $0x2  }
0x70: {  	(v2sf) =	vpush v4, $0x0  }
0x71: {  	(v2sf) =	vpush v5, $0x0  }
0x72: {  	(v2sf) =	vpush v3, $0x0;
	_ =	sdelay $0xc  }
0x73: {  	s26 =	spop (v2sf)  }
0x74: {  	s22 =	spop (v2sf)  }
0x75: {  	s28 =	spop (v2sf)  }
0x76: {  	p3 =	seq.s32 s26, s22;
	p2 =	seq.s32 s28, s26  }
0x77: {  	p2 =	por p3, p2  }
0x78: {  	s26 =	sand.u32 $0x1, s24;
	v4 =	vpsel p2, $0xFFFFFFFF, v4  }
0x79: {  	s29 =	smul.u32 $0x1F40, s26;
	[tilespmem:s25+$0x10] =	vst.msk $0x1, v4  }
0x7a: {  	v4 =	vld [tilespmem:$0x30]  }
0x7b: {  	v5 =	vld [tilespmem:s29+$0x9D40]  }
0x7c: {  	v6 =	vld [tilespmem:s25+$0x40];
	_ =	sdelay $0x3  }
0x7d: {  	vm4 =	vmmov vm1;
	vm6 =	vmmov vm2;
	vm5 =	vlt.s32 v4, v5  }
0x7e: {  	vm4 =	vmmov @p3 vm2;
	s6 =	sshll.u32 s26, $0x4;
	v5 =	vsel vm5, v4, v5;
	vm5 =	vlt.s32 v4, v6  }
0x7f: {  	vm6 =	vmmov @p2 vm1;
	s26 =	sor.u32 $0x11A40, s6;
	v4 =	vsel vm5, v4, v6;
	[tilespmem:s29+$0x9D40] =	vst.msk vm4, v5  }
0x80: {  	[tilespmem:s26+$0x0] =	vst.msk vm6, v4  }
0x81: {  	v4 =	vld [tilespmem:s29+$0x7DF0];
	_ =	sdelay $0x4  }
0x82: {  	v4 =	vshift.insert v4, v1, s21  }
0x83: {  	s22 =	sor.u32 $0x40, s2  }
0x84: {  	v5 =	vimm.s32 $0x7FFFFFFF;
	[tilespmem:s22+$0x0] =	vst.msk $0x1, v4  }
0x85: {  	[tilespmem:s29+$0x7DFF] =	vst.msk $0x1, v5  }
0x86: {  	v4 =	vld [tilespmem:s0+$0x2030];
	_ =	sdelay $0x1  }
0x87: {  	s0 =	simm.s32 $0x1  }
0x88: {  	s22 =	smulhi.u32 $0xAAAAAAAB, s20;
	s0 =	simm.s32 @!p0 $0x0  }
0x89: {  	s0 =	smul.u32 $0x7D00, s0  }
0x8a: {  	s6 =	sshrl.u32 s22, $0x1;
	v4 =	vshift.insert v4, v1, s21  }
0x8b: {  	s6 =	smul.u32 $0xFFFE8900, s6;
	s0 =	sshrl.u32 s0, $0x2  }
0x8c: {  	s22 =	sadd.s32 $0x9D40, s0;
	[tilespmem:s2+$0x10] =	vst.msk $0x1, v4  }
0x8d: {  	s6 =	sshra.s32 s6, $0x2;
	v6 =	vld [tilespmem:s22+$0x0]  }
0x8e: {  	s2 =	sadd.s32 s6, s19  }
0x8f: {  	v7 =	vld [tilespmem:s2+$0x0];
	_ =	sdelay $0x2  }
0x90: {  	vm4 =	vlt.s32 v6, v5  }
0x91: {  	v5 =	vsel vm4, v6, v5  }
0x92: {  	vm4 =	vne.s32 v7, $0xFFFFFFFF;
	v5 =	vxor.u32 $0x80000000, v5  }
0x93: {  	(xrf0) =	vmin.seg.scan.u32 vm4, v5  }
0x94: {  	s6 =	sadd.s32 $0x5EC0, s0  }
0x95: {  	v8 =	vld [tilespmem:s6+$0x0]  }
0x96: {  	v6 =	vld [tilespmem:$0xA0];
	_ =	sdelay $0x2  }
0x97: {  	v5 =	vperm.xlane v4, v1;
	v9, _, _ =	vpop (xrf0)  }
0x98: {  	vm6 =	veq.s32 v7, v3;
	v9 =	vxor.u32 $0x80000000, v9  }
0x99: {  	vm8 =	veq.s32 v7, v5;
	vm5 =	veq.s32 v6, $0x1;
	vm7 =	vlt.s32 v9, v8  }
0x9a: {  	vm8 =	vmor vm8, vm6;
	v6 =	vsel vm7, v9, v8;
	vm7 =	vgt.u32 v7, $0xFFFFFFFD  }
0x9b: {  	v10 =	vld [tilespmem:$0x90];
	vm9 =	vmand vm4, vm3;
	vm4 =	vmor vm5, vm6;
	vm5 =	vmor vm8, vm7  }
0x9c: {  	v8 =	vsel vm5, $0xFFFFFFFF, v7;
	_ =	sdelay $0x1  }
0x9d: {  	s31 =	simm.s32 $0x0  }
0x9e: {  	s30 =	sadd.s32 $0xDBC0, s0;
	s0 =	sadd.s32 $0x10, s22;
	s2 =	sadd.s32 $0x10, s2;
	v11 =	vsel vm9, $0x7FFFFFFF, v9;
	v6 =	vsel vm6, v9, v6  }
0x9f: {  	s22 =	sadd.s32 $0x10, s30;
	s6 =	sadd.s32 $0x10, s6;
	[tilespmem:s30+$0x0] =	vst v6;
	v6 =	vsel vm6, v9, v10;
	v7 =	vshift.insert v11, v0, s21;
	(ifvalue) =	ssetifvalue $0xFFFFFFFF  }
.LBB2_7:
0xa0: {  	[hbm4b:s1+s16] =	stream.indirect_vreg.scatter [tilespmem:s30], [sflag:$0x2], $0x1, v8, vm0, $0x4038;
	[tilespmem:$0x11A60] =	vst v63  }
0xa1: {  	s31 =	sadd.s32 $0x10, s31;
	s30 =	smov.u32 s22;
	v8 =	vld [tilespmem:s0+$0x0]  }
0xa2: {  	p2 =	slt.u32 s31, $0x1F30  }
0xa3: {  	v9 =	vld [tilespmem:s2+$0x0];
	_ =	sdelay $0x2  }
0xa4: {  	vm5 =	vlt.s32 v8, v7  }
0xa5: {  	v7 =	vsel vm5, v8, v7  }
0xa6: {  	vm5 =	vne.s32 v9, $0xFFFFFFFF;
	v7 =	vxor.u32 $0x80000000, v7  }
0xa7: {  	(xrf0) =	vmin.seg.scan.u32 vm5, v7;
	_ =	sdelay $0x2  }
0xa8: {  	v7 =	vld [tilespmem:s6+$0x0];
	_ =	sdelay $0x1  }
0xa9: {  	vm6 =	veq.s32 v9, v3;
	vm7 =	veq.s32 v9, v5  }
0xaa: {  	vm8 =	vgt.u32 v9, $0xFFFFFFFD;
	vm4 =	vmor vm4, vm6;
	vm7 =	vmor vm7, vm6;
	v8, _, _ =	vpop (xrf0)  }
0xab: {  	vm5 =	vmand vm5, vm3;
	vm7 =	vmor vm7, vm8;
	v10 =	vxor.u32 $0x80000000, v8  }
.Ltmp5:
0xac: {  	v8 =	vsel vm7, $0xFFFFFFFF, v9;
	vm7 =	vlt.s32 v10, v7;
	v9 =	vsel vm5, $0x7FFFFFFF, v10;
	(pc) =	sbr.rel @p2 .LBB2_7-.Ltmp5, $4  }
0xad: {  	v6 =	vsel vm6, v10, v6;
	v11 =	vsel vm7, v10, v7;
	v7 =	vshift.insert v9, v0, s21  }
0xae: {  	v9 =	vsel vm6, v10, v11  }
0xaf: {  	s0 =	sadd.s32 $0x10, s0;
	s2 =	sadd.s32 $0x10, s2;
	[tilespmem:s22+$0x0] =	vst v9  }
0xb0: {  	s6 =	sadd.s32 $0x10, s6;
	s22 =	sadd.s32 $0x10, s22;
	(ifvalue) =	ssetifvalue $0xFFFFFFFF  }
0xb1: {  	_ =	sdelay $0x3  }
0xb2: {  	[hbm4b:s1+s16] =	stream.indirect_vreg.scatter [tilespmem:s30], [sflag:$0x2], $0x1, v8, vm0, $0x4038;
	[tilespmem:$0x11A60] =	vst v63  }
0xb3: {  	v3 =	vld [tilespmem:s29+$0xFAF0];
	_ =	sdelay $0x4  }
0xb4: {  	v3 =	vshift.insert v3, v1, s21  }
0xb5: {  	s0 =	simm.s32 $0x30  }
0xb6: {  	[tilespmem:s0+$0x0] =	vst.msk $0x1, v3  }
0xb7: {  	v3 =	vsel vm4, $0x1, v1;
	[tilespmem:$0x90] =	vst v6  }
0xb8: {  	s0 =	sadd.s32 @!p1 $0xFAFF, s29;
	[tilespmem:$0xA0] =	vst v3  }
0xb9: {  	[spmem:s14] =	stream.linear.scatter @!p1 [tilespmem:s0], [sflag:$0x1], $0x1, $0x38;
	[tilespmem:$0x11A60] =	vst v63  }
0xba: {  	s0 =	simm.s32 @!p1 $0x1  }
0xbb: {  	v3 =	vmctz.xlane @!p1 vm4;
	_ =	swait.ge @!p1 [sflag:s0], $0x1  }
0xbc: {  	(v2sf) =	vpush @!p1 v4, $0x0  }
0xbd: {  	(v2sf) =	vpush @!p1 v3, $0x0;
	_ =	sdelay $0xd  }
0xbe: {  	s2 =	spop @!p1 (v2sf)  }
0xbf: {  	s6 =	spop @!p1 (v2sf)  }
0xc0: {  	p2 =	sne.s32 @!p1 s28, s2;
	p3 =	slt.s32 @!p1 s6, $0xF  }
0xc1: {  	[sflag:s0] =	ssyncset.done @!p1 $0x0;
	p2 =	por p2, p1;
	p3 =	por !p3, p1  }
0xc2: {  	[sflag:s0] =	ssyncadd.s32 @!p1 $0xFFFFFFFF;
	v3 =	vimm.s32 @!p2 $0xFFFFFFFF;
	s6 =	simm.s32 @p3 $0xF  }
0xc3: {  	[tilespmem:$0x80] =	vst @!p2 v3;
	s2 =	sadd.s32 @!p1 $0x90, s6  }
0xc4: {  	[spmem:s10] =	stream.linear.scatter @!p1 [tilespmem:s2], [sflag:$0x1], $0x1, $0x38;
	[tilespmem:$0x11A60] =	vst v63  }
0xc5: {  	_ =	swait.ge @!p1 [sflag:s0], $0x1  }
0xc6: {  	[sflag:s0] =	ssyncset.done @!p1 $0x0  }
0xc7: {  	s2 =	simm.s32 @!p1 $0x80;
	[sflag:s0] =	ssyncadd.s32 @!p1 $0xFFFFFFFF  }
0xc8: {  	[spmem:s15] =	stream.linear.scatter @!p1 [tilespmem:s2], [sflag:$0x1], $0x1, $0x38;
	[tilespmem:$0x11A60] =	vst v63  }
0xc9: {  	_ =	swait.ge @!p1 [sflag:s0], $0x1  }
0xca: {  	[sflag:s0] =	ssyncset.done @!p1 $0x0  }
0xcb: {  	[sflag:s0] =	ssyncadd.s32 @!p1 $0xFFFFFFFF;
	(ifvalue) =	ssetifvalue $0xFFFFFFFF;
	v3 =	vld [tilespmem:s25+$0x10];
	_ =	sdelay $0x3  }
.Ltmp6:
0xcc: {  	_ = 	snop;
	(pc) =	sbr.rel .LBB2_9-.Ltmp6, $3  }
0xcd: {  	_ =	sdelay $0x1  }
0xce: {  	(ifvalue) =	ssetifvalue $0xFFFFFFFF  }
0xcf: {  	[hbm4b:s1+s16] =	stream.indirect_vreg.scatter [tilespmem:s26], [sflag:$0x9], $0x1, v3, vm0, $0x4038;
	[tilespmem:$0x11A60] =	vst v63  }
.LBB2_10:
0xd0: {  	_ =	sfence.sel $0x180000  }
0xd1: {  	s0 =	simm.s32 $0x7;
	[bflag:$0x0] =	sbarrier.arrive $0xFFFF  }
0xd2: {  	s26 =	simm.s32 $0x8;
	[sflag:s0] =	ssyncpa.u1 $0x1  }
0xd3: {  	s28 =	simm.s32 $0x9;
	[sflag:s26] =	ssyncpa.u1 $0x1  }
0xd4: {  	[sflag:s28] =	ssyncpa.u1 $0x1  }
0xd5: {  	_ =	sfence.stream.spmem  }
0xd6: {  	s29 =	simm.s32 $0x3;
	[bflag:$0x0] =	sbarrier.arrive $0xFFFF  }
0xd7: {  	s30 =	simm.s32 $0x4;
	[sflag:s29] =	ssyncpa.u1 $0x1  }
0xd8: {  	s31 =	simm.s32 $0x3C;
	s2 =	stileid.u32;
	[sflag:s30] =	ssyncpa.u1 $0x1  }
0xd9: {  	p0 =	sne.s32 s2, $0x0;
	[sflag:s31] =	ssyncpa.u1 $0x1  }
0xda: {  	s0 =	simm.s32 @p0 $0x1;
	_ =	sfence @p0  }
0xdb: {  	[sflag:s0] =	ssyncpa.u1 @p0 $0x1;
	s0 =	simm.s32 @p0 $0x2  }
0xdc: {  	[sflag:s0] =	ssyncpa.u1 @p0 $0x1  }
0xdd: {  	_ =	strace @p0 $0x90000047  }
0xde: {  	[bflag:$0x2] =	sbarrier.arrive @p0 $0xFFFF  }
0xdf: {  	_ =	shalt @p0  }
.LBB2_11:
0xe0: {  	_ =	sfence.stream.spmem;
	s0 =	simm.s32 $0x5  }
0xe1: {  	s2 =	simm.s32 $0x80;
	s3 =	simm.s32 $0xC0;
	[sflag:s0] =	ssyncpa.u1 $0x0  }
0xe2: {  	[tilespmem:s3], [sflag:$0x5] =	stream.linear.gather [spmem:s2], $0x20, $0x38;
	[tilespmem:$0x11A60] =	vst v63  }
0xe3: {  	s30 =	simm.s32 $0xE0;
	s2 =	simm.s32 $0x0  }
0xe4: {  	[tilespmem:s30], [sflag:$0x5] =	stream.linear.gather [spmem:s2], $0x20, $0x38;
	[tilespmem:$0x11A60] =	vst v63  }
.Ltmp7:
0xe5: {  	_ = 	snop;
	(pc) =	sbr.rel .LBB2_12-.Ltmp7, $4  }
0xe6: {  	_ =	swait.ge [sflag:s0], $0x40  }
0xe7: {  	[sflag:s0] =	ssyncset.done $0x0  }
0xe8: {  	s31 =	simm.s32 $0x6;
	[sflag:s0] =	ssyncadd.s32 $0xFFFFFFC0  }
0xe9: {  	s3 =	simm.s32 $0x0;
	[sflag:s31] =	ssyncpa.u1 $0x0  }
.LBB2_17:
0xea: {  	p0 =	sgt.u32 s4, $0x5F5E3FF  }
0xeb: {  	s0 =	sshrl.u32 @!p0 s4, $0x3  }
0xec: {  	s4 =	sand.u32 @!p0 $0x7, s4;
	s5 =	simm.s32 @!p0 $0xB0;
	s0 =	sadd.s32 @!p0 s1, s0  }
0xed: {  	[tilespmem:s5], [sflag:$0x6] =	stream.linear.gather @!p0 [hbm4b:s0+s4], $0x1, $0x38;
	[tilespmem:$0x11A60] =	vst v63  }
0xee: {  	s0 =	simm.s32 @!p0 $0x6  }
0xef: {  	_ =	swait.ge @!p0 [sflag:s0], $0x1  }
0xf0: {  	[sflag:s0] =	ssyncset.done @!p0 $0x0  }
0xf1: {  	[sflag:s0] =	ssyncadd.s32 @!p0 $0xFFFFFFFF  }
0xf2: {  	v1 =	vld.msk @!p0 [tilespmem:$0xB0], $0x1  }
0xf3: {  	v2 =	vld.msk @!p0 [tilespmem:s3+$0xE0], $0x1;
	_ =	sdelay $0x4  }
0xf4: {  	vm0 =	vlt.s32 @!p0 v2, v1  }
0xf5: {  	v1 =	vsel @!p0 vm0, v2, v1  }
0xf6: {  	[tilespmem:s3+$0xE0] =	vst.msk @!p0 $0x1, v1  }
0xf7: {  	[tilespmem:s2+$0xC0] =	vst.msk $0x1, v0  }
0xf8: {  	v0 =	vld.msk [tilespmem:s3+$0xE0], $0x1;
	_ =	sdelay $0x4  }
0xf9: {  	[tilespmem:s2+$0xE0] =	vst.msk $0x1, v0;
	s2 =	sadd.s32 $0x1, s2  }
.LBB2_19:
0xfa: {  	s3 =	sadd.s32 $0x1, s3  }
0xfb: {  	p0 =	sne.s32 s3, $0x20  }
.Ltmp8:
0xfc: {  	_ = 	snop;
	(pc) =	sbr.rel @!p0 .LBB2_20-.Ltmp8, $1  }
0xfd: {  	_ =	sdelay $0x3  }
.LBB2_12:
0xfe: {  	v0 =	vld.msk [tilespmem:s3+$0xC0], $0x1;
	_ =	sdelay $0x4  }
0xff: {  	(v2sf) =	vpush v0, $0x0;
	_ =	sdelay $0xe  }
0x100: {  	s4 =	spop (v2sf)  }
0x101: {  	p0 =	seq.s32 s4, $0xFFFFFFFF  }
.Ltmp9:
0x102: {  	_ = 	snop;
	(pc) =	sbr.rel @p0 .LBB2_19-.Ltmp9, $1  }
0x103: {  	_ =	sdelay $0x3  }
0x104: {  	p0 =	slt.s32 s2, $0x1  }
.Ltmp10:
0x105: {  	_ = 	snop;
	(pc) =	sbr.rel @p0 .LBB2_17-.Ltmp10, $1  }
0x106: {  	_ =	sdelay $0x3  }
0x107: {  	s0 =	simm.s32 $0xC0;
	p0 =	por $0x0, $0x0  }
0x108: {  	v1 =	vld.msk @!p0 [tilespmem:s0+$0x0], $0x1;
	_ =	sdelay $0x4  }
0x109: {  	(v2sf) =	vpush @!p0 v1, $0x0;
	_ =	sdelay $0xd  }
0x10a: {  	p2 =	sne.s32 s2, $0x1  }
.Ltmp11:
0x10b: {  	s5 =	spop @!p0 (v2sf);
	(pc) =	sbr.rel @!p2 .LBB2_16-.Ltmp11, $4  }
0x10c: {  	p1 =	seq.s32 @!p0 s4, s5  }
0x10d: {  	s5 =	simm.s32 $0x0;
	p1 =	por !p1, p0  }
0x10e: {  	s7 =	simm.s32 $0xFFFFFFFF;
	s5 =	simm.s32 @p1 $0xFFFFFFFF  }
0x10f: {  	s6 =	simm.s32 $0x1;
	s5 =	smov.u32 @p0 s7  }
.LBB2_15:
0x110: {  	s7 =	smov.u32 s5;
	p0 =	sne.s32 s5, $0xFFFFFFFF  }
0x111: {  	s0 =	sadd.s32 $0x1, s0;
	s5 =	smov.u32 s6;
	s6 =	sadd.s32 $0x1, s6  }
0x112: {  	p1 =	sne.s32 s2, s6;
	v1 =	vld.msk @!p0 [tilespmem:s0+$0x0], $0x1;
	_ =	sdelay $0x4  }
0x113: {  	(v2sf) =	vpush @!p0 v1, $0x0;
	_ =	sdelay $0xe  }
.Ltmp12:
0x114: {  	s8 =	spop @!p0 (v2sf);
	(pc) =	sbr.rel @p1 .LBB2_15-.Ltmp12, $4  }
0x115: {  	p2 =	seq.s32 @!p0 s4, s8  }
0x116: {  	p2 =	por !p2, p0  }
0x117: {  	s5 =	simm.s32 @p2 $0xFFFFFFFF  }
0x118: {  	s5 =	smov.u32 @p0 s7  }
.LBB2_16:
0x119: {  	p0 =	sne.s32 s5, $0xFFFFFFFF  }
.Ltmp13:
0x11a: {  	_ = 	snop;
	(pc) =	sbr.rel @!p0 .LBB2_17-.Ltmp13, $1  }
0x11b: {  	_ =	sdelay $0x3  }
0x11c: {  	v0 =	vld.msk [tilespmem:s3+$0xE0], $0x1  }
0x11d: {  	v1 =	vld.msk [tilespmem:s5+$0xE0], $0x1;
	_ =	sdelay $0x2  }
.Ltmp14:
0x11e: {  	_ = 	snop;
	(pc) =	sbr.rel .LBB2_19-.Ltmp14, $4  }
0x11f: {  	_ = 	snop  }
0x120: {  	vm0 =	vlt.s32 v1, v0  }
0x121: {  	v0 =	vsel vm0, v1, v0  }
0x122: {  	[tilespmem:s5+$0xE0] =	vst.msk $0x1, v0  }
.LBB2_20:
0x123: {  	p0 =	slt.s32 s2, $0x1  }
.Ltmp15:
0x124: {  	_ = 	snop;
	(pc) =	sbr.rel @p0 .LBB2_24-.Ltmp15, $3  }
0x125: {  	_ =	sdelay $0x1  }
0x126: {  	s0 =	simm.s32 $0x6  }
0x127: {  	s3 =	simm.s32 $0x0;
	[sflag:s0] =	ssyncpa.u1 $0x1  }
0x128: {  	s0 =	simm.s32 $0xC0  }
0x129: {  	v0 =	vld.msk [tilespmem:s0+$0x0], $0x1;
	_ =	sdelay $0x4  }
0x12a: {  	(v2sf) =	vpush v0, $0x0;
	_ =	sdelay $0xe  }
0x12b: {  	s2 =	sadd.s32 $0xFFFFFFFF, s2;
	s4 =	spop (v2sf)  }
0x12c: {  	p1 =	sne.s32 s2, $0x0;
	p0 =	sgt.u32 s4, $0x5F5E3FF  }
.Ltmp16:
0x12d: {  	s5 =	sshrl.u32 @!p0 s4, $0x3;
	(pc) =	sbr.rel @!p1 .LBB2_23-.Ltmp16, $4  }
0x12e: {  	s0 =	simm.s32 $0xE0;
	s4 =	sand.u32 @!p0 $0x7, s4;
	s5 =	sadd.s32 @!p0 s1, s5  }
0x12f: {  	[hbm4b:s5+s4] =	stream.linear.scatter @!p0 [tilespmem:s0], [sflag:$0x5], $0x1, $0x38;
	[tilespmem:$0x11A60] =	vst v63  }
0x130: {  	s5 =	simm.s32 $0x0  }
0x131: {  	s4 =	simm.s32 $0xC1;
	s5 =	simm.s32 @!p0 $0x4  }
.LBB2_22:
0x132: {  	v0 =	vld.msk [tilespmem:s4+$0x0], $0x1;
	s2 =	sadd.s32 $0xFFFFFFFF, s2;
	s3 =	sadd.s32 s3, s5  }
0x133: {  	p0 =	sne.s32 s2, $0x0;
	_ =	sdelay $0x3  }
0x134: {  	(v2sf) =	vpush v0, $0x0;
	_ =	sdelay $0xe  }
.Ltmp17:
0x135: {  	s6 =	spop (v2sf);
	(pc) =	sbr.rel @p0 .LBB2_22-.Ltmp17, $4  }
0x136: {  	s5 =	simm.s32 $0x0;
	p1 =	sgt.u32 s6, $0x5F5E3FF  }
0x137: {  	s0 =	sadd.s32 $0x1, s0;
	s5 =	simm.s32 @!p1 $0x4;
	s7 =	sshrl.u32 @!p1 s6, $0x3  }
0x138: {  	s4 =	sadd.s32 $0x1, s4;
	s6 =	sand.u32 @!p1 $0x7, s6;
	s7 =	sadd.s32 @!p1 s1, s7  }
0x139: {  	[hbm4b:s7+s6] =	stream.linear.scatter @!p1 [tilespmem:s0], [sflag:$0x5], $0x1, $0x38;
	[tilespmem:$0x11A60] =	vst v63  }
.LBB2_23:
0x13a: {  	s0 =	sadd.s32 s3, s5  }
0x13b: {  	s3 =	sshrl.u32 s0, $0x2  }
.LBB2_24:
0x13c: {  	s0 =	simm.s32 $0x5  }
0x13d: {  	_ =	swait.ge [sflag:s0], s3  }
0x13e: {  	s1 =	ssub.s32 $0x0, s3;
	[sflag:s0] =	ssyncset.done $0x0  }
0x13f: {  	[sflag:s0] =	ssyncadd.s32 s1  }
0x140: {  	[sflag:s0] =	ssyncpa.u1 $0x1  }
0x141: {  	s29 =	simm.s32 $0x1;
	_ =	sfence  }
0x142: {  	s30 =	simm.s32 $0x2;
	[sflag:s29] =	ssyncpa.u1 $0x1  }
0x143: {  	[sflag:s30] =	ssyncpa.u1 $0x1  }
0x144: {  	_ =	strace $0x90000047  }
0x145: {  	[bflag:$0x2] =	sbarrier.arrive $0xFFFF  }
0x146: {  	s31 =	rddreg [dreg:$0x1]  }
0x147: {  	s0 =	sadd.s32 $0x100000, s31  }
0x148: {  	[sflag:s0] =	ssyncadd.tile.s32 $0x1;
	_ =	shalt  }
.Lfunc_end2:
_tile_overlayer_lowered:
.L_overlay_start_2:
0x149: {  	(tag) =	ssettag $0x2  }
0x14a: {  	s0 =	rddreg [dreg:$0x0];
	s2 =	stileid.u32  }
0x14b: {  	s1 =	rddreg [dreg:$0x1];
	p0 =	sne.s32 s2, $0x0  }
0x14c: {  	s3 =	rddreg [dreg:$0x2];
	[bflag:$0x3] =	sbarrier.arrive $0xFFFF;
	s2 =	simm.s32 @!p0 $0x1C01  }
0x14d: {  	[timem:s3], [sflag:s2] =	dma.local @!p0 [hbm:s0], s1  }
0x14e: {  	s0 =	simm.s32 @!p0 $0x1  }
0x14f: {  	_ =	swait.ge @!p0 [sflag:s0], s1  }
0x150: {  	s1 =	ssub.s32 @!p0 $0x0, s1;
	[sflag:s0] =	ssyncset.done @!p0 $0x0  }
0x151: {  	[sflag:s0] =	ssyncadd.s32 @!p0 s1  }
0x152: {  	[bflag:$0x3] =	sbarrier.arrive $0xFFFF  }
0x153: {  	_ =	shalt  }

</sc_bundles>
